<compile_context>
chip_gen: v7x
topology: tpu7x:2x2x1
jax: 0.10.2.dev20260603
libtpu: 0.0.44.dev20260713+nightly
codegen_flags: <defaults>
</compile_context>

<pallas_src>
import functools

import jax
import jax.numpy as jnp
from jax import lax
from jax.experimental import pallas as pl
from jax.experimental.pallas import tpu as pltpu
from jax.experimental.pallas import tpu_sc as plsc

N = 10000
E = 320000
D = 128
C = 40
G = 64

NPX = 10112
NCHUNK = 80
EP = 32 * NCHUNK * 128
NW = 32
RPT = NPX // 16
K0 = 120
K1 = 40

_HIGHEST = jax.lax.Precision.HIGHEST



@functools.lru_cache(maxsize=None)
def _sc_mesh():
    return plsc.VectorSubcoreMesh(core_axis_name="c", subcore_axis_name="s")


def _deg_body(dst_hbm, out_hbm, idx_d, ones_v, zeros_v, acc):
    c = lax.axis_index("c")
    s = lax.axis_index("s")
    wid = s * 2 + c
    pltpu.sync_copy(dst_hbm.at[wid], idx_d)
    for k in range(8):
        ones_v[pl.ds(k * 16, 16)] = jnp.ones((16,), jnp.float32)

    def _zfill(t, carry):
        zeros_v[pl.ds(t * 16, 16)] = jnp.zeros((16,), jnp.float32)
        return carry

    lax.fori_loop(0, 40, _zfill, 0)
    base = jnp.minimum(s * RPT, NPX - 640)
    pltpu.sync_copy(zeros_v, acc.at[pl.ds(base, 640)])
    plsc.subcore_barrier()

    def _scat(j, carry):
        pltpu.sync_copy(ones_v, acc.at[idx_d.at[j]], add=True)
        return carry

    lax.fori_loop(0, NCHUNK, _scat, 0)
    plsc.subcore_barrier()
    pltpu.sync_copy(acc.at[pl.ds(base, 640)], zeros_v)
    pltpu.sync_copy(zeros_v, out_hbm.at[pl.ds(c * NPX + base, 640)])


@functools.lru_cache(maxsize=None)
def _deg_kernel():
    return pl.kernel(
        _deg_body,
        out_type=jax.ShapeDtypeStruct((2 * NPX,), jnp.float32),
        mesh=_sc_mesh(),
        scratch_types=[
            pltpu.VMEM((NCHUNK, 128), jnp.int32),
            pltpu.VMEM((128,), jnp.float32),
            pltpu.VMEM((640,), jnp.float32),
            pltpu.VMEM_SHARED((NPX,), jnp.float32),
        ],
    )


def _scatter_body(p_hbm, sd_hbm, out_hbm, idx, rows, acc, gsem, ssem):
    c = lax.axis_index("c")
    s = lax.axis_index("s")
    wid = s * 2 + c

    def _zrow(r, carry):
        for k in range(8):
            rows[r, pl.ds(k * 16, 16)] = jnp.zeros((16,), jnp.float32)
        return carry

    lax.fori_loop(0, 128, _zrow, 0)

    def _zcopy(k, carry):
        pltpu.sync_copy(rows.at[pl.ds(0, 128)],
                        acc.at[pl.ds(s * RPT + k * 128, 128)])
        return carry

    lax.fori_loop(0, 4, _zcopy, 0)
    pltpu.sync_copy(rows.at[pl.ds(0, 120)],
                    acc.at[pl.ds(s * RPT + 512, 120)])
    plsc.subcore_barrier()

    rows_a = rows.at[pl.ds(0, 128)]
    rows_b = rows.at[pl.ds(128, 128)]
    start2 = pl.multiple_of(s * 320 + c * (2 * K0), 8)
    nph = jnp.where(c == 0, K0 // 8, K1 // 8)

    def _phase(ph, carry):
        off = pl.multiple_of(ph * 16, 16)
        pltpu.sync_copy(sd_hbm.at[pl.ds(start2 + off, 16)], idx)

        def _group(j, carry2):
            @pl.when((j > 0) | (ph > 0))
            def _():
                pltpu.make_async_copy(rows, acc.at[pl.ds(0, 256)],
                                      ssem).wait()

            r = j * 4
            pltpu.async_copy(p_hbm.at[idx.at[r]], rows_a, gsem)
            pltpu.async_copy(p_hbm.at[idx.at[r + 2]], rows_b, gsem)
            pltpu.make_async_copy(p_hbm.at[pl.ds(0, 256)], rows, gsem).wait()
            pltpu.async_copy(rows_a, acc.at[idx.at[r + 1]], ssem, add=True)
            pltpu.async_copy(rows_b, acc.at[idx.at[r + 3]], ssem, add=True)
            return carry2

        lax.fori_loop(0, 4, _group, 0)
        return carry

    lax.fori_loop(0, nph, _phase, 0)
    pltpu.make_async_copy(rows, acc.at[pl.ds(0, 256)], ssem).wait()
    plsc.subcore_barrier()

    def _wb(k, carry):
        pltpu.sync_copy(acc.at[pl.ds(s * RPT + k * 128, 128)],
                        out_hbm.at[c, pl.ds(s * RPT + k * 128, 128)])
        return carry

    lax.fori_loop(0, 4, _wb, 0)
    pltpu.sync_copy(acc.at[pl.ds(s * RPT + 512, 120)],
                    out_hbm.at[c, pl.ds(s * RPT + 512, 120)])


@functools.lru_cache(maxsize=None)
def _scatter_kernel():
    return pl.kernel(
        _scatter_body,
        out_type=jax.ShapeDtypeStruct((2, NPX, D), jnp.float32),
        mesh=_sc_mesh(),
        scratch_types=[
            pltpu.VMEM((16, 128), jnp.int32),
            pltpu.VMEM((256, D), jnp.float32),
            pltpu.VMEM_SHARED((NPX, D), jnp.float32),
            pltpu.SemaphoreType.DMA,
            pltpu.SemaphoreType.DMA,
        ],
    )



def _first_body(d0_ref, d1_ref, x_ref, w_ref, p_ref, dinv_ref):
    i = pl.program_id(0)
    deg = d0_ref[...] + d1_ref[...] + 1.0
    row = lax.broadcasted_iota(jnp.int32, (128, 1), 0) + i * 128
    dinv = jnp.where(row < N, lax.rsqrt(deg), 0.0)
    hw = jnp.dot(x_ref[...], w_ref[...],
                 preferred_element_type=jnp.float32, precision=_HIGHEST)
    p_ref[...] = dinv * hw
    dinv_ref[...] = dinv


def _first_call(d0, d1, x, w):
    return pl.pallas_call(
        _first_body,
        grid=(NPX // 128,),
        in_specs=[
            pl.BlockSpec((128, 1), lambda i: (i, 0)),
            pl.BlockSpec((128, 1), lambda i: (i, 0)),
            pl.BlockSpec((128, D), lambda i: (i, 0)),
            pl.BlockSpec((D, D), lambda i: (0, 0)),
        ],
        out_specs=[
            pl.BlockSpec((128, D), lambda i: (i, 0)),
            pl.BlockSpec((128, 1), lambda i: (i, 0)),
        ],
        out_shape=[
            jax.ShapeDtypeStruct((NPX, D), jnp.float32),
            jax.ShapeDtypeStruct((NPX, 1), jnp.float32),
        ],
    )(d0, d1, x, w)


def _mid_body(s_ref, p_ref, dinv_ref, b_ref, w_ref, o_ref):
    dinv = dinv_ref[...]
    h = jnp.maximum(dinv * (s_ref[0] + s_ref[1] + p_ref[...]) + b_ref[...],
                    0.0)
    o_ref[...] = dinv * jnp.dot(h, w_ref[...],
                                preferred_element_type=jnp.float32,
                                precision=_HIGHEST)


def _mid_call(sv, p, dinv, b, w):
    return pl.pallas_call(
        _mid_body,
        grid=(NPX // 128,),
        in_specs=[
            pl.BlockSpec((2, 128, D), lambda i: (0, i, 0)),
            pl.BlockSpec((128, D), lambda i: (i, 0)),
            pl.BlockSpec((128, 1), lambda i: (i, 0)),
            pl.BlockSpec((1, D), lambda i: (0, 0)),
            pl.BlockSpec((D, D), lambda i: (0, 0)),
        ],
        out_specs=pl.BlockSpec((128, D), lambda i: (i, 0)),
        out_shape=jax.ShapeDtypeStruct((NPX, D), jnp.float32),
    )(sv, p, dinv, b, w)


def _final_body(s_ref, p_ref, dinv_ref, b_ref, batch_ref, o_ref,
                acc_ref, cnt_ref):
    i = pl.program_id(0)

    @pl.when(i == 0)
    def _():
        acc_ref[...] = jnp.zeros_like(acc_ref)
        cnt_ref[...] = jnp.zeros_like(cnt_ref)

    h = dinv_ref[...] * (s_ref[0] + s_ref[1] + p_ref[...]) + b_ref[...]
    gids = lax.broadcasted_iota(jnp.int32, (G, 1), 0)
    oh_t = (gids == batch_ref[0]).astype(jnp.float32)
    acc_ref[...] += jnp.dot(oh_t, h, preferred_element_type=jnp.float32,
                            precision=_HIGHEST)
    cnt_ref[...] += jnp.sum(oh_t, axis=1, keepdims=True)

    @pl.when(i == NPX // 128 - 1)
    def _():
        o_ref[...] = acc_ref[...] / jnp.maximum(cnt_ref[...], 1.0)


def _final_call(sv, p, dinv, b, batch3):
    return pl.pallas_call(
        _final_body,
        grid=(NPX // 128,),
        in_specs=[
            pl.BlockSpec((2, 128, D), lambda i: (0, i, 0)),
            pl.BlockSpec((128, D), lambda i: (i, 0)),
            pl.BlockSpec((128, 1), lambda i: (i, 0)),
            pl.BlockSpec((1, D), lambda i: (0, 0)),
            pl.BlockSpec((1, 1, 128), lambda i: (i, 0, 0)),
        ],
        out_specs=pl.BlockSpec((G, D), lambda i: (0, 0)),
        out_shape=jax.ShapeDtypeStruct((G, D), jnp.float32),
        scratch_shapes=[
            pltpu.VMEM((G, D), jnp.float32),
            pltpu.VMEM((G, 1), jnp.float32),
        ],
    )(sv, p, dinv, b, batch3)



def kernel(x, edge_index, batch, W1, b1, W2, b2, W3, b3):
    pad = jnp.full((EP - E,), N, dtype=jnp.int32)
    src3 = jnp.concatenate([edge_index[0], pad]).reshape(NW, NCHUNK, 128)
    dst3 = jnp.concatenate([edge_index[1], pad]).reshape(NW, NCHUNK, 128)
    srcc = src3.reshape(NW * NCHUNK, 128)
    dstc = dst3.reshape(NW * NCHUNK, 128)
    sd3 = jnp.stack([srcc, dstc], axis=1).reshape(2 * NW * NCHUNK, 128)
    xp = jnp.zeros((NPX, D), jnp.float32).at[:N].set(x)
    batch3 = jnp.concatenate(
        [batch, jnp.full((NPX - N,), G, dtype=jnp.int32)]
    ).reshape(NPX // 128, 1, 128)
    w3p = jnp.zeros((D, D), jnp.float32).at[:, :C].set(W3)
    b1r = b1.reshape(1, D)
    b2r = b2.reshape(1, D)
    b3r = jnp.zeros((1, D), jnp.float32).at[0, :C].set(b3)

    degs = _deg_kernel()(dst3)
    d0 = degs[:NPX].reshape(NPX, 1)
    d1 = degs[NPX:].reshape(NPX, 1)

    p1, dinv = _first_call(d0, d1, xp, W1)
    s1 = _scatter_kernel()(p1, sd3)
    p2 = _mid_call(s1, p1, dinv, b1r, W2)
    s2 = _scatter_kernel()(p2, sd3)
    p3 = _mid_call(s2, p2, dinv, b2r, w3p)
    s3 = _scatter_kernel()(p3, sd3)
    out = _final_call(s3, p3, dinv, b3r, batch3)
    return out[:, :C]

# --- scband reference (transcript-rebuilt; emitter-appended) ---
"""Pipeline reference for scband-mpnn-25589415149640 (READ-ONLY COPY).

The authoritative reference and input builder live on the scoring server;
editing this copy changes nothing except your own understanding.
"""

import jax, jax.numpy as jnp
import numpy as np

N = 10000
E = 320000
D = 128
H = 128
C = 40
G = 64


def setup_inputs(seed: int = 0) -> dict:
    key = jax.random.key(seed)
    ks = jax.random.split(key, 10)
    x = jax.random.normal(ks[0], (N, D), dtype=jnp.float32)
    edge_index = jax.random.randint(ks[1], (2, E), 0, N, dtype=jnp.int32)
    batch = jnp.sort(jax.random.randint(ks[2], (N,), 0, G, dtype=jnp.int32))
    W1 = jax.random.normal(ks[3], (D, H), dtype=jnp.float32) * 0.05
    b1 = jnp.zeros((H,), dtype=jnp.float32)
    W2 = jax.random.normal(ks[4], (H, H), dtype=jnp.float32) * 0.05
    b2 = jnp.zeros((H,), dtype=jnp.float32)
    W3 = jax.random.normal(ks[5], (H, C), dtype=jnp.float32) * 0.05
    b3 = jnp.zeros((C,), dtype=jnp.float32)
    return {"x": x, "edge_index": edge_index, "batch": batch,
            "W1": W1, "b1": b1, "W2": W2, "b2": b2, "W3": W3, "b3": b3}


def _gcn_conv(x, edge_index, W, b):
    # GCNConv: add self loops, symmetric normalization, linear transform, scatter-add
    n = x.shape[0]
    loop = jnp.arange(n, dtype=edge_index.dtype)
    src = jnp.concatenate([edge_index[0], loop])
    dst = jnp.concatenate([edge_index[1], loop])
    deg = jax.ops.segment_sum(jnp.ones(src.shape[0], dtype=x.dtype), dst, num_segments=n)
    dinv = jnp.where(deg > 0, 1.0 / jnp.sqrt(deg), 0.0)
    norm = dinv[src] * dinv[dst]
    h = x @ W
    msg = h[src] * norm[:, None]
    out = jax.ops.segment_sum(msg, dst, num_segments=n) + b
    return out


def reference(x, edge_index, batch, W1, b1, W2, b2, W3, b3):
    h = x
    # layer 0 and layer 1: relu(conv(h)) then activation (relu) again, dropout p=0 skipped
    for (W, b) in ((W1, b1), (W2, b2)):
        h = jax.nn.relu(_gcn_conv(h, edge_index, W, b))
        h = jax.nn.relu(h)
    # final layer
    h = _gcn_conv(h, edge_index, W3, b3)
    # scatter_mean over graph ids
    sums = jax.ops.segment_sum(h, batch, num_segments=G)
    cnt = jax.ops.segment_sum(jnp.ones((h.shape[0],), dtype=h.dtype), batch, num_segments=G)
    return sums / jnp.maximum(cnt, 1.0)[:, None]

if __name__ == "__main__":
    import jax
    _d = setup_inputs()
    print(jax.jit(kernel)(*tuple(_d.values())))

</pallas_src>

<mosaic_0001>
#map = affine_map<(d0, d1) -> (0, 0, 0)>
#map1 = affine_map<(d0, d1) -> (0)>
module attributes {stable_mosaic.version = 14 : i64} {
  func.func @_deg_body(%arg0: i32, %arg1: i32, %arg2: memref<32x80x128xi32, #tpu.memory_space<hbm>>, %arg3: memref<20224xf32, #tpu.memory_space<hbm>>, %arg4: memref<80x128xi32, #tpu.memory_space<vmem>>, %arg5: memref<128xf32, #tpu.memory_space<vmem>>, %arg6: memref<640xf32, #tpu.memory_space<vmem>>, %arg7: memref<10112xf32, #tpu.memory_space<vmem_shared>>) attributes {dimension_semantics = [#tpu.dimension_semantics<core_parallel>, #tpu.dimension_semantics<subcore_parallel>], iteration_bounds = array<i64: 2, 16>, scalar_prefetch = 0 : i64, scratch_operands = 4 : i64, tpu.core_type = #tpu.core_type<sc_vector_subcore>, window_params = [{transform_indices = #map}, {transform_indices = #map1}]} {
    %mul3A = arith.constant 2 : i32
    %mul3A_0 = arith.muli %arg1, %mul3A : i32
    %add3A = arith.addi %mul3A_0, %arg0 : i32
    "tpu.region"() ({
      %run_scoped3A = tpu.sem_alloc : memref<!tpu.dma_semaphore, #tpu.memory_space<semaphore_mem>>
      %dma_start3A = arith.constant 0 : i32
      %dma_start3A_65 = arith.constant 0 : i32
      %dma_start3A_66 = tpu.memref_slice %arg2[%add3A, %dma_start3A, %dma_start3A_65] : memref<32x80x128xi32, #tpu.memory_space<hbm>> -> memref<1x80x128xi32, #tpu.memory_space<hbm>>
      %dma_start3A_67 = tpu.memref_squeeze %dma_start3A_66 : memref<1x80x128xi32, #tpu.memory_space<hbm>> -> memref<80x128xi32, #tpu.memory_space<hbm>>
      %dma_start3A_68 = arith.constant 0 : i32
      %dma_start3A_69 = arith.constant 0 : i32
      %dma_start3A_70 = tpu.memref_slice %arg2[%add3A, %dma_start3A_68, %dma_start3A_69] : memref<32x80x128xi32, #tpu.memory_space<hbm>> -> memref<1x80x128xi32, #tpu.memory_space<hbm>>
      %dma_start3A_71 = tpu.memref_squeeze %dma_start3A_70 : memref<1x80x128xi32, #tpu.memory_space<hbm>> -> memref<80x128xi32, #tpu.memory_space<hbm>>
      tpu.enqueue_dma source(%dma_start3A_71 : memref<80x128xi32, #tpu.memory_space<hbm>>) target(%arg4 : memref<80x128xi32, #tpu.memory_space<vmem>>) target_semaphore(%run_scoped3A : memref<!tpu.dma_semaphore, #tpu.memory_space<semaphore_mem>>)
      %dma_wait3A = arith.constant 0 : i32
      %dma_wait3A_72 = arith.constant 0 : i32
      %dma_wait3A_73 = tpu.memref_slice %arg2[%add3A, %dma_wait3A, %dma_wait3A_72] : memref<32x80x128xi32, #tpu.memory_space<hbm>> -> memref<1x80x128xi32, #tpu.memory_space<hbm>>
      %dma_wait3A_74 = tpu.memref_squeeze %dma_wait3A_73 : memref<1x80x128xi32, #tpu.memory_space<hbm>> -> memref<80x128xi32, #tpu.memory_space<hbm>>
      %dma_wait3A_75 = arith.constant 0 : i32
      %dma_wait3A_76 = arith.constant 0 : i32
      %dma_wait3A_77 = tpu.memref_slice %arg2[%add3A, %dma_wait3A_75, %dma_wait3A_76] : memref<32x80x128xi32, #tpu.memory_space<hbm>> -> memref<1x80x128xi32, #tpu.memory_space<hbm>>
      %dma_wait3A_78 = tpu.memref_squeeze %dma_wait3A_77 : memref<1x80x128xi32, #tpu.memory_space<hbm>> -> memref<80x128xi32, #tpu.memory_space<hbm>>
      tpu.wait_dma2 semaphore(%run_scoped3A : memref<!tpu.dma_semaphore, #tpu.memory_space<semaphore_mem>>) src(%dma_wait3A_78 : memref<80x128xi32, #tpu.memory_space<hbm>>) dst(%arg4 : memref<80x128xi32, #tpu.memory_space<vmem>>)
      tpu.yield
    }) : () -> ()
    %broadcast_in_dim3A = arith.constant 1.000000e+00 : f32
    %broadcast_in_dim3A_1 = vector.broadcast %broadcast_in_dim3A : f32 to vector<16xf32>
    %swap3A = arith.constant 0 : index
    %swap3A_2 = tpu.vector_load %arg5[%swap3A] {strides = array<i32>} : memref<128xf32, #tpu.memory_space<vmem>>, vector<16xf32>,
    %swap3A_3 = vector.shape_cast %swap3A_2 : vector<16xf32> to vector<16xf32>
    %swap3A_4 = vector.shape_cast %broadcast_in_dim3A_1 : vector<16xf32> to vector<16xf32>
    tpu.vector_store %arg5[%swap3A], %swap3A_4 {strides = array<i32>} : memref<128xf32, #tpu.memory_space<vmem>>, vector<16xf32>,
    %broadcast_in_dim3A_5 = arith.constant 1.000000e+00 : f32
    %broadcast_in_dim3A_6 = vector.broadcast %broadcast_in_dim3A_5 : f32 to vector<16xf32>
    %swap3A_7 = arith.constant 16 : index
    %swap3A_8 = tpu.vector_load %arg5[%swap3A_7] {strides = array<i32>} : memref<128xf32, #tpu.memory_space<vmem>>, vector<16xf32>,
    %swap3A_9 = vector.shape_cast %swap3A_8 : vector<16xf32> to vector<16xf32>
    %swap3A_10 = vector.shape_cast %broadcast_in_dim3A_6 : vector<16xf32> to vector<16xf32>
    tpu.vector_store %arg5[%swap3A_7], %swap3A_10 {strides = array<i32>} : memref<128xf32, #tpu.memory_space<vmem>>, vector<16xf32>,
    %broadcast_in_dim3A_11 = arith.constant 1.000000e+00 : f32
    %broadcast_in_dim3A_12 = vector.broadcast %broadcast_in_dim3A_11 : f32 to vector<16xf32>
    %swap3A_13 = arith.constant 32 : index
    %swap3A_14 = tpu.vector_load %arg5[%swap3A_13] {strides = array<i32>} : memref<128xf32, #tpu.memory_space<vmem>>, vector<16xf32>,
    %swap3A_15 = vector.shape_cast %swap3A_14 : vector<16xf32> to vector<16xf32>
    %swap3A_16 = vector.shape_cast %broadcast_in_dim3A_12 : vector<16xf32> to vector<16xf32>
    tpu.vector_store %arg5[%swap3A_13], %swap3A_16 {strides = array<i32>} : memref<128xf32, #tpu.memory_space<vmem>>, vector<16xf32>,
    %broadcast_in_dim3A_17 = arith.constant 1.000000e+00 : f32
    %broadcast_in_dim3A_18 = vector.broadcast %broadcast_in_dim3A_17 : f32 to vector<16xf32>
    %swap3A_19 = arith.constant 48 : index
    %swap3A_20 = tpu.vector_load %arg5[%swap3A_19] {strides = array<i32>} : memref<128xf32, #tpu.memory_space<vmem>>, vector<16xf32>,
    %swap3A_21 = vector.shape_cast %swap3A_20 : vector<16xf32> to vector<16xf32>
    %swap3A_22 = vector.shape_cast %broadcast_in_dim3A_18 : vector<16xf32> to vector<16xf32>
    tpu.vector_store %arg5[%swap3A_19], %swap3A_22 {strides = array<i32>} : memref<128xf32, #tpu.memory_space<vmem>>, vector<16xf32>,
    %broadcast_in_dim3A_23 = arith.constant 1.000000e+00 : f32
    %broadcast_in_dim3A_24 = vector.broadcast %broadcast_in_dim3A_23 : f32 to vector<16xf32>
    %swap3A_25 = arith.constant 64 : index
    %swap3A_26 = tpu.vector_load %arg5[%swap3A_25] {strides = array<i32>} : memref<128xf32, #tpu.memory_space<vmem>>, vector<16xf32>,
    %swap3A_27 = vector.shape_cast %swap3A_26 : vector<16xf32> to vector<16xf32>
    %swap3A_28 = vector.shape_cast %broadcast_in_dim3A_24 : vector<16xf32> to vector<16xf32>
    tpu.vector_store %arg5[%swap3A_25], %swap3A_28 {strides = array<i32>} : memref<128xf32, #tpu.memory_space<vmem>>, vector<16xf32>,
    %broadcast_in_dim3A_29 = arith.constant 1.000000e+00 : f32
    %broadcast_in_dim3A_30 = vector.broadcast %broadcast_in_dim3A_29 : f32 to vector<16xf32>
    %swap3A_31 = arith.constant 80 : index
    %swap3A_32 = tpu.vector_load %arg5[%swap3A_31] {strides = array<i32>} : memref<128xf32, #tpu.memory_space<vmem>>, vector<16xf32>,
    %swap3A_33 = vector.shape_cast %swap3A_32 : vector<16xf32> to vector<16xf32>
    %swap3A_34 = vector.shape_cast %broadcast_in_dim3A_30 : vector<16xf32> to vector<16xf32>
    tpu.vector_store %arg5[%swap3A_31], %swap3A_34 {strides = array<i32>} : memref<128xf32, #tpu.memory_space<vmem>>, vector<16xf32>,
    %broadcast_in_dim3A_35 = arith.constant 1.000000e+00 : f32
    %broadcast_in_dim3A_36 = vector.broadcast %broadcast_in_dim3A_35 : f32 to vector<16xf32>
    %swap3A_37 = arith.constant 96 : index
    %swap3A_38 = tpu.vector_load %arg5[%swap3A_37] {strides = array<i32>} : memref<128xf32, #tpu.memory_space<vmem>>, vector<16xf32>,
    %swap3A_39 = vector.shape_cast %swap3A_38 : vector<16xf32> to vector<16xf32>
    %swap3A_40 = vector.shape_cast %broadcast_in_dim3A_36 : vector<16xf32> to vector<16xf32>
    tpu.vector_store %arg5[%swap3A_37], %swap3A_40 {strides = array<i32>} : memref<128xf32, #tpu.memory_space<vmem>>, vector<16xf32>,
    %broadcast_in_dim3A_41 = arith.constant 1.000000e+00 : f32
    %broadcast_in_dim3A_42 = vector.broadcast %broadcast_in_dim3A_41 : f32 to vector<16xf32>
    %swap3A_43 = arith.constant 112 : index
    %swap3A_44 = tpu.vector_load %arg5[%swap3A_43] {strides = array<i32>} : memref<128xf32, #tpu.memory_space<vmem>>, vector<16xf32>,
    %swap3A_45 = vector.shape_cast %swap3A_44 : vector<16xf32> to vector<16xf32>
    %swap3A_46 = vector.shape_cast %broadcast_in_dim3A_42 : vector<16xf32> to vector<16xf32>
    tpu.vector_store %arg5[%swap3A_43], %swap3A_46 {strides = array<i32>} : memref<128xf32, #tpu.memory_space<vmem>>, vector<16xf32>,
    %scan3A = arith.constant 0 : i32
    %scan3A_47 = arith.constant 0 : i32
    %scan3A_48 = arith.constant 40 : i32
    %scan3A_49 = arith.addi %scan3A_47, %scan3A_48 : i32
    %scan3A_50 = arith.constant 1 : i32
    scf.for %scan3A_65 = %scan3A_47 to %scan3A_49 step %scan3A_50  : i32 {
      %broadcast_in_dim3A_66 = arith.constant 0.000000e+00 : f32
      %broadcast_in_dim3A_67 = vector.broadcast %broadcast_in_dim3A_66 : f32 to vector<16xf32>
      %mul3A_68 = arith.constant 16 : i32
      %mul3A_69 = arith.muli %scan3A_65, %mul3A_68 : i32
      %swap3A_70 = arith.index_cast %mul3A_69 : i32 to index
      %swap3A_71 = tpu.vector_load %arg6[%swap3A_70] {strides = array<i32>} : memref<640xf32, #tpu.memory_space<vmem>>, vector<16xf32>,
      %swap3A_72 = vector.shape_cast %swap3A_71 : vector<16xf32> to vector<16xf32>
      %swap3A_73 = vector.shape_cast %broadcast_in_dim3A_67 : vector<16xf32> to vector<16xf32>
      tpu.vector_store %arg6[%swap3A_70], %swap3A_73 {strides = array<i32>} : memref<640xf32, #tpu.memory_space<vmem>>, vector<16xf32>,
    }
    %scan3A_51 = arith.constant 40 : i32
    %mul3A_52 = arith.constant 632 : i32
    %mul3A_53 = arith.muli %arg1, %mul3A_52 : i32
    %min3A = arith.constant 9472 : i32
    %min3A_54 = arith.minsi %mul3A_53, %min3A : i32
    "tpu.region"() ({
      %run_scoped3A = tpu.sem_alloc : memref<!tpu.dma_semaphore, #tpu.memory_space<semaphore_mem>>
      %dma_start3A = tpu.memref_slice %arg7[%min3A_54] : memref<10112xf32, #tpu.memory_space<vmem_shared>> -> memref<640xf32, #tpu.memory_space<vmem_shared>>
      %dma_start3A_65 = tpu.memref_slice %arg7[%min3A_54] : memref<10112xf32, #tpu.memory_space<vmem_shared>> -> memref<640xf32, #tpu.memory_space<vmem_shared>>
      tpu.enqueue_dma source(%arg6 : memref<640xf32, #tpu.memory_space<vmem>>) target(%dma_start3A_65 : memref<640xf32, #tpu.memory_space<vmem_shared>>) target_semaphore(%run_scoped3A : memref<!tpu.dma_semaphore, #tpu.memory_space<semaphore_mem>>)
      %dma_wait3A = tpu.memref_slice %arg7[%min3A_54] : memref<10112xf32, #tpu.memory_space<vmem_shared>> -> memref<640xf32, #tpu.memory_space<vmem_shared>>
      %dma_wait3A_66 = tpu.memref_slice %arg7[%min3A_54] : memref<10112xf32, #tpu.memory_space<vmem_shared>> -> memref<640xf32, #tpu.memory_space<vmem_shared>>
      tpu.wait_dma2 semaphore(%run_scoped3A : memref<!tpu.dma_semaphore, #tpu.memory_space<semaphore_mem>>) src(%arg6 : memref<640xf32, #tpu.memory_space<vmem>>) dst(%dma_wait3A_66 : memref<640xf32, #tpu.memory_space<vmem_shared>>)
      tpu.yield
    }) : () -> ()
    %barrier3A = arith.constant 0 : index
    tpu.barrier barrier_id(%barrier3A)
    %scan3A_55 = arith.constant 0 : i32
    %scan3A_56 = arith.constant 0 : i32
    %scan3A_57 = arith.constant 80 : i32
    %scan3A_58 = arith.addi %scan3A_56, %scan3A_57 : i32
    %scan3A_59 = arith.constant 1 : i32
    scf.for %scan3A_65 = %scan3A_56 to %scan3A_58 step %scan3A_59  : i32 {
      "tpu.region"() ({
        %run_scoped3A = tpu.sem_alloc : memref<!tpu.dma_semaphore, #tpu.memory_space<semaphore_mem>>
        %dma_start3A = arith.constant 0 : i32
        %dma_start3A_66 = tpu.memref_slice %arg4[%scan3A_65, %dma_start3A] : memref<80x128xi32, #tpu.memory_space<vmem>> -> memref<1x128xi32, #tpu.memory_space<vmem>>
        %dma_start3A_67 = tpu.memref_squeeze %dma_start3A_66 : memref<1x128xi32, #tpu.memory_space<vmem>> -> memref<128xi32, #tpu.memory_space<vmem>>
        %dma_start3A_68 = arith.constant 0 : i32
        %dma_start3A_69 = tpu.memref_slice %arg7[%dma_start3A_68] : memref<10112xf32, #tpu.memory_space<vmem_shared>> -> memref<10112xf32, #tpu.memory_space<vmem_shared>>
        tpu.enqueue_indirect_dma source(%arg5 : memref<128xf32, #tpu.memory_space<vmem>>) target(%dma_start3A_69 : memref<10112xf32, #tpu.memory_space<vmem_shared>>) offsets(%dma_start3A_67 : memref<128xi32, #tpu.memory_space<vmem>>) semaphore(%run_scoped3A : memref<!tpu.dma_semaphore, #tpu.memory_space<semaphore_mem>>) {add = true}
        %dma_wait3A = arith.constant 0 : i32
        %dma_wait3A_70 = tpu.memref_slice %arg4[%scan3A_65, %dma_wait3A] : memref<80x128xi32, #tpu.memory_space<vmem>> -> memref<1x128xi32, #tpu.memory_space<vmem>>
        %dma_wait3A_71 = tpu.memref_squeeze %dma_wait3A_70 : memref<1x128xi32, #tpu.memory_space<vmem>> -> memref<128xi32, #tpu.memory_space<vmem>>
        %dma_wait3A_72 = arith.constant 0 : i32
        %dma_wait3A_73 = tpu.memref_slice %arg7[%dma_wait3A_72] : memref<10112xf32, #tpu.memory_space<vmem_shared>> -> memref<10112xf32, #tpu.memory_space<vmem_shared>>
        tpu.wait_indirect_dma semaphore(%run_scoped3A : memref<!tpu.dma_semaphore, #tpu.memory_space<semaphore_mem>>) src(%arg5 : memref<128xf32, #tpu.memory_space<vmem>>) dst(%dma_wait3A_73 : memref<10112xf32, #tpu.memory_space<vmem_shared>>)
        tpu.yield
      }) : () -> ()
    }
    %scan3A_60 = arith.constant 80 : i32
    %barrier3A_61 = arith.constant 0 : index
    tpu.barrier barrier_id(%barrier3A_61)
    "tpu.region"() ({
      %run_scoped3A = tpu.sem_alloc : memref<!tpu.dma_semaphore, #tpu.memory_space<semaphore_mem>>
      %dma_start3A = tpu.memref_slice %arg7[%min3A_54] : memref<10112xf32, #tpu.memory_space<vmem_shared>> -> memref<640xf32, #tpu.memory_space<vmem_shared>>
      %dma_start3A_65 = tpu.memref_slice %arg7[%min3A_54] : memref<10112xf32, #tpu.memory_space<vmem_shared>> -> memref<640xf32, #tpu.memory_space<vmem_shared>>
      tpu.enqueue_dma source(%dma_start3A_65 : memref<640xf32, #tpu.memory_space<vmem_shared>>) target(%arg6 : memref<640xf32, #tpu.memory_space<vmem>>) target_semaphore(%run_scoped3A : memref<!tpu.dma_semaphore, #tpu.memory_space<semaphore_mem>>)
      %dma_wait3A = tpu.memref_slice %arg7[%min3A_54] : memref<10112xf32, #tpu.memory_space<vmem_shared>> -> memref<640xf32, #tpu.memory_space<vmem_shared>>
      %dma_wait3A_66 = tpu.memref_slice %arg7[%min3A_54] : memref<10112xf32, #tpu.memory_space<vmem_shared>> -> memref<640xf32, #tpu.memory_space<vmem_shared>>
      tpu.wait_dma2 semaphore(%run_scoped3A : memref<!tpu.dma_semaphore, #tpu.memory_space<semaphore_mem>>) src(%dma_wait3A_66 : memref<640xf32, #tpu.memory_space<vmem_shared>>) dst(%arg6 : memref<640xf32, #tpu.memory_space<vmem>>)
      tpu.yield
    }) : () -> ()
    %mul3A_62 = arith.constant 10112 : i32
    %mul3A_63 = arith.muli %arg0, %mul3A_62 : i32
    %add3A_64 = arith.addi %mul3A_63, %min3A_54 : i32
    "tpu.region"() ({
      %run_scoped3A = tpu.sem_alloc : memref<!tpu.dma_semaphore, #tpu.memory_space<semaphore_mem>>
      %dma_start3A = tpu.memref_slice %arg3[%add3A_64] : memref<20224xf32, #tpu.memory_space<hbm>> -> memref<640xf32, #tpu.memory_space<hbm>>
      %dma_start3A_65 = tpu.memref_slice %arg3[%add3A_64] : memref<20224xf32, #tpu.memory_space<hbm>> -> memref<640xf32, #tpu.memory_space<hbm>>
      tpu.enqueue_dma source(%arg6 : memref<640xf32, #tpu.memory_space<vmem>>) target(%dma_start3A_65 : memref<640xf32, #tpu.memory_space<hbm>>) target_semaphore(%run_scoped3A : memref<!tpu.dma_semaphore, #tpu.memory_space<semaphore_mem>>)
      %dma_wait3A = tpu.memref_slice %arg3[%add3A_64] : memref<20224xf32, #tpu.memory_space<hbm>> -> memref<640xf32, #tpu.memory_space<hbm>>
      %dma_wait3A_66 = tpu.memref_slice %arg3[%add3A_64] : memref<20224xf32, #tpu.memory_space<hbm>> -> memref<640xf32, #tpu.memory_space<hbm>>
      tpu.wait_dma2 semaphore(%run_scoped3A : memref<!tpu.dma_semaphore, #tpu.memory_space<semaphore_mem>>) src(%arg6 : memref<640xf32, #tpu.memory_space<vmem>>) dst(%dma_wait3A_66 : memref<640xf32, #tpu.memory_space<hbm>>)
      tpu.yield
    }) : () -> ()
    return
  }
}

#map = affine_map<(d0, d1) -> (0, 0)>
#map1 = affine_map<(d0, d1) -> (0, 0, 0)>
module attributes {stable_mosaic.version = 14 : i64} {
  func.func @_scatter_body(%arg0: i32, %arg1: i32, %arg2: memref<10112x128xf32, #tpu.memory_space<hbm>>, %arg3: memref<5120x128xi32, #tpu.memory_space<hbm>>, %arg4: memref<2x10112x128xf32, #tpu.memory_space<hbm>>, %arg5: memref<16x128xi32, #tpu.memory_space<vmem>>, %arg6: memref<256x128xf32, #tpu.memory_space<vmem>>, %arg7: memref<10112x128xf32, #tpu.memory_space<vmem_shared>>, %arg8: memref<!tpu.dma_semaphore, #tpu.memory_space<semaphore_mem>>, %arg9: memref<!tpu.dma_semaphore, #tpu.memory_space<semaphore_mem>>) attributes {dimension_semantics = [#tpu.dimension_semantics<core_parallel>, #tpu.dimension_semantics<subcore_parallel>], iteration_bounds = array<i64: 2, 16>, scalar_prefetch = 0 : i64, scratch_operands = 5 : i64, tpu.core_type = #tpu.core_type<sc_vector_subcore>, window_params = [{transform_indices = #map}, {transform_indices = #map}, {transform_indices = #map1}]} {
    %mul3A = arith.constant 2 : i32
    %mul3A_0 = arith.muli %arg1, %mul3A : i32
    %add3A = arith.addi %mul3A_0, %arg0 : i32
    %scan3A = arith.constant 0 : i32
    %scan3A_1 = arith.constant 0 : i32
    %scan3A_2 = arith.constant 128 : i32
    %scan3A_3 = arith.addi %scan3A_1, %scan3A_2 : i32
    %scan3A_4 = arith.constant 1 : i32
    scf.for %scan3A_52 = %scan3A_1 to %scan3A_3 step %scan3A_4  : i32 {
      %broadcast_in_dim3A = arith.constant 0.000000e+00 : f32
      %broadcast_in_dim3A_53 = vector.broadcast %broadcast_in_dim3A : f32 to vector<16xf32>
      %swap3A = arith.index_cast %scan3A_52 : i32 to index
      %swap3A_54 = arith.constant 0 : index
      %swap3A_55 = tpu.vector_load %arg6[%swap3A, %swap3A_54] {strides = array<i32>} : memref<256x128xf32, #tpu.memory_space<vmem>>, vector<1x16xf32>,
      %swap3A_56 = vector.shape_cast %swap3A_55 : vector<1x16xf32> to vector<16xf32>
      %swap3A_57 = vector.shape_cast %broadcast_in_dim3A_53 : vector<16xf32> to vector<1x16xf32>
      tpu.vector_store %arg6[%swap3A, %swap3A_54], %swap3A_57 {strides = array<i32>} : memref<256x128xf32, #tpu.memory_space<vmem>>, vector<1x16xf32>,
      %broadcast_in_dim3A_58 = arith.constant 0.000000e+00 : f32
      %broadcast_in_dim3A_59 = vector.broadcast %broadcast_in_dim3A_58 : f32 to vector<16xf32>
      %swap3A_60 = arith.index_cast %scan3A_52 : i32 to index
      %swap3A_61 = arith.constant 16 : index
      %swap3A_62 = tpu.vector_load %arg6[%swap3A_60, %swap3A_61] {strides = array<i32>} : memref<256x128xf32, #tpu.memory_space<vmem>>, vector<1x16xf32>,
      %swap3A_63 = vector.shape_cast %swap3A_62 : vector<1x16xf32> to vector<16xf32>
      %swap3A_64 = vector.shape_cast %broadcast_in_dim3A_59 : vector<16xf32> to vector<1x16xf32>
      tpu.vector_store %arg6[%swap3A_60, %swap3A_61], %swap3A_64 {strides = array<i32>} : memref<256x128xf32, #tpu.memory_space<vmem>>, vector<1x16xf32>,
      %broadcast_in_dim3A_65 = arith.constant 0.000000e+00 : f32
      %broadcast_in_dim3A_66 = vector.broadcast %broadcast_in_dim3A_65 : f32 to vector<16xf32>
      %swap3A_67 = arith.index_cast %scan3A_52 : i32 to index
      %swap3A_68 = arith.constant 32 : index
      %swap3A_69 = tpu.vector_load %arg6[%swap3A_67, %swap3A_68] {strides = array<i32>} : memref<256x128xf32, #tpu.memory_space<vmem>>, vector<1x16xf32>,
      %swap3A_70 = vector.shape_cast %swap3A_69 : vector<1x16xf32> to vector<16xf32>
      %swap3A_71 = vector.shape_cast %broadcast_in_dim3A_66 : vector<16xf32> to vector<1x16xf32>
      tpu.vector_store %arg6[%swap3A_67, %swap3A_68], %swap3A_71 {strides = array<i32>} : memref<256x128xf32, #tpu.memory_space<vmem>>, vector<1x16xf32>,
      %broadcast_in_dim3A_72 = arith.constant 0.000000e+00 : f32
      %broadcast_in_dim3A_73 = vector.broadcast %broadcast_in_dim3A_72 : f32 to vector<16xf32>
      %swap3A_74 = arith.index_cast %scan3A_52 : i32 to index
      %swap3A_75 = arith.constant 48 : index
      %swap3A_76 = tpu.vector_load %arg6[%swap3A_74, %swap3A_75] {strides = array<i32>} : memref<256x128xf32, #tpu.memory_space<vmem>>, vector<1x16xf32>,
      %swap3A_77 = vector.shape_cast %swap3A_76 : vector<1x16xf32> to vector<16xf32>
      %swap3A_78 = vector.shape_cast %broadcast_in_dim3A_73 : vector<16xf32> to vector<1x16xf32>
      tpu.vector_store %arg6[%swap3A_74, %swap3A_75], %swap3A_78 {strides = array<i32>} : memref<256x128xf32, #tpu.memory_space<vmem>>, vector<1x16xf32>,
      %broadcast_in_dim3A_79 = arith.constant 0.000000e+00 : f32
      %broadcast_in_dim3A_80 = vector.broadcast %broadcast_in_dim3A_79 : f32 to vector<16xf32>
      %swap3A_81 = arith.index_cast %scan3A_52 : i32 to index
      %swap3A_82 = arith.constant 64 : index
      %swap3A_83 = tpu.vector_load %arg6[%swap3A_81, %swap3A_82] {strides = array<i32>} : memref<256x128xf32, #tpu.memory_space<vmem>>, vector<1x16xf32>,
      %swap3A_84 = vector.shape_cast %swap3A_83 : vector<1x16xf32> to vector<16xf32>
      %swap3A_85 = vector.shape_cast %broadcast_in_dim3A_80 : vector<16xf32> to vector<1x16xf32>
      tpu.vector_store %arg6[%swap3A_81, %swap3A_82], %swap3A_85 {strides = array<i32>} : memref<256x128xf32, #tpu.memory_space<vmem>>, vector<1x16xf32>,
      %broadcast_in_dim3A_86 = arith.constant 0.000000e+00 : f32
      %broadcast_in_dim3A_87 = vector.broadcast %broadcast_in_dim3A_86 : f32 to vector<16xf32>
      %swap3A_88 = arith.index_cast %scan3A_52 : i32 to index
      %swap3A_89 = arith.constant 80 : index
      %swap3A_90 = tpu.vector_load %arg6[%swap3A_88, %swap3A_89] {strides = array<i32>} : memref<256x128xf32, #tpu.memory_space<vmem>>, vector<1x16xf32>,
      %swap3A_91 = vector.shape_cast %swap3A_90 : vector<1x16xf32> to vector<16xf32>
      %swap3A_92 = vector.shape_cast %broadcast_in_dim3A_87 : vector<16xf32> to vector<1x16xf32>
      tpu.vector_store %arg6[%swap3A_88, %swap3A_89], %swap3A_92 {strides = array<i32>} : memref<256x128xf32, #tpu.memory_space<vmem>>, vector<1x16xf32>,
      %broadcast_in_dim3A_93 = arith.constant 0.000000e+00 : f32
      %broadcast_in_dim3A_94 = vector.broadcast %broadcast_in_dim3A_93 : f32 to vector<16xf32>
      %swap3A_95 = arith.index_cast %scan3A_52 : i32 to index
      %swap3A_96 = arith.constant 96 : index
      %swap3A_97 = tpu.vector_load %arg6[%swap3A_95, %swap3A_96] {strides = array<i32>} : memref<256x128xf32, #tpu.memory_space<vmem>>, vector<1x16xf32>,
      %swap3A_98 = vector.shape_cast %swap3A_97 : vector<1x16xf32> to vector<16xf32>
      %swap3A_99 = vector.shape_cast %broadcast_in_dim3A_94 : vector<16xf32> to vector<1x16xf32>
      tpu.vector_store %arg6[%swap3A_95, %swap3A_96], %swap3A_99 {strides = array<i32>} : memref<256x128xf32, #tpu.memory_space<vmem>>, vector<1x16xf32>,
      %broadcast_in_dim3A_100 = arith.constant 0.000000e+00 : f32
      %broadcast_in_dim3A_101 = vector.broadcast %broadcast_in_dim3A_100 : f32 to vector<16xf32>
      %swap3A_102 = arith.index_cast %scan3A_52 : i32 to index
      %swap3A_103 = arith.constant 112 : index
      %swap3A_104 = tpu.vector_load %arg6[%swap3A_102, %swap3A_103] {strides = array<i32>} : memref<256x128xf32, #tpu.memory_space<vmem>>, vector<1x16xf32>,
      %swap3A_105 = vector.shape_cast %swap3A_104 : vector<1x16xf32> to vector<16xf32>
      %swap3A_106 = vector.shape_cast %broadcast_in_dim3A_101 : vector<16xf32> to vector<1x16xf32>
      tpu.vector_store %arg6[%swap3A_102, %swap3A_103], %swap3A_106 {strides = array<i32>} : memref<256x128xf32, #tpu.memory_space<vmem>>, vector<1x16xf32>,
    }
    %scan3A_5 = arith.constant 128 : i32
    %scan3A_6 = arith.constant 0 : i32
    %scan3A_7 = arith.constant 0 : i32
    %scan3A_8 = arith.constant 4 : i32
    %scan3A_9 = arith.addi %scan3A_7, %scan3A_8 : i32
    %scan3A_10 = arith.constant 1 : i32
    scf.for %scan3A_52 = %scan3A_7 to %scan3A_9 step %scan3A_10  : i32 {
      %mul3A_53 = arith.constant 632 : i32
      %mul3A_54 = arith.muli %arg1, %mul3A_53 : i32
      %mul3A_55 = arith.constant 128 : i32
      %mul3A_56 = arith.muli %scan3A_52, %mul3A_55 : i32
      %add3A_57 = arith.addi %mul3A_54, %mul3A_56 : i32
      "tpu.region"() ({
        %run_scoped3A = tpu.sem_alloc : memref<!tpu.dma_semaphore, #tpu.memory_space<semaphore_mem>>
        %dma_start3A = arith.constant 0 : i32
        %dma_start3A_58 = arith.constant 0 : i32
        %dma_start3A_59 = tpu.memref_slice %arg6[%dma_start3A, %dma_start3A_58] : memref<256x128xf32, #tpu.memory_space<vmem>> -> memref<128x128xf32, #tpu.memory_space<vmem>>
        %dma_start3A_60 = arith.constant 0 : i32
        %dma_start3A_61 = tpu.memref_slice %arg7[%add3A_57, %dma_start3A_60] : memref<10112x128xf32, #tpu.memory_space<vmem_shared>> -> memref<128x128xf32, #tpu.memory_space<vmem_shared>>
        %dma_start3A_62 = arith.constant 0 : i32
        %dma_start3A_63 = tpu.memref_slice %arg7[%add3A_57, %dma_start3A_62] : memref<10112x128xf32, #tpu.memory_space<vmem_shared>> -> memref<128x128xf32, #tpu.memory_space<vmem_shared>>
        %dma_start3A_64 = arith.constant 0 : i32
        %dma_start3A_65 = arith.constant 0 : i32
        %dma_start3A_66 = tpu.memref_slice %arg6[%dma_start3A_64, %dma_start3A_65] : memref<256x128xf32, #tpu.memory_space<vmem>> -> memref<128x128xf32, #tpu.memory_space<vmem>>
        tpu.enqueue_dma source(%dma_start3A_66 : memref<128x128xf32, #tpu.memory_space<vmem>>) target(%dma_start3A_63 : memref<128x128xf32, #tpu.memory_space<vmem_shared>>) target_semaphore(%run_scoped3A : memref<!tpu.dma_semaphore, #tpu.memory_space<semaphore_mem>>)
        %dma_wait3A_67 = arith.constant 0 : i32
        %dma_wait3A_68 = arith.constant 0 : i32
        %dma_wait3A_69 = tpu.memref_slice %arg6[%dma_wait3A_67, %dma_wait3A_68] : memref<256x128xf32, #tpu.memory_space<vmem>> -> memref<128x128xf32, #tpu.memory_space<vmem>>
        %dma_wait3A_70 = arith.constant 0 : i32
        %dma_wait3A_71 = tpu.memref_slice %arg7[%add3A_57, %dma_wait3A_70] : memref<10112x128xf32, #tpu.memory_space<vmem_shared>> -> memref<128x128xf32, #tpu.memory_space<vmem_shared>>
        %dma_wait3A_72 = arith.constant 0 : i32
        %dma_wait3A_73 = tpu.memref_slice %arg7[%add3A_57, %dma_wait3A_72] : memref<10112x128xf32, #tpu.memory_space<vmem_shared>> -> memref<128x128xf32, #tpu.memory_space<vmem_shared>>
        %dma_wait3A_74 = arith.constant 0 : i32
        %dma_wait3A_75 = arith.constant 0 : i32
        %dma_wait3A_76 = tpu.memref_slice %arg6[%dma_wait3A_74, %dma_wait3A_75] : memref<256x128xf32, #tpu.memory_space<vmem>> -> memref<128x128xf32, #tpu.memory_space<vmem>>
        tpu.wait_dma2 semaphore(%run_scoped3A : memref<!tpu.dma_semaphore, #tpu.memory_space<semaphore_mem>>) src(%dma_wait3A_76 : memref<128x128xf32, #tpu.memory_space<vmem>>) dst(%dma_wait3A_73 : memref<128x128xf32, #tpu.memory_space<vmem_shared>>)
        tpu.yield
      }) : () -> ()
    }
    %scan3A_11 = arith.constant 4 : i32
    %mul3A_12 = arith.constant 632 : i32
    %mul3A_13 = arith.muli %arg1, %mul3A_12 : i32
    %add3A_14 = arith.constant 512 : i32
    %add3A_15 = arith.addi %mul3A_13, %add3A_14 : i32
    "tpu.region"() ({
      %run_scoped3A = tpu.sem_alloc : memref<!tpu.dma_semaphore, #tpu.memory_space<semaphore_mem>>
      %dma_start3A = arith.constant 0 : i32
      %dma_start3A_52 = arith.constant 0 : i32
      %dma_start3A_53 = tpu.memref_slice %arg6[%dma_start3A, %dma_start3A_52] : memref<256x128xf32, #tpu.memory_space<vmem>> -> memref<120x128xf32, #tpu.memory_space<vmem>>
      %dma_start3A_54 = arith.constant 0 : i32
      %dma_start3A_55 = tpu.memref_slice %arg7[%add3A_15, %dma_start3A_54] : memref<10112x128xf32, #tpu.memory_space<vmem_shared>> -> memref<120x128xf32, #tpu.memory_space<vmem_shared>>
      %dma_start3A_56 = arith.constant 0 : i32
      %dma_start3A_57 = tpu.memref_slice %arg7[%add3A_15, %dma_start3A_56] : memref<10112x128xf32, #tpu.memory_space<vmem_shared>> -> memref<120x128xf32, #tpu.memory_space<vmem_shared>>
      %dma_start3A_58 = arith.constant 0 : i32
      %dma_start3A_59 = arith.constant 0 : i32
      %dma_start3A_60 = tpu.memref_slice %arg6[%dma_start3A_58, %dma_start3A_59] : memref<256x128xf32, #tpu.memory_space<vmem>> -> memref<120x128xf32, #tpu.memory_space<vmem>>
      tpu.enqueue_dma source(%dma_start3A_60 : memref<120x128xf32, #tpu.memory_space<vmem>>) target(%dma_start3A_57 : memref<120x128xf32, #tpu.memory_space<vmem_shared>>) target_semaphore(%run_scoped3A : memref<!tpu.dma_semaphore, #tpu.memory_space<semaphore_mem>>)
      %dma_wait3A_61 = arith.constant 0 : i32
      %dma_wait3A_62 = arith.constant 0 : i32
      %dma_wait3A_63 = tpu.memref_slice %arg6[%dma_wait3A_61, %dma_wait3A_62] : memref<256x128xf32, #tpu.memory_space<vmem>> -> memref<120x128xf32, #tpu.memory_space<vmem>>
      %dma_wait3A_64 = arith.constant 0 : i32
      %dma_wait3A_65 = tpu.memref_slice %arg7[%add3A_15, %dma_wait3A_64] : memref<10112x128xf32, #tpu.memory_space<vmem_shared>> -> memref<120x128xf32, #tpu.memory_space<vmem_shared>>
      %dma_wait3A_66 = arith.constant 0 : i32
      %dma_wait3A_67 = tpu.memref_slice %arg7[%add3A_15, %dma_wait3A_66] : memref<10112x128xf32, #tpu.memory_space<vmem_shared>> -> memref<120x128xf32, #tpu.memory_space<vmem_shared>>
      %dma_wait3A_68 = arith.constant 0 : i32
      %dma_wait3A_69 = arith.constant 0 : i32
      %dma_wait3A_70 = tpu.memref_slice %arg6[%dma_wait3A_68, %dma_wait3A_69] : memref<256x128xf32, #tpu.memory_space<vmem>> -> memref<120x128xf32, #tpu.memory_space<vmem>>
      tpu.wait_dma2 semaphore(%run_scoped3A : memref<!tpu.dma_semaphore, #tpu.memory_space<semaphore_mem>>) src(%dma_wait3A_70 : memref<120x128xf32, #tpu.memory_space<vmem>>) dst(%dma_wait3A_67 : memref<120x128xf32, #tpu.memory_space<vmem_shared>>)
      tpu.yield
    }) : () -> ()
    %barrier3A = arith.constant 0 : index
    tpu.barrier barrier_id(%barrier3A)
    %mul3A_16 = arith.constant 320 : i32
    %mul3A_17 = arith.muli %arg1, %mul3A_16 : i32
    %mul3A_18 = arith.constant 240 : i32
    %mul3A_19 = arith.muli %arg0, %mul3A_18 : i32
    %add3A_20 = arith.addi %mul3A_17, %mul3A_19 : i32
    %multiple_of3A = tpu.assume_multiple %add3A_20, 8 : i32
    %eq3A = arith.constant 0 : i32
    %eq3A_21 = arith.cmpi eq, %arg0, %eq3A : i32
    %jit3A = arith.constant 15 : i32
    %jit3A_22 = arith.constant 5 : i32
    %select_n3A = arith.select %eq3A_21, %jit3A, %jit3A_22 : i32
    %while3A = arith.constant 0 : i32
    %while3A_23 = arith.constant 0 : i32
    %while3A_24 = arith.subi %select_n3A, %while3A_23 : i32
    %while3A_25 = arith.addi %while3A_23, %while3A_24 : i32
    %while3A_26 = arith.constant 1 : i32
    %while3A_27 = arith.divsi %while3A_24, %while3A_26 : i32
    %while3A_28 = arith.muli %while3A_27, %while3A_26 : i32
    %while3A_29 = arith.addi %while3A_23, %while3A_28 : i32
    %while3A_30 = arith.constant 1 : i32
    scf.for %while3A_52 = %while3A_23 to %while3A_29 step %while3A_30  : i32 {
      %mul3A_53 = arith.constant 16 : i32
      %mul3A_54 = arith.muli %while3A_52, %mul3A_53 : i32
      %multiple_of3A_55 = tpu.assume_multiple %mul3A_54, 16 : i32
      %add3A_56 = arith.addi %multiple_of3A, %multiple_of3A_55 : i32
      "tpu.region"() ({
        %run_scoped3A = tpu.sem_alloc : memref<!tpu.dma_semaphore, #tpu.memory_space<semaphore_mem>>
        %dma_start3A = arith.constant 0 : i32
        %dma_start3A_63 = tpu.memref_slice %arg3[%add3A_56, %dma_start3A] : memref<5120x128xi32, #tpu.memory_space<hbm>> -> memref<16x128xi32, #tpu.memory_space<hbm>>
        %dma_start3A_64 = arith.constant 0 : i32
        %dma_start3A_65 = tpu.memref_slice %arg3[%add3A_56, %dma_start3A_64] : memref<5120x128xi32, #tpu.memory_space<hbm>> -> memref<16x128xi32, #tpu.memory_space<hbm>>
        tpu.enqueue_dma source(%dma_start3A_65 : memref<16x128xi32, #tpu.memory_space<hbm>>) target(%arg5 : memref<16x128xi32, #tpu.memory_space<vmem>>) target_semaphore(%run_scoped3A : memref<!tpu.dma_semaphore, #tpu.memory_space<semaphore_mem>>)
        %dma_wait3A_66 = arith.constant 0 : i32
        %dma_wait3A_67 = tpu.memref_slice %arg3[%add3A_56, %dma_wait3A_66] : memref<5120x128xi32, #tpu.memory_space<hbm>> -> memref<16x128xi32, #tpu.memory_space<hbm>>
        %dma_wait3A_68 = arith.constant 0 : i32
        %dma_wait3A_69 = tpu.memref_slice %arg3[%add3A_56, %dma_wait3A_68] : memref<5120x128xi32, #tpu.memory_space<hbm>> -> memref<16x128xi32, #tpu.memory_space<hbm>>
        tpu.wait_dma2 semaphore(%run_scoped3A : memref<!tpu.dma_semaphore, #tpu.memory_space<semaphore_mem>>) src(%dma_wait3A_69 : memref<16x128xi32, #tpu.memory_space<hbm>>) dst(%arg5 : memref<16x128xi32, #tpu.memory_space<vmem>>)
        tpu.yield
      }) : () -> ()
      %scan3A_57 = arith.constant 0 : i32
      %scan3A_58 = arith.constant 0 : i32
      %scan3A_59 = arith.constant 4 : i32
      %scan3A_60 = arith.addi %scan3A_58, %scan3A_59 : i32
      %scan3A_61 = arith.constant 1 : i32
      scf.for %scan3A_63 = %scan3A_58 to %scan3A_60 step %scan3A_61  : i32 {
        %gt3A = arith.constant 0 : i32
        %gt3A_64 = arith.cmpi sgt, %scan3A_63, %gt3A : i32
        %gt3A_65 = arith.constant 0 : i32
        %gt3A_66 = arith.cmpi sgt, %while3A_52, %gt3A_65 : i32
        %or3A = arith.ori %gt3A_64, %gt3A_66 : i1
        %convert_element_type3A = arith.extui %or3A : i1 to i32
        %cond3A = arith.constant 0 : i32
        %cond3A_67 = arith.cmpi ne, %convert_element_type3A, %cond3A : i32
        scf.if %cond3A_67 {
          %dma_wait3A_117 = arith.constant 0 : i32
          %dma_wait3A_118 = arith.constant 0 : i32
          %dma_wait3A_119 = tpu.memref_slice %arg7[%dma_wait3A_117, %dma_wait3A_118] : memref<10112x128xf32, #tpu.memory_space<vmem_shared>> -> memref<256x128xf32, #tpu.memory_space<vmem_shared>>
          %dma_wait3A_120 = arith.constant 0 : i32
          %dma_wait3A_121 = arith.constant 0 : i32
          %dma_wait3A_122 = tpu.memref_slice %arg7[%dma_wait3A_120, %dma_wait3A_121] : memref<10112x128xf32, #tpu.memory_space<vmem_shared>> -> memref<256x128xf32, #tpu.memory_space<vmem_shared>>
          tpu.wait_dma2 semaphore(%arg9 : memref<!tpu.dma_semaphore, #tpu.memory_space<semaphore_mem>>) src(%arg6 : memref<256x128xf32, #tpu.memory_space<vmem>>) dst(%dma_wait3A_122 : memref<256x128xf32, #tpu.memory_space<vmem_shared>>)
        } else {
        }
        %mul3A_68 = arith.constant 4 : i32
        %mul3A_69 = arith.muli %scan3A_63, %mul3A_68 : i32
        %dma_start3A = arith.constant 0 : i32
        %dma_start3A_70 = arith.constant 0 : i32
        %dma_start3A_71 = tpu.memref_slice %arg6[%dma_start3A, %dma_start3A_70] : memref<256x128xf32, #tpu.memory_space<vmem>> -> memref<128x128xf32, #tpu.memory_space<vmem>>
        %dma_start3A_72 = arith.constant 0 : i32
        %dma_start3A_73 = tpu.memref_slice %arg5[%mul3A_69, %dma_start3A_72] : memref<16x128xi32, #tpu.memory_space<vmem>> -> memref<1x128xi32, #tpu.memory_space<vmem>>
        %dma_start3A_74 = tpu.memref_squeeze %dma_start3A_73 : memref<1x128xi32, #tpu.memory_space<vmem>> -> memref<128xi32, #tpu.memory_space<vmem>>
        %dma_start3A_75 = arith.constant 0 : i32
        %dma_start3A_76 = arith.constant 0 : i32
        %dma_start3A_77 = tpu.memref_slice %arg2[%dma_start3A_75, %dma_start3A_76] : memref<10112x128xf32, #tpu.memory_space<hbm>> -> memref<10112x128xf32, #tpu.memory_space<hbm>>
        tpu.enqueue_indirect_dma source(%dma_start3A_77 : memref<10112x128xf32, #tpu.memory_space<hbm>>) target(%dma_start3A_71 : memref<128x128xf32, #tpu.memory_space<vmem>>) offsets(%dma_start3A_74 : memref<128xi32, #tpu.memory_space<vmem>>) semaphore(%arg8 : memref<!tpu.dma_semaphore, #tpu.memory_space<semaphore_mem>>)
        %add3A_78 = arith.constant 2 : i32
        %add3A_79 = arith.addi %mul3A_69, %add3A_78 : i32
        %dma_start3A_80 = arith.constant 128 : i32
        %dma_start3A_81 = arith.constant 0 : i32
        %dma_start3A_82 = tpu.memref_slice %arg6[%dma_start3A_80, %dma_start3A_81] : memref<256x128xf32, #tpu.memory_space<vmem>> -> memref<128x128xf32, #tpu.memory_space<vmem>>
        %dma_start3A_83 = arith.constant 0 : i32
        %dma_start3A_84 = tpu.memref_slice %arg5[%add3A_79, %dma_start3A_83] : memref<16x128xi32, #tpu.memory_space<vmem>> -> memref<1x128xi32, #tpu.memory_space<vmem>>
        %dma_start3A_85 = tpu.memref_squeeze %dma_start3A_84 : memref<1x128xi32, #tpu.memory_space<vmem>> -> memref<128xi32, #tpu.memory_space<vmem>>
        %dma_start3A_86 = arith.constant 0 : i32
        %dma_start3A_87 = arith.constant 0 : i32
        %dma_start3A_88 = tpu.memref_slice %arg2[%dma_start3A_86, %dma_start3A_87] : memref<10112x128xf32, #tpu.memory_space<hbm>> -> memref<10112x128xf32, #tpu.memory_space<hbm>>
        tpu.enqueue_indirect_dma source(%dma_start3A_88 : memref<10112x128xf32, #tpu.memory_space<hbm>>) target(%dma_start3A_82 : memref<128x128xf32, #tpu.memory_space<vmem>>) offsets(%dma_start3A_85 : memref<128xi32, #tpu.memory_space<vmem>>) semaphore(%arg8 : memref<!tpu.dma_semaphore, #tpu.memory_space<semaphore_mem>>)
        %dma_wait3A_89 = arith.constant 0 : i32
        %dma_wait3A_90 = arith.constant 0 : i32
        %dma_wait3A_91 = tpu.memref_slice %arg2[%dma_wait3A_89, %dma_wait3A_90] : memref<10112x128xf32, #tpu.memory_space<hbm>> -> memref<256x128xf32, #tpu.memory_space<hbm>>
        %dma_wait3A_92 = arith.constant 0 : i32
        %dma_wait3A_93 = arith.constant 0 : i32
        %dma_wait3A_94 = tpu.memref_slice %arg2[%dma_wait3A_92, %dma_wait3A_93] : memref<10112x128xf32, #tpu.memory_space<hbm>> -> memref<256x128xf32, #tpu.memory_space<hbm>>
        tpu.wait_dma2 semaphore(%arg8 : memref<!tpu.dma_semaphore, #tpu.memory_space<semaphore_mem>>) src(%dma_wait3A_94 : memref<256x128xf32, #tpu.memory_space<hbm>>) dst(%arg6 : memref<256x128xf32, #tpu.memory_space<vmem>>)
        %add3A_95 = arith.constant 1 : i32
        %add3A_96 = arith.addi %mul3A_69, %add3A_95 : i32
        %dma_start3A_97 = arith.constant 0 : i32
        %dma_start3A_98 = arith.constant 0 : i32
        %dma_start3A_99 = tpu.memref_slice %arg6[%dma_start3A_97, %dma_start3A_98] : memref<256x128xf32, #tpu.memory_space<vmem>> -> memref<128x128xf32, #tpu.memory_space<vmem>>
        %dma_start3A_100 = arith.constant 0 : i32
        %dma_start3A_101 = tpu.memref_slice %arg5[%add3A_96, %dma_start3A_100] : memref<16x128xi32, #tpu.memory_space<vmem>> -> memref<1x128xi32, #tpu.memory_space<vmem>>
        %dma_start3A_102 = tpu.memref_squeeze %dma_start3A_101 : memref<1x128xi32, #tpu.memory_space<vmem>> -> memref<128xi32, #tpu.memory_space<vmem>>
        %dma_start3A_103 = arith.constant 0 : i32
        %dma_start3A_104 = arith.constant 0 : i32
        %dma_start3A_105 = tpu.memref_slice %arg7[%dma_start3A_103, %dma_start3A_104] : memref<10112x128xf32, #tpu.memory_space<vmem_shared>> -> memref<10112x128xf32, #tpu.memory_space<vmem_shared>>
        tpu.enqueue_indirect_dma source(%dma_start3A_99 : memref<128x128xf32, #tpu.memory_space<vmem>>) target(%dma_start3A_105 : memref<10112x128xf32, #tpu.memory_space<vmem_shared>>) offsets(%dma_start3A_102 : memref<128xi32, #tpu.memory_space<vmem>>) semaphore(%arg9 : memref<!tpu.dma_semaphore, #tpu.memory_space<semaphore_mem>>) {add = true}
        %add3A_106 = arith.constant 3 : i32
        %add3A_107 = arith.addi %mul3A_69, %add3A_106 : i32
        %dma_start3A_108 = arith.constant 128 : i32
        %dma_start3A_109 = arith.constant 0 : i32
        %dma_start3A_110 = tpu.memref_slice %arg6[%dma_start3A_108, %dma_start3A_109] : memref<256x128xf32, #tpu.memory_space<vmem>> -> memref<128x128xf32, #tpu.memory_space<vmem>>
        %dma_start3A_111 = arith.constant 0 : i32
        %dma_start3A_112 = tpu.memref_slice %arg5[%add3A_107, %dma_start3A_111] : memref<16x128xi32, #tpu.memory_space<vmem>> -> memref<1x128xi32, #tpu.memory_space<vmem>>
        %dma_start3A_113 = tpu.memref_squeeze %dma_start3A_112 : memref<1x128xi32, #tpu.memory_space<vmem>> -> memref<128xi32, #tpu.memory_space<vmem>>
        %dma_start3A_114 = arith.constant 0 : i32
        %dma_start3A_115 = arith.constant 0 : i32
        %dma_start3A_116 = tpu.memref_slice %arg7[%dma_start3A_114, %dma_start3A_115] : memref<10112x128xf32, #tpu.memory_space<vmem_shared>> -> memref<10112x128xf32, #tpu.memory_space<vmem_shared>>
        tpu.enqueue_indirect_dma source(%dma_start3A_110 : memref<128x128xf32, #tpu.memory_space<vmem>>) target(%dma_start3A_116 : memref<10112x128xf32, #tpu.memory_space<vmem_shared>>) offsets(%dma_start3A_113 : memref<128xi32, #tpu.memory_space<vmem>>) semaphore(%arg9 : memref<!tpu.dma_semaphore, #tpu.memory_space<semaphore_mem>>) {add = true}
      }
      %scan3A_62 = arith.constant 4 : i32
    }
    %while3A_31 = arith.constant 1 : i32
    scf.for %while3A_52 = %while3A_29 to %while3A_25 step %while3A_31  : i32 {
      %mul3A_53 = arith.constant 16 : i32
      %mul3A_54 = arith.muli %while3A_52, %mul3A_53 : i32
      %multiple_of3A_55 = tpu.assume_multiple %mul3A_54, 16 : i32
      %add3A_56 = arith.addi %multiple_of3A, %multiple_of3A_55 : i32
      "tpu.region"() ({
        %run_scoped3A = tpu.sem_alloc : memref<!tpu.dma_semaphore, #tpu.memory_space<semaphore_mem>>
        %dma_start3A = arith.constant 0 : i32
        %dma_start3A_63 = tpu.memref_slice %arg3[%add3A_56, %dma_start3A] : memref<5120x128xi32, #tpu.memory_space<hbm>> -> memref<16x128xi32, #tpu.memory_space<hbm>>
        %dma_start3A_64 = arith.constant 0 : i32
        %dma_start3A_65 = tpu.memref_slice %arg3[%add3A_56, %dma_start3A_64] : memref<5120x128xi32, #tpu.memory_space<hbm>> -> memref<16x128xi32, #tpu.memory_space<hbm>>
        tpu.enqueue_dma source(%dma_start3A_65 : memref<16x128xi32, #tpu.memory_space<hbm>>) target(%arg5 : memref<16x128xi32, #tpu.memory_space<vmem>>) target_semaphore(%run_scoped3A : memref<!tpu.dma_semaphore, #tpu.memory_space<semaphore_mem>>)
        %dma_wait3A_66 = arith.constant 0 : i32
        %dma_wait3A_67 = tpu.memref_slice %arg3[%add3A_56, %dma_wait3A_66] : memref<5120x128xi32, #tpu.memory_space<hbm>> -> memref<16x128xi32, #tpu.memory_space<hbm>>
        %dma_wait3A_68 = arith.constant 0 : i32
        %dma_wait3A_69 = tpu.memref_slice %arg3[%add3A_56, %dma_wait3A_68] : memref<5120x128xi32, #tpu.memory_space<hbm>> -> memref<16x128xi32, #tpu.memory_space<hbm>>
        tpu.wait_dma2 semaphore(%run_scoped3A : memref<!tpu.dma_semaphore, #tpu.memory_space<semaphore_mem>>) src(%dma_wait3A_69 : memref<16x128xi32, #tpu.memory_space<hbm>>) dst(%arg5 : memref<16x128xi32, #tpu.memory_space<vmem>>)
        tpu.yield
      }) : () -> ()
      %scan3A_57 = arith.constant 0 : i32
      %scan3A_58 = arith.constant 0 : i32
      %scan3A_59 = arith.constant 4 : i32
      %scan3A_60 = arith.addi %scan3A_58, %scan3A_59 : i32
      %scan3A_61 = arith.constant 1 : i32
      scf.for %scan3A_63 = %scan3A_58 to %scan3A_60 step %scan3A_61  : i32 {
        %gt3A = arith.constant 0 : i32
        %gt3A_64 = arith.cmpi sgt, %scan3A_63, %gt3A : i32
        %gt3A_65 = arith.constant 0 : i32
        %gt3A_66 = arith.cmpi sgt, %while3A_52, %gt3A_65 : i32
        %or3A = arith.ori %gt3A_64, %gt3A_66 : i1
        %convert_element_type3A = arith.extui %or3A : i1 to i32
        %cond3A = arith.constant 0 : i32
        %cond3A_67 = arith.cmpi ne, %convert_element_type3A, %cond3A : i32
        scf.if %cond3A_67 {
          %dma_wait3A_117 = arith.constant 0 : i32
          %dma_wait3A_118 = arith.constant 0 : i32
          %dma_wait3A_119 = tpu.memref_slice %arg7[%dma_wait3A_117, %dma_wait3A_118] : memref<10112x128xf32, #tpu.memory_space<vmem_shared>> -> memref<256x128xf32, #tpu.memory_space<vmem_shared>>
          %dma_wait3A_120 = arith.constant 0 : i32
          %dma_wait3A_121 = arith.constant 0 : i32
          %dma_wait3A_122 = tpu.memref_slice %arg7[%dma_wait3A_120, %dma_wait3A_121] : memref<10112x128xf32, #tpu.memory_space<vmem_shared>> -> memref<256x128xf32, #tpu.memory_space<vmem_shared>>
          tpu.wait_dma2 semaphore(%arg9 : memref<!tpu.dma_semaphore, #tpu.memory_space<semaphore_mem>>) src(%arg6 : memref<256x128xf32, #tpu.memory_space<vmem>>) dst(%dma_wait3A_122 : memref<256x128xf32, #tpu.memory_space<vmem_shared>>)
        } else {
        }
        %mul3A_68 = arith.constant 4 : i32
        %mul3A_69 = arith.muli %scan3A_63, %mul3A_68 : i32
        %dma_start3A = arith.constant 0 : i32
        %dma_start3A_70 = arith.constant 0 : i32
        %dma_start3A_71 = tpu.memref_slice %arg6[%dma_start3A, %dma_start3A_70] : memref<256x128xf32, #tpu.memory_space<vmem>> -> memref<128x128xf32, #tpu.memory_space<vmem>>
        %dma_start3A_72 = arith.constant 0 : i32
        %dma_start3A_73 = tpu.memref_slice %arg5[%mul3A_69, %dma_start3A_72] : memref<16x128xi32, #tpu.memory_space<vmem>> -> memref<1x128xi32, #tpu.memory_space<vmem>>
        %dma_start3A_74 = tpu.memref_squeeze %dma_start3A_73 : memref<1x128xi32, #tpu.memory_space<vmem>> -> memref<128xi32, #tpu.memory_space<vmem>>
        %dma_start3A_75 = arith.constant 0 : i32
        %dma_start3A_76 = arith.constant 0 : i32
        %dma_start3A_77 = tpu.memref_slice %arg2[%dma_start3A_75, %dma_start3A_76] : memref<10112x128xf32, #tpu.memory_space<hbm>> -> memref<10112x128xf32, #tpu.memory_space<hbm>>
        tpu.enqueue_indirect_dma source(%dma_start3A_77 : memref<10112x128xf32, #tpu.memory_space<hbm>>) target(%dma_start3A_71 : memref<128x128xf32, #tpu.memory_space<vmem>>) offsets(%dma_start3A_74 : memref<128xi32, #tpu.memory_space<vmem>>) semaphore(%arg8 : memref<!tpu.dma_semaphore, #tpu.memory_space<semaphore_mem>>)
        %add3A_78 = arith.constant 2 : i32
        %add3A_79 = arith.addi %mul3A_69, %add3A_78 : i32
        %dma_start3A_80 = arith.constant 128 : i32
        %dma_start3A_81 = arith.constant 0 : i32
        %dma_start3A_82 = tpu.memref_slice %arg6[%dma_start3A_80, %dma_start3A_81] : memref<256x128xf32, #tpu.memory_space<vmem>> -> memref<128x128xf32, #tpu.memory_space<vmem>>
        %dma_start3A_83 = arith.constant 0 : i32
        %dma_start3A_84 = tpu.memref_slice %arg5[%add3A_79, %dma_start3A_83] : memref<16x128xi32, #tpu.memory_space<vmem>> -> memref<1x128xi32, #tpu.memory_space<vmem>>
        %dma_start3A_85 = tpu.memref_squeeze %dma_start3A_84 : memref<1x128xi32, #tpu.memory_space<vmem>> -> memref<128xi32, #tpu.memory_space<vmem>>
        %dma_start3A_86 = arith.constant 0 : i32
        %dma_start3A_87 = arith.constant 0 : i32
        %dma_start3A_88 = tpu.memref_slice %arg2[%dma_start3A_86, %dma_start3A_87] : memref<10112x128xf32, #tpu.memory_space<hbm>> -> memref<10112x128xf32, #tpu.memory_space<hbm>>
        tpu.enqueue_indirect_dma source(%dma_start3A_88 : memref<10112x128xf32, #tpu.memory_space<hbm>>) target(%dma_start3A_82 : memref<128x128xf32, #tpu.memory_space<vmem>>) offsets(%dma_start3A_85 : memref<128xi32, #tpu.memory_space<vmem>>) semaphore(%arg8 : memref<!tpu.dma_semaphore, #tpu.memory_space<semaphore_mem>>)
        %dma_wait3A_89 = arith.constant 0 : i32
        %dma_wait3A_90 = arith.constant 0 : i32
        %dma_wait3A_91 = tpu.memref_slice %arg2[%dma_wait3A_89, %dma_wait3A_90] : memref<10112x128xf32, #tpu.memory_space<hbm>> -> memref<256x128xf32, #tpu.memory_space<hbm>>
        %dma_wait3A_92 = arith.constant 0 : i32
        %dma_wait3A_93 = arith.constant 0 : i32
        %dma_wait3A_94 = tpu.memref_slice %arg2[%dma_wait3A_92, %dma_wait3A_93] : memref<10112x128xf32, #tpu.memory_space<hbm>> -> memref<256x128xf32, #tpu.memory_space<hbm>>
        tpu.wait_dma2 semaphore(%arg8 : memref<!tpu.dma_semaphore, #tpu.memory_space<semaphore_mem>>) src(%dma_wait3A_94 : memref<256x128xf32, #tpu.memory_space<hbm>>) dst(%arg6 : memref<256x128xf32, #tpu.memory_space<vmem>>)
        %add3A_95 = arith.constant 1 : i32
        %add3A_96 = arith.addi %mul3A_69, %add3A_95 : i32
        %dma_start3A_97 = arith.constant 0 : i32
        %dma_start3A_98 = arith.constant 0 : i32
        %dma_start3A_99 = tpu.memref_slice %arg6[%dma_start3A_97, %dma_start3A_98] : memref<256x128xf32, #tpu.memory_space<vmem>> -> memref<128x128xf32, #tpu.memory_space<vmem>>
        %dma_start3A_100 = arith.constant 0 : i32
        %dma_start3A_101 = tpu.memref_slice %arg5[%add3A_96, %dma_start3A_100] : memref<16x128xi32, #tpu.memory_space<vmem>> -> memref<1x128xi32, #tpu.memory_space<vmem>>
        %dma_start3A_102 = tpu.memref_squeeze %dma_start3A_101 : memref<1x128xi32, #tpu.memory_space<vmem>> -> memref<128xi32, #tpu.memory_space<vmem>>
        %dma_start3A_103 = arith.constant 0 : i32
        %dma_start3A_104 = arith.constant 0 : i32
        %dma_start3A_105 = tpu.memref_slice %arg7[%dma_start3A_103, %dma_start3A_104] : memref<10112x128xf32, #tpu.memory_space<vmem_shared>> -> memref<10112x128xf32, #tpu.memory_space<vmem_shared>>
        tpu.enqueue_indirect_dma source(%dma_start3A_99 : memref<128x128xf32, #tpu.memory_space<vmem>>) target(%dma_start3A_105 : memref<10112x128xf32, #tpu.memory_space<vmem_shared>>) offsets(%dma_start3A_102 : memref<128xi32, #tpu.memory_space<vmem>>) semaphore(%arg9 : memref<!tpu.dma_semaphore, #tpu.memory_space<semaphore_mem>>) {add = true}
        %add3A_106 = arith.constant 3 : i32
        %add3A_107 = arith.addi %mul3A_69, %add3A_106 : i32
        %dma_start3A_108 = arith.constant 128 : i32
        %dma_start3A_109 = arith.constant 0 : i32
        %dma_start3A_110 = tpu.memref_slice %arg6[%dma_start3A_108, %dma_start3A_109] : memref<256x128xf32, #tpu.memory_space<vmem>> -> memref<128x128xf32, #tpu.memory_space<vmem>>
        %dma_start3A_111 = arith.constant 0 : i32
        %dma_start3A_112 = tpu.memref_slice %arg5[%add3A_107, %dma_start3A_111] : memref<16x128xi32, #tpu.memory_space<vmem>> -> memref<1x128xi32, #tpu.memory_space<vmem>>
        %dma_start3A_113 = tpu.memref_squeeze %dma_start3A_112 : memref<1x128xi32, #tpu.memory_space<vmem>> -> memref<128xi32, #tpu.memory_space<vmem>>
        %dma_start3A_114 = arith.constant 0 : i32
        %dma_start3A_115 = arith.constant 0 : i32
        %dma_start3A_116 = tpu.memref_slice %arg7[%dma_start3A_114, %dma_start3A_115] : memref<10112x128xf32, #tpu.memory_space<vmem_shared>> -> memref<10112x128xf32, #tpu.memory_space<vmem_shared>>
        tpu.enqueue_indirect_dma source(%dma_start3A_110 : memref<128x128xf32, #tpu.memory_space<vmem>>) target(%dma_start3A_116 : memref<10112x128xf32, #tpu.memory_space<vmem_shared>>) offsets(%dma_start3A_113 : memref<128xi32, #tpu.memory_space<vmem>>) semaphore(%arg9 : memref<!tpu.dma_semaphore, #tpu.memory_space<semaphore_mem>>) {add = true}
      }
      %scan3A_62 = arith.constant 4 : i32
    }
    %dma_wait3A = arith.constant 0 : i32
    %dma_wait3A_32 = arith.constant 0 : i32
    %dma_wait3A_33 = tpu.memref_slice %arg7[%dma_wait3A, %dma_wait3A_32] : memref<10112x128xf32, #tpu.memory_space<vmem_shared>> -> memref<256x128xf32, #tpu.memory_space<vmem_shared>>
    %dma_wait3A_34 = arith.constant 0 : i32
    %dma_wait3A_35 = arith.constant 0 : i32
    %dma_wait3A_36 = tpu.memref_slice %arg7[%dma_wait3A_34, %dma_wait3A_35] : memref<10112x128xf32, #tpu.memory_space<vmem_shared>> -> memref<256x128xf32, #tpu.memory_space<vmem_shared>>
    tpu.wait_dma2 semaphore(%arg9 : memref<!tpu.dma_semaphore, #tpu.memory_space<semaphore_mem>>) src(%arg6 : memref<256x128xf32, #tpu.memory_space<vmem>>) dst(%dma_wait3A_36 : memref<256x128xf32, #tpu.memory_space<vmem_shared>>)
    %barrier3A_37 = arith.constant 0 : index
    tpu.barrier barrier_id(%barrier3A_37)
    %scan3A_38 = arith.constant 0 : i32
    %scan3A_39 = arith.constant 0 : i32
    %scan3A_40 = arith.constant 4 : i32
    %scan3A_41 = arith.addi %scan3A_39, %scan3A_40 : i32
    %scan3A_42 = arith.constant 1 : i32
    scf.for %scan3A_52 = %scan3A_39 to %scan3A_41 step %scan3A_42  : i32 {
      %mul3A_53 = arith.constant 632 : i32
      %mul3A_54 = arith.muli %arg1, %mul3A_53 : i32
      %mul3A_55 = arith.constant 128 : i32
      %mul3A_56 = arith.muli %scan3A_52, %mul3A_55 : i32
      %add3A_57 = arith.addi %mul3A_54, %mul3A_56 : i32
      %mul3A_58 = arith.constant 632 : i32
      %mul3A_59 = arith.muli %arg1, %mul3A_58 : i32
      %mul3A_60 = arith.constant 128 : i32
      %mul3A_61 = arith.muli %scan3A_52, %mul3A_60 : i32
      %add3A_62 = arith.addi %mul3A_59, %mul3A_61 : i32
      "tpu.region"() ({
        %run_scoped3A = tpu.sem_alloc : memref<!tpu.dma_semaphore, #tpu.memory_space<semaphore_mem>>
        %dma_start3A = arith.constant 0 : i32
        %dma_start3A_63 = tpu.memref_slice %arg4[%arg0, %add3A_62, %dma_start3A] : memref<2x10112x128xf32, #tpu.memory_space<hbm>> -> memref<1x128x128xf32, #tpu.memory_space<hbm>>
        %dma_start3A_64 = tpu.memref_squeeze %dma_start3A_63 : memref<1x128x128xf32, #tpu.memory_space<hbm>> -> memref<128x128xf32, #tpu.memory_space<hbm>>
        %dma_start3A_65 = arith.constant 0 : i32
        %dma_start3A_66 = tpu.memref_slice %arg7[%add3A_57, %dma_start3A_65] : memref<10112x128xf32, #tpu.memory_space<vmem_shared>> -> memref<128x128xf32, #tpu.memory_space<vmem_shared>>
        tpu.enqueue_dma source(%dma_start3A_66 : memref<128x128xf32, #tpu.memory_space<vmem_shared>>) target(%dma_start3A_64 : memref<128x128xf32, #tpu.memory_space<hbm>>) target_semaphore(%run_scoped3A : memref<!tpu.dma_semaphore, #tpu.memory_space<semaphore_mem>>)
        %dma_wait3A_67 = arith.constant 0 : i32
        %dma_wait3A_68 = tpu.memref_slice %arg4[%arg0, %add3A_62, %dma_wait3A_67] : memref<2x10112x128xf32, #tpu.memory_space<hbm>> -> memref<1x128x128xf32, #tpu.memory_space<hbm>>
        %dma_wait3A_69 = tpu.memref_squeeze %dma_wait3A_68 : memref<1x128x128xf32, #tpu.memory_space<hbm>> -> memref<128x128xf32, #tpu.memory_space<hbm>>
        %dma_wait3A_70 = arith.constant 0 : i32
        %dma_wait3A_71 = tpu.memref_slice %arg7[%add3A_57, %dma_wait3A_70] : memref<10112x128xf32, #tpu.memory_space<vmem_shared>> -> memref<128x128xf32, #tpu.memory_space<vmem_shared>>
        tpu.wait_dma2 semaphore(%run_scoped3A : memref<!tpu.dma_semaphore, #tpu.memory_space<semaphore_mem>>) src(%dma_wait3A_71 : memref<128x128xf32, #tpu.memory_space<vmem_shared>>) dst(%dma_wait3A_69 : memref<128x128xf32, #tpu.memory_space<hbm>>)
        tpu.yield
      }) : () -> ()
    }
    %scan3A_43 = arith.constant 4 : i32
    %mul3A_44 = arith.constant 632 : i32
    %mul3A_45 = arith.muli %arg1, %mul3A_44 : i32
    %add3A_46 = arith.constant 512 : i32
    %add3A_47 = arith.addi %mul3A_45, %add3A_46 : i32
    %mul3A_48 = arith.constant 632 : i32
    %mul3A_49 = arith.muli %arg1, %mul3A_48 : i32
    %add3A_50 = arith.constant 512 : i32
    %add3A_51 = arith.addi %mul3A_49, %add3A_50 : i32
    "tpu.region"() ({
      %run_scoped3A = tpu.sem_alloc : memref<!tpu.dma_semaphore, #tpu.memory_space<semaphore_mem>>
      %dma_start3A = arith.constant 0 : i32
      %dma_start3A_52 = tpu.memref_slice %arg4[%arg0, %add3A_51, %dma_start3A] : memref<2x10112x128xf32, #tpu.memory_space<hbm>> -> memref<1x120x128xf32, #tpu.memory_space<hbm>>
      %dma_start3A_53 = tpu.memref_squeeze %dma_start3A_52 : memref<1x120x128xf32, #tpu.memory_space<hbm>> -> memref<120x128xf32, #tpu.memory_space<hbm>>
      %dma_start3A_54 = arith.constant 0 : i32
      %dma_start3A_55 = tpu.memref_slice %arg7[%add3A_47, %dma_start3A_54] : memref<10112x128xf32, #tpu.memory_space<vmem_shared>> -> memref<120x128xf32, #tpu.memory_space<vmem_shared>>
      tpu.enqueue_dma source(%dma_start3A_55 : memref<120x128xf32, #tpu.memory_space<vmem_shared>>) target(%dma_start3A_53 : memref<120x128xf32, #tpu.memory_space<hbm>>) target_semaphore(%run_scoped3A : memref<!tpu.dma_semaphore, #tpu.memory_space<semaphore_mem>>)
      %dma_wait3A_56 = arith.constant 0 : i32
      %dma_wait3A_57 = tpu.memref_slice %arg4[%arg0, %add3A_51, %dma_wait3A_56] : memref<2x10112x128xf32, #tpu.memory_space<hbm>> -> memref<1x120x128xf32, #tpu.memory_space<hbm>>
      %dma_wait3A_58 = tpu.memref_squeeze %dma_wait3A_57 : memref<1x120x128xf32, #tpu.memory_space<hbm>> -> memref<120x128xf32, #tpu.memory_space<hbm>>
      %dma_wait3A_59 = arith.constant 0 : i32
      %dma_wait3A_60 = tpu.memref_slice %arg7[%add3A_47, %dma_wait3A_59] : memref<10112x128xf32, #tpu.memory_space<vmem_shared>> -> memref<120x128xf32, #tpu.memory_space<vmem_shared>>
      tpu.wait_dma2 semaphore(%run_scoped3A : memref<!tpu.dma_semaphore, #tpu.memory_space<semaphore_mem>>) src(%dma_wait3A_60 : memref<120x128xf32, #tpu.memory_space<vmem_shared>>) dst(%dma_wait3A_58 : memref<120x128xf32, #tpu.memory_space<hbm>>)
      tpu.yield
    }) : () -> ()
    return
  }
}

#map = affine_map<(d0, d1) -> (0, 0)>
#map1 = affine_map<(d0, d1) -> (0, 0, 0)>
module attributes {stable_mosaic.version = 14 : i64} {
  func.func @_scatter_body(%arg0: i32, %arg1: i32, %arg2: memref<10112x128xf32, #tpu.memory_space<hbm>>, %arg3: memref<5120x128xi32, #tpu.memory_space<hbm>>, %arg4: memref<2x10112x128xf32, #tpu.memory_space<hbm>>, %arg5: memref<16x128xi32, #tpu.memory_space<vmem>>, %arg6: memref<256x128xf32, #tpu.memory_space<vmem>>, %arg7: memref<10112x128xf32, #tpu.memory_space<vmem_shared>>, %arg8: memref<!tpu.dma_semaphore, #tpu.memory_space<semaphore_mem>>, %arg9: memref<!tpu.dma_semaphore, #tpu.memory_space<semaphore_mem>>) attributes {dimension_semantics = [#tpu.dimension_semantics<core_parallel>, #tpu.dimension_semantics<subcore_parallel>], iteration_bounds = array<i64: 2, 16>, scalar_prefetch = 0 : i64, scratch_operands = 5 : i64, tpu.core_type = #tpu.core_type<sc_vector_subcore>, window_params = [{transform_indices = #map}, {transform_indices = #map}, {transform_indices = #map1}]} {
    %mul3A = arith.constant 2 : i32
    %mul3A_0 = arith.muli %arg1, %mul3A : i32
    %add3A = arith.addi %mul3A_0, %arg0 : i32
    %scan3A = arith.constant 0 : i32
    %scan3A_1 = arith.constant 0 : i32
    %scan3A_2 = arith.constant 128 : i32
    %scan3A_3 = arith.addi %scan3A_1, %scan3A_2 : i32
    %scan3A_4 = arith.constant 1 : i32
    scf.for %scan3A_52 = %scan3A_1 to %scan3A_3 step %scan3A_4  : i32 {
      %broadcast_in_dim3A = arith.constant 0.000000e+00 : f32
      %broadcast_in_dim3A_53 = vector.broadcast %broadcast_in_dim3A : f32 to vector<16xf32>
      %swap3A = arith.index_cast %scan3A_52 : i32 to index
      %swap3A_54 = arith.constant 0 : index
      %swap3A_55 = tpu.vector_load %arg6[%swap3A, %swap3A_54] {strides = array<i32>} : memref<256x128xf32, #tpu.memory_space<vmem>>, vector<1x16xf32>,
      %swap3A_56 = vector.shape_cast %swap3A_55 : vector<1x16xf32> to vector<16xf32>
      %swap3A_57 = vector.shape_cast %broadcast_in_dim3A_53 : vector<16xf32> to vector<1x16xf32>
      tpu.vector_store %arg6[%swap3A, %swap3A_54], %swap3A_57 {strides = array<i32>} : memref<256x128xf32, #tpu.memory_space<vmem>>, vector<1x16xf32>,
      %broadcast_in_dim3A_58 = arith.constant 0.000000e+00 : f32
      %broadcast_in_dim3A_59 = vector.broadcast %broadcast_in_dim3A_58 : f32 to vector<16xf32>
      %swap3A_60 = arith.index_cast %scan3A_52 : i32 to index
      %swap3A_61 = arith.constant 16 : index
      %swap3A_62 = tpu.vector_load %arg6[%swap3A_60, %swap3A_61] {strides = array<i32>} : memref<256x128xf32, #tpu.memory_space<vmem>>, vector<1x16xf32>,
      %swap3A_63 = vector.shape_cast %swap3A_62 : vector<1x16xf32> to vector<16xf32>
      %swap3A_64 = vector.shape_cast %broadcast_in_dim3A_59 : vector<16xf32> to vector<1x16xf32>
      tpu.vector_store %arg6[%swap3A_60, %swap3A_61], %swap3A_64 {strides = array<i32>} : memref<256x128xf32, #tpu.memory_space<vmem>>, vector<1x16xf32>,
      %broadcast_in_dim3A_65 = arith.constant 0.000000e+00 : f32
      %broadcast_in_dim3A_66 = vector.broadcast %broadcast_in_dim3A_65 : f32 to vector<16xf32>
      %swap3A_67 = arith.index_cast %scan3A_52 : i32 to index
      %swap3A_68 = arith.constant 32 : index
      %swap3A_69 = tpu.vector_load %arg6[%swap3A_67, %swap3A_68] {strides = array<i32>} : memref<256x128xf32, #tpu.memory_space<vmem>>, vector<1x16xf32>,
      %swap3A_70 = vector.shape_cast %swap3A_69 : vector<1x16xf32> to vector<16xf32>
      %swap3A_71 = vector.shape_cast %broadcast_in_dim3A_66 : vector<16xf32> to vector<1x16xf32>
      tpu.vector_store %arg6[%swap3A_67, %swap3A_68], %swap3A_71 {strides = array<i32>} : memref<256x128xf32, #tpu.memory_space<vmem>>, vector<1x16xf32>,
      %broadcast_in_dim3A_72 = arith.constant 0.000000e+00 : f32
      %broadcast_in_dim3A_73 = vector.broadcast %broadcast_in_dim3A_72 : f32 to vector<16xf32>
      %swap3A_74 = arith.index_cast %scan3A_52 : i32 to index
      %swap3A_75 = arith.constant 48 : index
      %swap3A_76 = tpu.vector_load %arg6[%swap3A_74, %swap3A_75] {strides = array<i32>} : memref<256x128xf32, #tpu.memory_space<vmem>>, vector<1x16xf32>,
      %swap3A_77 = vector.shape_cast %swap3A_76 : vector<1x16xf32> to vector<16xf32>
      %swap3A_78 = vector.shape_cast %broadcast_in_dim3A_73 : vector<16xf32> to vector<1x16xf32>
      tpu.vector_store %arg6[%swap3A_74, %swap3A_75], %swap3A_78 {strides = array<i32>} : memref<256x128xf32, #tpu.memory_space<vmem>>, vector<1x16xf32>,
      %broadcast_in_dim3A_79 = arith.constant 0.000000e+00 : f32
      %broadcast_in_dim3A_80 = vector.broadcast %broadcast_in_dim3A_79 : f32 to vector<16xf32>
      %swap3A_81 = arith.index_cast %scan3A_52 : i32 to index
      %swap3A_82 = arith.constant 64 : index
      %swap3A_83 = tpu.vector_load %arg6[%swap3A_81, %swap3A_82] {strides = array<i32>} : memref<256x128xf32, #tpu.memory_space<vmem>>, vector<1x16xf32>,
      %swap3A_84 = vector.shape_cast %swap3A_83 : vector<1x16xf32> to vector<16xf32>
      %swap3A_85 = vector.shape_cast %broadcast_in_dim3A_80 : vector<16xf32> to vector<1x16xf32>
      tpu.vector_store %arg6[%swap3A_81, %swap3A_82], %swap3A_85 {strides = array<i32>} : memref<256x128xf32, #tpu.memory_space<vmem>>, vector<1x16xf32>,
      %broadcast_in_dim3A_86 = arith.constant 0.000000e+00 : f32
      %broadcast_in_dim3A_87 = vector.broadcast %broadcast_in_dim3A_86 : f32 to vector<16xf32>
      %swap3A_88 = arith.index_cast %scan3A_52 : i32 to index
      %swap3A_89 = arith.constant 80 : index
      %swap3A_90 = tpu.vector_load %arg6[%swap3A_88, %swap3A_89] {strides = array<i32>} : memref<256x128xf32, #tpu.memory_space<vmem>>, vector<1x16xf32>,
      %swap3A_91 = vector.shape_cast %swap3A_90 : vector<1x16xf32> to vector<16xf32>
      %swap3A_92 = vector.shape_cast %broadcast_in_dim3A_87 : vector<16xf32> to vector<1x16xf32>
      tpu.vector_store %arg6[%swap3A_88, %swap3A_89], %swap3A_92 {strides = array<i32>} : memref<256x128xf32, #tpu.memory_space<vmem>>, vector<1x16xf32>,
      %broadcast_in_dim3A_93 = arith.constant 0.000000e+00 : f32
      %broadcast_in_dim3A_94 = vector.broadcast %broadcast_in_dim3A_93 : f32 to vector<16xf32>
      %swap3A_95 = arith.index_cast %scan3A_52 : i32 to index
      %swap3A_96 = arith.constant 96 : index
      %swap3A_97 = tpu.vector_load %arg6[%swap3A_95, %swap3A_96] {strides = array<i32>} : memref<256x128xf32, #tpu.memory_space<vmem>>, vector<1x16xf32>,
      %swap3A_98 = vector.shape_cast %swap3A_97 : vector<1x16xf32> to vector<16xf32>
      %swap3A_99 = vector.shape_cast %broadcast_in_dim3A_94 : vector<16xf32> to vector<1x16xf32>
      tpu.vector_store %arg6[%swap3A_95, %swap3A_96], %swap3A_99 {strides = array<i32>} : memref<256x128xf32, #tpu.memory_space<vmem>>, vector<1x16xf32>,
      %broadcast_in_dim3A_100 = arith.constant 0.000000e+00 : f32
      %broadcast_in_dim3A_101 = vector.broadcast %broadcast_in_dim3A_100 : f32 to vector<16xf32>
      %swap3A_102 = arith.index_cast %scan3A_52 : i32 to index
      %swap3A_103 = arith.constant 112 : index
      %swap3A_104 = tpu.vector_load %arg6[%swap3A_102, %swap3A_103] {strides = array<i32>} : memref<256x128xf32, #tpu.memory_space<vmem>>, vector<1x16xf32>,
      %swap3A_105 = vector.shape_cast %swap3A_104 : vector<1x16xf32> to vector<16xf32>
      %swap3A_106 = vector.shape_cast %broadcast_in_dim3A_101 : vector<16xf32> to vector<1x16xf32>
      tpu.vector_store %arg6[%swap3A_102, %swap3A_103], %swap3A_106 {strides = array<i32>} : memref<256x128xf32, #tpu.memory_space<vmem>>, vector<1x16xf32>,
    }
    %scan3A_5 = arith.constant 128 : i32
    %scan3A_6 = arith.constant 0 : i32
    %scan3A_7 = arith.constant 0 : i32
    %scan3A_8 = arith.constant 4 : i32
    %scan3A_9 = arith.addi %scan3A_7, %scan3A_8 : i32
    %scan3A_10 = arith.constant 1 : i32
    scf.for %scan3A_52 = %scan3A_7 to %scan3A_9 step %scan3A_10  : i32 {
      %mul3A_53 = arith.constant 632 : i32
      %mul3A_54 = arith.muli %arg1, %mul3A_53 : i32
      %mul3A_55 = arith.constant 128 : i32
      %mul3A_56 = arith.muli %scan3A_52, %mul3A_55 : i32
      %add3A_57 = arith.addi %mul3A_54, %mul3A_56 : i32
      "tpu.region"() ({
        %run_scoped3A = tpu.sem_alloc : memref<!tpu.dma_semaphore, #tpu.memory_space<semaphore_mem>>
        %dma_start3A = arith.constant 0 : i32
        %dma_start3A_58 = arith.constant 0 : i32
        %dma_start3A_59 = tpu.memref_slice %arg6[%dma_start3A, %dma_start3A_58] : memref<256x128xf32, #tpu.memory_space<vmem>> -> memref<128x128xf32, #tpu.memory_space<vmem>>
        %dma_start3A_60 = arith.constant 0 : i32
        %dma_start3A_61 = tpu.memref_slice %arg7[%add3A_57, %dma_start3A_60] : memref<10112x128xf32, #tpu.memory_space<vmem_shared>> -> memref<128x128xf32, #tpu.memory_space<vmem_shared>>
        %dma_start3A_62 = arith.constant 0 : i32
        %dma_start3A_63 = tpu.memref_slice %arg7[%add3A_57, %dma_start3A_62] : memref<10112x128xf32, #tpu.memory_space<vmem_shared>> -> memref<128x128xf32, #tpu.memory_space<vmem_shared>>
        %dma_start3A_64 = arith.constant 0 : i32
        %dma_start3A_65 = arith.constant 0 : i32
        %dma_start3A_66 = tpu.memref_slice %arg6[%dma_start3A_64, %dma_start3A_65] : memref<256x128xf32, #tpu.memory_space<vmem>> -> memref<128x128xf32, #tpu.memory_space<vmem>>
        tpu.enqueue_dma source(%dma_start3A_66 : memref<128x128xf32, #tpu.memory_space<vmem>>) target(%dma_start3A_63 : memref<128x128xf32, #tpu.memory_space<vmem_shared>>) target_semaphore(%run_scoped3A : memref<!tpu.dma_semaphore, #tpu.memory_space<semaphore_mem>>)
        %dma_wait3A_67 = arith.constant 0 : i32
        %dma_wait3A_68 = arith.constant 0 : i32
        %dma_wait3A_69 = tpu.memref_slice %arg6[%dma_wait3A_67, %dma_wait3A_68] : memref<256x128xf32, #tpu.memory_space<vmem>> -> memref<128x128xf32, #tpu.memory_space<vmem>>
        %dma_wait3A_70 = arith.constant 0 : i32
        %dma_wait3A_71 = tpu.memref_slice %arg7[%add3A_57, %dma_wait3A_70] : memref<10112x128xf32, #tpu.memory_space<vmem_shared>> -> memref<128x128xf32, #tpu.memory_space<vmem_shared>>
        %dma_wait3A_72 = arith.constant 0 : i32
        %dma_wait3A_73 = tpu.memref_slice %arg7[%add3A_57, %dma_wait3A_72] : memref<10112x128xf32, #tpu.memory_space<vmem_shared>> -> memref<128x128xf32, #tpu.memory_space<vmem_shared>>
        %dma_wait3A_74 = arith.constant 0 : i32
        %dma_wait3A_75 = arith.constant 0 : i32
        %dma_wait3A_76 = tpu.memref_slice %arg6[%dma_wait3A_74, %dma_wait3A_75] : memref<256x128xf32, #tpu.memory_space<vmem>> -> memref<128x128xf32, #tpu.memory_space<vmem>>
        tpu.wait_dma2 semaphore(%run_scoped3A : memref<!tpu.dma_semaphore, #tpu.memory_space<semaphore_mem>>) src(%dma_wait3A_76 : memref<128x128xf32, #tpu.memory_space<vmem>>) dst(%dma_wait3A_73 : memref<128x128xf32, #tpu.memory_space<vmem_shared>>)
        tpu.yield
      }) : () -> ()
    }
    %scan3A_11 = arith.constant 4 : i32
    %mul3A_12 = arith.constant 632 : i32
    %mul3A_13 = arith.muli %arg1, %mul3A_12 : i32
    %add3A_14 = arith.constant 512 : i32
    %add3A_15 = arith.addi %mul3A_13, %add3A_14 : i32
    "tpu.region"() ({
      %run_scoped3A = tpu.sem_alloc : memref<!tpu.dma_semaphore, #tpu.memory_space<semaphore_mem>>
      %dma_start3A = arith.constant 0 : i32
      %dma_start3A_52 = arith.constant 0 : i32
      %dma_start3A_53 = tpu.memref_slice %arg6[%dma_start3A, %dma_start3A_52] : memref<256x128xf32, #tpu.memory_space<vmem>> -> memref<120x128xf32, #tpu.memory_space<vmem>>
      %dma_start3A_54 = arith.constant 0 : i32
      %dma_start3A_55 = tpu.memref_slice %arg7[%add3A_15, %dma_start3A_54] : memref<10112x128xf32, #tpu.memory_space<vmem_shared>> -> memref<120x128xf32, #tpu.memory_space<vmem_shared>>
      %dma_start3A_56 = arith.constant 0 : i32
      %dma_start3A_57 = tpu.memref_slice %arg7[%add3A_15, %dma_start3A_56] : memref<10112x128xf32, #tpu.memory_space<vmem_shared>> -> memref<120x128xf32, #tpu.memory_space<vmem_shared>>
      %dma_start3A_58 = arith.constant 0 : i32
      %dma_start3A_59 = arith.constant 0 : i32
      %dma_start3A_60 = tpu.memref_slice %arg6[%dma_start3A_58, %dma_start3A_59] : memref<256x128xf32, #tpu.memory_space<vmem>> -> memref<120x128xf32, #tpu.memory_space<vmem>>
      tpu.enqueue_dma source(%dma_start3A_60 : memref<120x128xf32, #tpu.memory_space<vmem>>) target(%dma_start3A_57 : memref<120x128xf32, #tpu.memory_space<vmem_shared>>) target_semaphore(%run_scoped3A : memref<!tpu.dma_semaphore, #tpu.memory_space<semaphore_mem>>)
      %dma_wait3A_61 = arith.constant 0 : i32
      %dma_wait3A_62 = arith.constant 0 : i32
      %dma_wait3A_63 = tpu.memref_slice %arg6[%dma_wait3A_61, %dma_wait3A_62] : memref<256x128xf32, #tpu.memory_space<vmem>> -> memref<120x128xf32, #tpu.memory_space<vmem>>
      %dma_wait3A_64 = arith.constant 0 : i32
      %dma_wait3A_65 = tpu.memref_slice %arg7[%add3A_15, %dma_wait3A_64] : memref<10112x128xf32, #tpu.memory_space<vmem_shared>> -> memref<120x128xf32, #tpu.memory_space<vmem_shared>>
      %dma_wait3A_66 = arith.constant 0 : i32
      %dma_wait3A_67 = tpu.memref_slice %arg7[%add3A_15, %dma_wait3A_66] : memref<10112x128xf32, #tpu.memory_space<vmem_shared>> -> memref<120x128xf32, #tpu.memory_space<vmem_shared>>
      %dma_wait3A_68 = arith.constant 0 : i32
      %dma_wait3A_69 = arith.constant 0 : i32
      %dma_wait3A_70 = tpu.memref_slice %arg6[%dma_wait3A_68, %dma_wait3A_69] : memref<256x128xf32, #tpu.memory_space<vmem>> -> memref<120x128xf32, #tpu.memory_space<vmem>>
      tpu.wait_dma2 semaphore(%run_scoped3A : memref<!tpu.dma_semaphore, #tpu.memory_space<semaphore_mem>>) src(%dma_wait3A_70 : memref<120x128xf32, #tpu.memory_space<vmem>>) dst(%dma_wait3A_67 : memref<120x128xf32, #tpu.memory_space<vmem_shared>>)
      tpu.yield
    }) : () -> ()
    %barrier3A = arith.constant 0 : index
    tpu.barrier barrier_id(%barrier3A)
    %mul3A_16 = arith.constant 320 : i32
    %mul3A_17 = arith.muli %arg1, %mul3A_16 : i32
    %mul3A_18 = arith.constant 240 : i32
    %mul3A_19 = arith.muli %arg0, %mul3A_18 : i32
    %add3A_20 = arith.addi %mul3A_17, %mul3A_19 : i32
    %multiple_of3A = tpu.assume_multiple %add3A_20, 8 : i32
    %eq3A = arith.constant 0 : i32
    %eq3A_21 = arith.cmpi eq, %arg0, %eq3A : i32
    %jit3A = arith.constant 15 : i32
    %jit3A_22 = arith.constant 5 : i32
    %select_n3A = arith.select %eq3A_21, %jit3A, %jit3A_22 : i32
    %while3A = arith.constant 0 : i32
    %while3A_23 = arith.constant 0 : i32
    %while3A_24 = arith.subi %select_n3A, %while3A_23 : i32
    %while3A_25 = arith.addi %while3A_23, %while3A_24 : i32
    %while3A_26 = arith.constant 1 : i32
    %while3A_27 = arith.divsi %while3A_24, %while3A_26 : i32
    %while3A_28 = arith.muli %while3A_27, %while3A_26 : i32
    %while3A_29 = arith.addi %while3A_23, %while3A_28 : i32
    %while3A_30 = arith.constant 1 : i32
    scf.for %while3A_52 = %while3A_23 to %while3A_29 step %while3A_30  : i32 {
      %mul3A_53 = arith.constant 16 : i32
      %mul3A_54 = arith.muli %while3A_52, %mul3A_53 : i32
      %multiple_of3A_55 = tpu.assume_multiple %mul3A_54, 16 : i32
      %add3A_56 = arith.addi %multiple_of3A, %multiple_of3A_55 : i32
      "tpu.region"() ({
        %run_scoped3A = tpu.sem_alloc : memref<!tpu.dma_semaphore, #tpu.memory_space<semaphore_mem>>
        %dma_start3A = arith.constant 0 : i32
        %dma_start3A_63 = tpu.memref_slice %arg3[%add3A_56, %dma_start3A] : memref<5120x128xi32, #tpu.memory_space<hbm>> -> memref<16x128xi32, #tpu.memory_space<hbm>>
        %dma_start3A_64 = arith.constant 0 : i32
        %dma_start3A_65 = tpu.memref_slice %arg3[%add3A_56, %dma_start3A_64] : memref<5120x128xi32, #tpu.memory_space<hbm>> -> memref<16x128xi32, #tpu.memory_space<hbm>>
        tpu.enqueue_dma source(%dma_start3A_65 : memref<16x128xi32, #tpu.memory_space<hbm>>) target(%arg5 : memref<16x128xi32, #tpu.memory_space<vmem>>) target_semaphore(%run_scoped3A : memref<!tpu.dma_semaphore, #tpu.memory_space<semaphore_mem>>)
        %dma_wait3A_66 = arith.constant 0 : i32
        %dma_wait3A_67 = tpu.memref_slice %arg3[%add3A_56, %dma_wait3A_66] : memref<5120x128xi32, #tpu.memory_space<hbm>> -> memref<16x128xi32, #tpu.memory_space<hbm>>
        %dma_wait3A_68 = arith.constant 0 : i32
        %dma_wait3A_69 = tpu.memref_slice %arg3[%add3A_56, %dma_wait3A_68] : memref<5120x128xi32, #tpu.memory_space<hbm>> -> memref<16x128xi32, #tpu.memory_space<hbm>>
        tpu.wait_dma2 semaphore(%run_scoped3A : memref<!tpu.dma_semaphore, #tpu.memory_space<semaphore_mem>>) src(%dma_wait3A_69 : memref<16x128xi32, #tpu.memory_space<hbm>>) dst(%arg5 : memref<16x128xi32, #tpu.memory_space<vmem>>)
        tpu.yield
      }) : () -> ()
      %scan3A_57 = arith.constant 0 : i32
      %scan3A_58 = arith.constant 0 : i32
      %scan3A_59 = arith.constant 4 : i32
      %scan3A_60 = arith.addi %scan3A_58, %scan3A_59 : i32
      %scan3A_61 = arith.constant 1 : i32
      scf.for %scan3A_63 = %scan3A_58 to %scan3A_60 step %scan3A_61  : i32 {
        %gt3A = arith.constant 0 : i32
        %gt3A_64 = arith.cmpi sgt, %scan3A_63, %gt3A : i32
        %gt3A_65 = arith.constant 0 : i32
        %gt3A_66 = arith.cmpi sgt, %while3A_52, %gt3A_65 : i32
        %or3A = arith.ori %gt3A_64, %gt3A_66 : i1
        %convert_element_type3A = arith.extui %or3A : i1 to i32
        %cond3A = arith.constant 0 : i32
        %cond3A_67 = arith.cmpi ne, %convert_element_type3A, %cond3A : i32
        scf.if %cond3A_67 {
          %dma_wait3A_117 = arith.constant 0 : i32
          %dma_wait3A_118 = arith.constant 0 : i32
          %dma_wait3A_119 = tpu.memref_slice %arg7[%dma_wait3A_117, %dma_wait3A_118] : memref<10112x128xf32, #tpu.memory_space<vmem_shared>> -> memref<256x128xf32, #tpu.memory_space<vmem_shared>>
          %dma_wait3A_120 = arith.constant 0 : i32
          %dma_wait3A_121 = arith.constant 0 : i32
          %dma_wait3A_122 = tpu.memref_slice %arg7[%dma_wait3A_120, %dma_wait3A_121] : memref<10112x128xf32, #tpu.memory_space<vmem_shared>> -> memref<256x128xf32, #tpu.memory_space<vmem_shared>>
          tpu.wait_dma2 semaphore(%arg9 : memref<!tpu.dma_semaphore, #tpu.memory_space<semaphore_mem>>) src(%arg6 : memref<256x128xf32, #tpu.memory_space<vmem>>) dst(%dma_wait3A_122 : memref<256x128xf32, #tpu.memory_space<vmem_shared>>)
        } else {
        }
        %mul3A_68 = arith.constant 4 : i32
        %mul3A_69 = arith.muli %scan3A_63, %mul3A_68 : i32
        %dma_start3A = arith.constant 0 : i32
        %dma_start3A_70 = arith.constant 0 : i32
        %dma_start3A_71 = tpu.memref_slice %arg6[%dma_start3A, %dma_start3A_70] : memref<256x128xf32, #tpu.memory_space<vmem>> -> memref<128x128xf32, #tpu.memory_space<vmem>>
        %dma_start3A_72 = arith.constant 0 : i32
        %dma_start3A_73 = tpu.memref_slice %arg5[%mul3A_69, %dma_start3A_72] : memref<16x128xi32, #tpu.memory_space<vmem>> -> memref<1x128xi32, #tpu.memory_space<vmem>>
        %dma_start3A_74 = tpu.memref_squeeze %dma_start3A_73 : memref<1x128xi32, #tpu.memory_space<vmem>> -> memref<128xi32, #tpu.memory_space<vmem>>
        %dma_start3A_75 = arith.constant 0 : i32
        %dma_start3A_76 = arith.constant 0 : i32
        %dma_start3A_77 = tpu.memref_slice %arg2[%dma_start3A_75, %dma_start3A_76] : memref<10112x128xf32, #tpu.memory_space<hbm>> -> memref<10112x128xf32, #tpu.memory_space<hbm>>
        tpu.enqueue_indirect_dma source(%dma_start3A_77 : memref<10112x128xf32, #tpu.memory_space<hbm>>) target(%dma_start3A_71 : memref<128x128xf32, #tpu.memory_space<vmem>>) offsets(%dma_start3A_74 : memref<128xi32, #tpu.memory_space<vmem>>) semaphore(%arg8 : memref<!tpu.dma_semaphore, #tpu.memory_space<semaphore_mem>>)
        %add3A_78 = arith.constant 2 : i32
        %add3A_79 = arith.addi %mul3A_69, %add3A_78 : i32
        %dma_start3A_80 = arith.constant 128 : i32
        %dma_start3A_81 = arith.constant 0 : i32
        %dma_start3A_82 = tpu.memref_slice %arg6[%dma_start3A_80, %dma_start3A_81] : memref<256x128xf32, #tpu.memory_space<vmem>> -> memref<128x128xf32, #tpu.memory_space<vmem>>
        %dma_start3A_83 = arith.constant 0 : i32
        %dma_start3A_84 = tpu.memref_slice %arg5[%add3A_79, %dma_start3A_83] : memref<16x128xi32, #tpu.memory_space<vmem>> -> memref<1x128xi32, #tpu.memory_space<vmem>>
        %dma_start3A_85 = tpu.memref_squeeze %dma_start3A_84 : memref<1x128xi32, #tpu.memory_space<vmem>> -> memref<128xi32, #tpu.memory_space<vmem>>
        %dma_start3A_86 = arith.constant 0 : i32
        %dma_start3A_87 = arith.constant 0 : i32
        %dma_start3A_88 = tpu.memref_slice %arg2[%dma_start3A_86, %dma_start3A_87] : memref<10112x128xf32, #tpu.memory_space<hbm>> -> memref<10112x128xf32, #tpu.memory_space<hbm>>
        tpu.enqueue_indirect_dma source(%dma_start3A_88 : memref<10112x128xf32, #tpu.memory_space<hbm>>) target(%dma_start3A_82 : memref<128x128xf32, #tpu.memory_space<vmem>>) offsets(%dma_start3A_85 : memref<128xi32, #tpu.memory_space<vmem>>) semaphore(%arg8 : memref<!tpu.dma_semaphore, #tpu.memory_space<semaphore_mem>>)
        %dma_wait3A_89 = arith.constant 0 : i32
        %dma_wait3A_90 = arith.constant 0 : i32
        %dma_wait3A_91 = tpu.memref_slice %arg2[%dma_wait3A_89, %dma_wait3A_90] : memref<10112x128xf32, #tpu.memory_space<hbm>> -> memref<256x128xf32, #tpu.memory_space<hbm>>
        %dma_wait3A_92 = arith.constant 0 : i32
        %dma_wait3A_93 = arith.constant 0 : i32
        %dma_wait3A_94 = tpu.memref_slice %arg2[%dma_wait3A_92, %dma_wait3A_93] : memref<10112x128xf32, #tpu.memory_space<hbm>> -> memref<256x128xf32, #tpu.memory_space<hbm>>
        tpu.wait_dma2 semaphore(%arg8 : memref<!tpu.dma_semaphore, #tpu.memory_space<semaphore_mem>>) src(%dma_wait3A_94 : memref<256x128xf32, #tpu.memory_space<hbm>>) dst(%arg6 : memref<256x128xf32, #tpu.memory_space<vmem>>)
        %add3A_95 = arith.constant 1 : i32
        %add3A_96 = arith.addi %mul3A_69, %add3A_95 : i32
        %dma_start3A_97 = arith.constant 0 : i32
        %dma_start3A_98 = arith.constant 0 : i32
        %dma_start3A_99 = tpu.memref_slice %arg6[%dma_start3A_97, %dma_start3A_98] : memref<256x128xf32, #tpu.memory_space<vmem>> -> memref<128x128xf32, #tpu.memory_space<vmem>>
        %dma_start3A_100 = arith.constant 0 : i32
        %dma_start3A_101 = tpu.memref_slice %arg5[%add3A_96, %dma_start3A_100] : memref<16x128xi32, #tpu.memory_space<vmem>> -> memref<1x128xi32, #tpu.memory_space<vmem>>
        %dma_start3A_102 = tpu.memref_squeeze %dma_start3A_101 : memref<1x128xi32, #tpu.memory_space<vmem>> -> memref<128xi32, #tpu.memory_space<vmem>>
        %dma_start3A_103 = arith.constant 0 : i32
        %dma_start3A_104 = arith.constant 0 : i32
        %dma_start3A_105 = tpu.memref_slice %arg7[%dma_start3A_103, %dma_start3A_104] : memref<10112x128xf32, #tpu.memory_space<vmem_shared>> -> memref<10112x128xf32, #tpu.memory_space<vmem_shared>>
        tpu.enqueue_indirect_dma source(%dma_start3A_99 : memref<128x128xf32, #tpu.memory_space<vmem>>) target(%dma_start3A_105 : memref<10112x128xf32, #tpu.memory_space<vmem_shared>>) offsets(%dma_start3A_102 : memref<128xi32, #tpu.memory_space<vmem>>) semaphore(%arg9 : memref<!tpu.dma_semaphore, #tpu.memory_space<semaphore_mem>>) {add = true}
        %add3A_106 = arith.constant 3 : i32
        %add3A_107 = arith.addi %mul3A_69, %add3A_106 : i32
        %dma_start3A_108 = arith.constant 128 : i32
        %dma_start3A_109 = arith.constant 0 : i32
        %dma_start3A_110 = tpu.memref_slice %arg6[%dma_start3A_108, %dma_start3A_109] : memref<256x128xf32, #tpu.memory_space<vmem>> -> memref<128x128xf32, #tpu.memory_space<vmem>>
        %dma_start3A_111 = arith.constant 0 : i32
        %dma_start3A_112 = tpu.memref_slice %arg5[%add3A_107, %dma_start3A_111] : memref<16x128xi32, #tpu.memory_space<vmem>> -> memref<1x128xi32, #tpu.memory_space<vmem>>
        %dma_start3A_113 = tpu.memref_squeeze %dma_start3A_112 : memref<1x128xi32, #tpu.memory_space<vmem>> -> memref<128xi32, #tpu.memory_space<vmem>>
        %dma_start3A_114 = arith.constant 0 : i32
        %dma_start3A_115 = arith.constant 0 : i32
        %dma_start3A_116 = tpu.memref_slice %arg7[%dma_start3A_114, %dma_start3A_115] : memref<10112x128xf32, #tpu.memory_space<vmem_shared>> -> memref<10112x128xf32, #tpu.memory_space<vmem_shared>>
        tpu.enqueue_indirect_dma source(%dma_start3A_110 : memref<128x128xf32, #tpu.memory_space<vmem>>) target(%dma_start3A_116 : memref<10112x128xf32, #tpu.memory_space<vmem_shared>>) offsets(%dma_start3A_113 : memref<128xi32, #tpu.memory_space<vmem>>) semaphore(%arg9 : memref<!tpu.dma_semaphore, #tpu.memory_space<semaphore_mem>>) {add = true}
      }
      %scan3A_62 = arith.constant 4 : i32
    }
    %while3A_31 = arith.constant 1 : i32
    scf.for %while3A_52 = %while3A_29 to %while3A_25 step %while3A_31  : i32 {
      %mul3A_53 = arith.constant 16 : i32
      %mul3A_54 = arith.muli %while3A_52, %mul3A_53 : i32
      %multiple_of3A_55 = tpu.assume_multiple %mul3A_54, 16 : i32
      %add3A_56 = arith.addi %multiple_of3A, %multiple_of3A_55 : i32
      "tpu.region"() ({
        %run_scoped3A = tpu.sem_alloc : memref<!tpu.dma_semaphore, #tpu.memory_space<semaphore_mem>>
        %dma_start3A = arith.constant 0 : i32
        %dma_start3A_63 = tpu.memref_slice %arg3[%add3A_56, %dma_start3A] : memref<5120x128xi32, #tpu.memory_space<hbm>> -> memref<16x128xi32, #tpu.memory_space<hbm>>
        %dma_start3A_64 = arith.constant 0 : i32
        %dma_start3A_65 = tpu.memref_slice %arg3[%add3A_56, %dma_start3A_64] : memref<5120x128xi32, #tpu.memory_space<hbm>> -> memref<16x128xi32, #tpu.memory_space<hbm>>
        tpu.enqueue_dma source(%dma_start3A_65 : memref<16x128xi32, #tpu.memory_space<hbm>>) target(%arg5 : memref<16x128xi32, #tpu.memory_space<vmem>>) target_semaphore(%run_scoped3A : memref<!tpu.dma_semaphore, #tpu.memory_space<semaphore_mem>>)
        %dma_wait3A_66 = arith.constant 0 : i32
        %dma_wait3A_67 = tpu.memref_slice %arg3[%add3A_56, %dma_wait3A_66] : memref<5120x128xi32, #tpu.memory_space<hbm>> -> memref<16x128xi32, #tpu.memory_space<hbm>>
        %dma_wait3A_68 = arith.constant 0 : i32
        %dma_wait3A_69 = tpu.memref_slice %arg3[%add3A_56, %dma_wait3A_68] : memref<5120x128xi32, #tpu.memory_space<hbm>> -> memref<16x128xi32, #tpu.memory_space<hbm>>
        tpu.wait_dma2 semaphore(%run_scoped3A : memref<!tpu.dma_semaphore, #tpu.memory_space<semaphore_mem>>) src(%dma_wait3A_69 : memref<16x128xi32, #tpu.memory_space<hbm>>) dst(%arg5 : memref<16x128xi32, #tpu.memory_space<vmem>>)
        tpu.yield
      }) : () -> ()
      %scan3A_57 = arith.constant 0 : i32
      %scan3A_58 = arith.constant 0 : i32
      %scan3A_59 = arith.constant 4 : i32
      %scan3A_60 = arith.addi %scan3A_58, %scan3A_59 : i32
      %scan3A_61 = arith.constant 1 : i32
      scf.for %scan3A_63 = %scan3A_58 to %scan3A_60 step %scan3A_61  : i32 {
        %gt3A = arith.constant 0 : i32
        %gt3A_64 = arith.cmpi sgt, %scan3A_63, %gt3A : i32
        %gt3A_65 = arith.constant 0 : i32
        %gt3A_66 = arith.cmpi sgt, %while3A_52, %gt3A_65 : i32
        %or3A = arith.ori %gt3A_64, %gt3A_66 : i1
        %convert_element_type3A = arith.extui %or3A : i1 to i32
        %cond3A = arith.constant 0 : i32
        %cond3A_67 = arith.cmpi ne, %convert_element_type3A, %cond3A : i32
        scf.if %cond3A_67 {
          %dma_wait3A_117 = arith.constant 0 : i32
          %dma_wait3A_118 = arith.constant 0 : i32
          %dma_wait3A_119 = tpu.memref_slice %arg7[%dma_wait3A_117, %dma_wait3A_118] : memref<10112x128xf32, #tpu.memory_space<vmem_shared>> -> memref<256x128xf32, #tpu.memory_space<vmem_shared>>
          %dma_wait3A_120 = arith.constant 0 : i32
          %dma_wait3A_121 = arith.constant 0 : i32
          %dma_wait3A_122 = tpu.memref_slice %arg7[%dma_wait3A_120, %dma_wait3A_121] : memref<10112x128xf32, #tpu.memory_space<vmem_shared>> -> memref<256x128xf32, #tpu.memory_space<vmem_shared>>
          tpu.wait_dma2 semaphore(%arg9 : memref<!tpu.dma_semaphore, #tpu.memory_space<semaphore_mem>>) src(%arg6 : memref<256x128xf32, #tpu.memory_space<vmem>>) dst(%dma_wait3A_122 : memref<256x128xf32, #tpu.memory_space<vmem_shared>>)
        } else {
        }
        %mul3A_68 = arith.constant 4 : i32
        %mul3A_69 = arith.muli %scan3A_63, %mul3A_68 : i32
        %dma_start3A = arith.constant 0 : i32
        %dma_start3A_70 = arith.constant 0 : i32
        %dma_start3A_71 = tpu.memref_slice %arg6[%dma_start3A, %dma_start3A_70] : memref<256x128xf32, #tpu.memory_space<vmem>> -> memref<128x128xf32, #tpu.memory_space<vmem>>
        %dma_start3A_72 = arith.constant 0 : i32
        %dma_start3A_73 = tpu.memref_slice %arg5[%mul3A_69, %dma_start3A_72] : memref<16x128xi32, #tpu.memory_space<vmem>> -> memref<1x128xi32, #tpu.memory_space<vmem>>
        %dma_start3A_74 = tpu.memref_squeeze %dma_start3A_73 : memref<1x128xi32, #tpu.memory_space<vmem>> -> memref<128xi32, #tpu.memory_space<vmem>>
        %dma_start3A_75 = arith.constant 0 : i32
        %dma_start3A_76 = arith.constant 0 : i32
        %dma_start3A_77 = tpu.memref_slice %arg2[%dma_start3A_75, %dma_start3A_76] : memref<10112x128xf32, #tpu.memory_space<hbm>> -> memref<10112x128xf32, #tpu.memory_space<hbm>>
        tpu.enqueue_indirect_dma source(%dma_start3A_77 : memref<10112x128xf32, #tpu.memory_space<hbm>>) target(%dma_start3A_71 : memref<128x128xf32, #tpu.memory_space<vmem>>) offsets(%dma_start3A_74 : memref<128xi32, #tpu.memory_space<vmem>>) semaphore(%arg8 : memref<!tpu.dma_semaphore, #tpu.memory_space<semaphore_mem>>)
        %add3A_78 = arith.constant 2 : i32
        %add3A_79 = arith.addi %mul3A_69, %add3A_78 : i32
        %dma_start3A_80 = arith.constant 128 : i32
        %dma_start3A_81 = arith.constant 0 : i32
        %dma_start3A_82 = tpu.memref_slice %arg6[%dma_start3A_80, %dma_start3A_81] : memref<256x128xf32, #tpu.memory_space<vmem>> -> memref<128x128xf32, #tpu.memory_space<vmem>>
        %dma_start3A_83 = arith.constant 0 : i32
        %dma_start3A_84 = tpu.memref_slice %arg5[%add3A_79, %dma_start3A_83] : memref<16x128xi32, #tpu.memory_space<vmem>> -> memref<1x128xi32, #tpu.memory_space<vmem>>
        %dma_start3A_85 = tpu.memref_squeeze %dma_start3A_84 : memref<1x128xi32, #tpu.memory_space<vmem>> -> memref<128xi32, #tpu.memory_space<vmem>>
        %dma_start3A_86 = arith.constant 0 : i32
        %dma_start3A_87 = arith.constant 0 : i32
        %dma_start3A_88 = tpu.memref_slice %arg2[%dma_start3A_86, %dma_start3A_87] : memref<10112x128xf32, #tpu.memory_space<hbm>> -> memref<10112x128xf32, #tpu.memory_space<hbm>>
        tpu.enqueue_indirect_dma source(%dma_start3A_88 : memref<10112x128xf32, #tpu.memory_space<hbm>>) target(%dma_start3A_82 : memref<128x128xf32, #tpu.memory_space<vmem>>) offsets(%dma_start3A_85 : memref<128xi32, #tpu.memory_space<vmem>>) semaphore(%arg8 : memref<!tpu.dma_semaphore, #tpu.memory_space<semaphore_mem>>)
        %dma_wait3A_89 = arith.constant 0 : i32
        %dma_wait3A_90 = arith.constant 0 : i32
        %dma_wait3A_91 = tpu.memref_slice %arg2[%dma_wait3A_89, %dma_wait3A_90] : memref<10112x128xf32, #tpu.memory_space<hbm>> -> memref<256x128xf32, #tpu.memory_space<hbm>>
        %dma_wait3A_92 = arith.constant 0 : i32
        %dma_wait3A_93 = arith.constant 0 : i32
        %dma_wait3A_94 = tpu.memref_slice %arg2[%dma_wait3A_92, %dma_wait3A_93] : memref<10112x128xf32, #tpu.memory_space<hbm>> -> memref<256x128xf32, #tpu.memory_space<hbm>>
        tpu.wait_dma2 semaphore(%arg8 : memref<!tpu.dma_semaphore, #tpu.memory_space<semaphore_mem>>) src(%dma_wait3A_94 : memref<256x128xf32, #tpu.memory_space<hbm>>) dst(%arg6 : memref<256x128xf32, #tpu.memory_space<vmem>>)
        %add3A_95 = arith.constant 1 : i32
        %add3A_96 = arith.addi %mul3A_69, %add3A_95 : i32
        %dma_start3A_97 = arith.constant 0 : i32
        %dma_start3A_98 = arith.constant 0 : i32
        %dma_start3A_99 = tpu.memref_slice %arg6[%dma_start3A_97, %dma_start3A_98] : memref<256x128xf32, #tpu.memory_space<vmem>> -> memref<128x128xf32, #tpu.memory_space<vmem>>
        %dma_start3A_100 = arith.constant 0 : i32
        %dma_start3A_101 = tpu.memref_slice %arg5[%add3A_96, %dma_start3A_100] : memref<16x128xi32, #tpu.memory_space<vmem>> -> memref<1x128xi32, #tpu.memory_space<vmem>>
        %dma_start3A_102 = tpu.memref_squeeze %dma_start3A_101 : memref<1x128xi32, #tpu.memory_space<vmem>> -> memref<128xi32, #tpu.memory_space<vmem>>
        %dma_start3A_103 = arith.constant 0 : i32
        %dma_start3A_104 = arith.constant 0 : i32
        %dma_start3A_105 = tpu.memref_slice %arg7[%dma_start3A_103, %dma_start3A_104] : memref<10112x128xf32, #tpu.memory_space<vmem_shared>> -> memref<10112x128xf32, #tpu.memory_space<vmem_shared>>
        tpu.enqueue_indirect_dma source(%dma_start3A_99 : memref<128x128xf32, #tpu.memory_space<vmem>>) target(%dma_start3A_105 : memref<10112x128xf32, #tpu.memory_space<vmem_shared>>) offsets(%dma_start3A_102 : memref<128xi32, #tpu.memory_space<vmem>>) semaphore(%arg9 : memref<!tpu.dma_semaphore, #tpu.memory_space<semaphore_mem>>) {add = true}
        %add3A_106 = arith.constant 3 : i32
        %add3A_107 = arith.addi %mul3A_69, %add3A_106 : i32
        %dma_start3A_108 = arith.constant 128 : i32
        %dma_start3A_109 = arith.constant 0 : i32
        %dma_start3A_110 = tpu.memref_slice %arg6[%dma_start3A_108, %dma_start3A_109] : memref<256x128xf32, #tpu.memory_space<vmem>> -> memref<128x128xf32, #tpu.memory_space<vmem>>
        %dma_start3A_111 = arith.constant 0 : i32
        %dma_start3A_112 = tpu.memref_slice %arg5[%add3A_107, %dma_start3A_111] : memref<16x128xi32, #tpu.memory_space<vmem>> -> memref<1x128xi32, #tpu.memory_space<vmem>>
        %dma_start3A_113 = tpu.memref_squeeze %dma_start3A_112 : memref<1x128xi32, #tpu.memory_space<vmem>> -> memref<128xi32, #tpu.memory_space<vmem>>
        %dma_start3A_114 = arith.constant 0 : i32
        %dma_start3A_115 = arith.constant 0 : i32
        %dma_start3A_116 = tpu.memref_slice %arg7[%dma_start3A_114, %dma_start3A_115] : memref<10112x128xf32, #tpu.memory_space<vmem_shared>> -> memref<10112x128xf32, #tpu.memory_space<vmem_shared>>
        tpu.enqueue_indirect_dma source(%dma_start3A_110 : memref<128x128xf32, #tpu.memory_space<vmem>>) target(%dma_start3A_116 : memref<10112x128xf32, #tpu.memory_space<vmem_shared>>) offsets(%dma_start3A_113 : memref<128xi32, #tpu.memory_space<vmem>>) semaphore(%arg9 : memref<!tpu.dma_semaphore, #tpu.memory_space<semaphore_mem>>) {add = true}
      }
      %scan3A_62 = arith.constant 4 : i32
    }
    %dma_wait3A = arith.constant 0 : i32
    %dma_wait3A_32 = arith.constant 0 : i32
    %dma_wait3A_33 = tpu.memref_slice %arg7[%dma_wait3A, %dma_wait3A_32] : memref<10112x128xf32, #tpu.memory_space<vmem_shared>> -> memref<256x128xf32, #tpu.memory_space<vmem_shared>>
    %dma_wait3A_34 = arith.constant 0 : i32
    %dma_wait3A_35 = arith.constant 0 : i32
    %dma_wait3A_36 = tpu.memref_slice %arg7[%dma_wait3A_34, %dma_wait3A_35] : memref<10112x128xf32, #tpu.memory_space<vmem_shared>> -> memref<256x128xf32, #tpu.memory_space<vmem_shared>>
    tpu.wait_dma2 semaphore(%arg9 : memref<!tpu.dma_semaphore, #tpu.memory_space<semaphore_mem>>) src(%arg6 : memref<256x128xf32, #tpu.memory_space<vmem>>) dst(%dma_wait3A_36 : memref<256x128xf32, #tpu.memory_space<vmem_shared>>)
    %barrier3A_37 = arith.constant 0 : index
    tpu.barrier barrier_id(%barrier3A_37)
    %scan3A_38 = arith.constant 0 : i32
    %scan3A_39 = arith.constant 0 : i32
    %scan3A_40 = arith.constant 4 : i32
    %scan3A_41 = arith.addi %scan3A_39, %scan3A_40 : i32
    %scan3A_42 = arith.constant 1 : i32
    scf.for %scan3A_52 = %scan3A_39 to %scan3A_41 step %scan3A_42  : i32 {
      %mul3A_53 = arith.constant 632 : i32
      %mul3A_54 = arith.muli %arg1, %mul3A_53 : i32
      %mul3A_55 = arith.constant 128 : i32
      %mul3A_56 = arith.muli %scan3A_52, %mul3A_55 : i32
      %add3A_57 = arith.addi %mul3A_54, %mul3A_56 : i32
      %mul3A_58 = arith.constant 632 : i32
      %mul3A_59 = arith.muli %arg1, %mul3A_58 : i32
      %mul3A_60 = arith.constant 128 : i32
      %mul3A_61 = arith.muli %scan3A_52, %mul3A_60 : i32
      %add3A_62 = arith.addi %mul3A_59, %mul3A_61 : i32
      "tpu.region"() ({
        %run_scoped3A = tpu.sem_alloc : memref<!tpu.dma_semaphore, #tpu.memory_space<semaphore_mem>>
        %dma_start3A = arith.constant 0 : i32
        %dma_start3A_63 = tpu.memref_slice %arg4[%arg0, %add3A_62, %dma_start3A] : memref<2x10112x128xf32, #tpu.memory_space<hbm>> -> memref<1x128x128xf32, #tpu.memory_space<hbm>>
        %dma_start3A_64 = tpu.memref_squeeze %dma_start3A_63 : memref<1x128x128xf32, #tpu.memory_space<hbm>> -> memref<128x128xf32, #tpu.memory_space<hbm>>
        %dma_start3A_65 = arith.constant 0 : i32
        %dma_start3A_66 = tpu.memref_slice %arg7[%add3A_57, %dma_start3A_65] : memref<10112x128xf32, #tpu.memory_space<vmem_shared>> -> memref<128x128xf32, #tpu.memory_space<vmem_shared>>
        tpu.enqueue_dma source(%dma_start3A_66 : memref<128x128xf32, #tpu.memory_space<vmem_shared>>) target(%dma_start3A_64 : memref<128x128xf32, #tpu.memory_space<hbm>>) target_semaphore(%run_scoped3A : memref<!tpu.dma_semaphore, #tpu.memory_space<semaphore_mem>>)
        %dma_wait3A_67 = arith.constant 0 : i32
        %dma_wait3A_68 = tpu.memref_slice %arg4[%arg0, %add3A_62, %dma_wait3A_67] : memref<2x10112x128xf32, #tpu.memory_space<hbm>> -> memref<1x128x128xf32, #tpu.memory_space<hbm>>
        %dma_wait3A_69 = tpu.memref_squeeze %dma_wait3A_68 : memref<1x128x128xf32, #tpu.memory_space<hbm>> -> memref<128x128xf32, #tpu.memory_space<hbm>>
        %dma_wait3A_70 = arith.constant 0 : i32
        %dma_wait3A_71 = tpu.memref_slice %arg7[%add3A_57, %dma_wait3A_70] : memref<10112x128xf32, #tpu.memory_space<vmem_shared>> -> memref<128x128xf32, #tpu.memory_space<vmem_shared>>
        tpu.wait_dma2 semaphore(%run_scoped3A : memref<!tpu.dma_semaphore, #tpu.memory_space<semaphore_mem>>) src(%dma_wait3A_71 : memref<128x128xf32, #tpu.memory_space<vmem_shared>>) dst(%dma_wait3A_69 : memref<128x128xf32, #tpu.memory_space<hbm>>)
        tpu.yield
      }) : () -> ()
    }
    %scan3A_43 = arith.constant 4 : i32
    %mul3A_44 = arith.constant 632 : i32
    %mul3A_45 = arith.muli %arg1, %mul3A_44 : i32
    %add3A_46 = arith.constant 512 : i32
    %add3A_47 = arith.addi %mul3A_45, %add3A_46 : i32
    %mul3A_48 = arith.constant 632 : i32
    %mul3A_49 = arith.muli %arg1, %mul3A_48 : i32
    %add3A_50 = arith.constant 512 : i32
    %add3A_51 = arith.addi %mul3A_49, %add3A_50 : i32
    "tpu.region"() ({
      %run_scoped3A = tpu.sem_alloc : memref<!tpu.dma_semaphore, #tpu.memory_space<semaphore_mem>>
      %dma_start3A = arith.constant 0 : i32
      %dma_start3A_52 = tpu.memref_slice %arg4[%arg0, %add3A_51, %dma_start3A] : memref<2x10112x128xf32, #tpu.memory_space<hbm>> -> memref<1x120x128xf32, #tpu.memory_space<hbm>>
      %dma_start3A_53 = tpu.memref_squeeze %dma_start3A_52 : memref<1x120x128xf32, #tpu.memory_space<hbm>> -> memref<120x128xf32, #tpu.memory_space<hbm>>
      %dma_start3A_54 = arith.constant 0 : i32
      %dma_start3A_55 = tpu.memref_slice %arg7[%add3A_47, %dma_start3A_54] : memref<10112x128xf32, #tpu.memory_space<vmem_shared>> -> memref<120x128xf32, #tpu.memory_space<vmem_shared>>
      tpu.enqueue_dma source(%dma_start3A_55 : memref<120x128xf32, #tpu.memory_space<vmem_shared>>) target(%dma_start3A_53 : memref<120x128xf32, #tpu.memory_space<hbm>>) target_semaphore(%run_scoped3A : memref<!tpu.dma_semaphore, #tpu.memory_space<semaphore_mem>>)
      %dma_wait3A_56 = arith.constant 0 : i32
      %dma_wait3A_57 = tpu.memref_slice %arg4[%arg0, %add3A_51, %dma_wait3A_56] : memref<2x10112x128xf32, #tpu.memory_space<hbm>> -> memref<1x120x128xf32, #tpu.memory_space<hbm>>
      %dma_wait3A_58 = tpu.memref_squeeze %dma_wait3A_57 : memref<1x120x128xf32, #tpu.memory_space<hbm>> -> memref<120x128xf32, #tpu.memory_space<hbm>>
      %dma_wait3A_59 = arith.constant 0 : i32
      %dma_wait3A_60 = tpu.memref_slice %arg7[%add3A_47, %dma_wait3A_59] : memref<10112x128xf32, #tpu.memory_space<vmem_shared>> -> memref<120x128xf32, #tpu.memory_space<vmem_shared>>
      tpu.wait_dma2 semaphore(%run_scoped3A : memref<!tpu.dma_semaphore, #tpu.memory_space<semaphore_mem>>) src(%dma_wait3A_60 : memref<120x128xf32, #tpu.memory_space<vmem_shared>>) dst(%dma_wait3A_58 : memref<120x128xf32, #tpu.memory_space<hbm>>)
      tpu.yield
    }) : () -> ()
    return
  }
}

#map = affine_map<(d0, d1) -> (0, 0)>
#map1 = affine_map<(d0, d1) -> (0, 0, 0)>
module attributes {stable_mosaic.version = 14 : i64} {
  func.func @_scatter_body(%arg0: i32, %arg1: i32, %arg2: memref<10112x128xf32, #tpu.memory_space<hbm>>, %arg3: memref<5120x128xi32, #tpu.memory_space<hbm>>, %arg4: memref<2x10112x128xf32, #tpu.memory_space<hbm>>, %arg5: memref<16x128xi32, #tpu.memory_space<vmem>>, %arg6: memref<256x128xf32, #tpu.memory_space<vmem>>, %arg7: memref<10112x128xf32, #tpu.memory_space<vmem_shared>>, %arg8: memref<!tpu.dma_semaphore, #tpu.memory_space<semaphore_mem>>, %arg9: memref<!tpu.dma_semaphore, #tpu.memory_space<semaphore_mem>>) attributes {dimension_semantics = [#tpu.dimension_semantics<core_parallel>, #tpu.dimension_semantics<subcore_parallel>], iteration_bounds = array<i64: 2, 16>, scalar_prefetch = 0 : i64, scratch_operands = 5 : i64, tpu.core_type = #tpu.core_type<sc_vector_subcore>, window_params = [{transform_indices = #map}, {transform_indices = #map}, {transform_indices = #map1}]} {
    %mul3A = arith.constant 2 : i32
    %mul3A_0 = arith.muli %arg1, %mul3A : i32
    %add3A = arith.addi %mul3A_0, %arg0 : i32
    %scan3A = arith.constant 0 : i32
    %scan3A_1 = arith.constant 0 : i32
    %scan3A_2 = arith.constant 128 : i32
    %scan3A_3 = arith.addi %scan3A_1, %scan3A_2 : i32
    %scan3A_4 = arith.constant 1 : i32
    scf.for %scan3A_52 = %scan3A_1 to %scan3A_3 step %scan3A_4  : i32 {
      %broadcast_in_dim3A = arith.constant 0.000000e+00 : f32
      %broadcast_in_dim3A_53 = vector.broadcast %broadcast_in_dim3A : f32 to vector<16xf32>
      %swap3A = arith.index_cast %scan3A_52 : i32 to index
      %swap3A_54 = arith.constant 0 : index
      %swap3A_55 = tpu.vector_load %arg6[%swap3A, %swap3A_54] {strides = array<i32>} : memref<256x128xf32, #tpu.memory_space<vmem>>, vector<1x16xf32>,
      %swap3A_56 = vector.shape_cast %swap3A_55 : vector<1x16xf32> to vector<16xf32>
      %swap3A_57 = vector.shape_cast %broadcast_in_dim3A_53 : vector<16xf32> to vector<1x16xf32>
      tpu.vector_store %arg6[%swap3A, %swap3A_54], %swap3A_57 {strides = array<i32>} : memref<256x128xf32, #tpu.memory_space<vmem>>, vector<1x16xf32>,
      %broadcast_in_dim3A_58 = arith.constant 0.000000e+00 : f32
      %broadcast_in_dim3A_59 = vector.broadcast %broadcast_in_dim3A_58 : f32 to vector<16xf32>
      %swap3A_60 = arith.index_cast %scan3A_52 : i32 to index
      %swap3A_61 = arith.constant 16 : index
      %swap3A_62 = tpu.vector_load %arg6[%swap3A_60, %swap3A_61] {strides = array<i32>} : memref<256x128xf32, #tpu.memory_space<vmem>>, vector<1x16xf32>,
      %swap3A_63 = vector.shape_cast %swap3A_62 : vector<1x16xf32> to vector<16xf32>
      %swap3A_64 = vector.shape_cast %broadcast_in_dim3A_59 : vector<16xf32> to vector<1x16xf32>
      tpu.vector_store %arg6[%swap3A_60, %swap3A_61], %swap3A_64 {strides = array<i32>} : memref<256x128xf32, #tpu.memory_space<vmem>>, vector<1x16xf32>,
      %broadcast_in_dim3A_65 = arith.constant 0.000000e+00 : f32
      %broadcast_in_dim3A_66 = vector.broadcast %broadcast_in_dim3A_65 : f32 to vector<16xf32>
      %swap3A_67 = arith.index_cast %scan3A_52 : i32 to index
      %swap3A_68 = arith.constant 32 : index
      %swap3A_69 = tpu.vector_load %arg6[%swap3A_67, %swap3A_68] {strides = array<i32>} : memref<256x128xf32, #tpu.memory_space<vmem>>, vector<1x16xf32>,
      %swap3A_70 = vector.shape_cast %swap3A_69 : vector<1x16xf32> to vector<16xf32>
      %swap3A_71 = vector.shape_cast %broadcast_in_dim3A_66 : vector<16xf32> to vector<1x16xf32>
      tpu.vector_store %arg6[%swap3A_67, %swap3A_68], %swap3A_71 {strides = array<i32>} : memref<256x128xf32, #tpu.memory_space<vmem>>, vector<1x16xf32>,
      %broadcast_in_dim3A_72 = arith.constant 0.000000e+00 : f32
      %broadcast_in_dim3A_73 = vector.broadcast %broadcast_in_dim3A_72 : f32 to vector<16xf32>
      %swap3A_74 = arith.index_cast %scan3A_52 : i32 to index
      %swap3A_75 = arith.constant 48 : index
      %swap3A_76 = tpu.vector_load %arg6[%swap3A_74, %swap3A_75] {strides = array<i32>} : memref<256x128xf32, #tpu.memory_space<vmem>>, vector<1x16xf32>,
      %swap3A_77 = vector.shape_cast %swap3A_76 : vector<1x16xf32> to vector<16xf32>
      %swap3A_78 = vector.shape_cast %broadcast_in_dim3A_73 : vector<16xf32> to vector<1x16xf32>
      tpu.vector_store %arg6[%swap3A_74, %swap3A_75], %swap3A_78 {strides = array<i32>} : memref<256x128xf32, #tpu.memory_space<vmem>>, vector<1x16xf32>,
      %broadcast_in_dim3A_79 = arith.constant 0.000000e+00 : f32
      %broadcast_in_dim3A_80 = vector.broadcast %broadcast_in_dim3A_79 : f32 to vector<16xf32>
      %swap3A_81 = arith.index_cast %scan3A_52 : i32 to index
      %swap3A_82 = arith.constant 64 : index
      %swap3A_83 = tpu.vector_load %arg6[%swap3A_81, %swap3A_82] {strides = array<i32>} : memref<256x128xf32, #tpu.memory_space<vmem>>, vector<1x16xf32>,
      %swap3A_84 = vector.shape_cast %swap3A_83 : vector<1x16xf32> to vector<16xf32>
      %swap3A_85 = vector.shape_cast %broadcast_in_dim3A_80 : vector<16xf32> to vector<1x16xf32>
      tpu.vector_store %arg6[%swap3A_81, %swap3A_82], %swap3A_85 {strides = array<i32>} : memref<256x128xf32, #tpu.memory_space<vmem>>, vector<1x16xf32>,
      %broadcast_in_dim3A_86 = arith.constant 0.000000e+00 : f32
      %broadcast_in_dim3A_87 = vector.broadcast %broadcast_in_dim3A_86 : f32 to vector<16xf32>
      %swap3A_88 = arith.index_cast %scan3A_52 : i32 to index
      %swap3A_89 = arith.constant 80 : index
      %swap3A_90 = tpu.vector_load %arg6[%swap3A_88, %swap3A_89] {strides = array<i32>} : memref<256x128xf32, #tpu.memory_space<vmem>>, vector<1x16xf32>,
      %swap3A_91 = vector.shape_cast %swap3A_90 : vector<1x16xf32> to vector<16xf32>
      %swap3A_92 = vector.shape_cast %broadcast_in_dim3A_87 : vector<16xf32> to vector<1x16xf32>
      tpu.vector_store %arg6[%swap3A_88, %swap3A_89], %swap3A_92 {strides = array<i32>} : memref<256x128xf32, #tpu.memory_space<vmem>>, vector<1x16xf32>,
      %broadcast_in_dim3A_93 = arith.constant 0.000000e+00 : f32
      %broadcast_in_dim3A_94 = vector.broadcast %broadcast_in_dim3A_93 : f32 to vector<16xf32>
      %swap3A_95 = arith.index_cast %scan3A_52 : i32 to index
      %swap3A_96 = arith.constant 96 : index
      %swap3A_97 = tpu.vector_load %arg6[%swap3A_95, %swap3A_96] {strides = array<i32>} : memref<256x128xf32, #tpu.memory_space<vmem>>, vector<1x16xf32>,
      %swap3A_98 = vector.shape_cast %swap3A_97 : vector<1x16xf32> to vector<16xf32>
      %swap3A_99 = vector.shape_cast %broadcast_in_dim3A_94 : vector<16xf32> to vector<1x16xf32>
      tpu.vector_store %arg6[%swap3A_95, %swap3A_96], %swap3A_99 {strides = array<i32>} : memref<256x128xf32, #tpu.memory_space<vmem>>, vector<1x16xf32>,
      %broadcast_in_dim3A_100 = arith.constant 0.000000e+00 : f32
      %broadcast_in_dim3A_101 = vector.broadcast %broadcast_in_dim3A_100 : f32 to vector<16xf32>
      %swap3A_102 = arith.index_cast %scan3A_52 : i32 to index
      %swap3A_103 = arith.constant 112 : index
      %swap3A_104 = tpu.vector_load %arg6[%swap3A_102, %swap3A_103] {strides = array<i32>} : memref<256x128xf32, #tpu.memory_space<vmem>>, vector<1x16xf32>,
      %swap3A_105 = vector.shape_cast %swap3A_104 : vector<1x16xf32> to vector<16xf32>
      %swap3A_106 = vector.shape_cast %broadcast_in_dim3A_101 : vector<16xf32> to vector<1x16xf32>
      tpu.vector_store %arg6[%swap3A_102, %swap3A_103], %swap3A_106 {strides = array<i32>} : memref<256x128xf32, #tpu.memory_space<vmem>>, vector<1x16xf32>,
    }
    %scan3A_5 = arith.constant 128 : i32
    %scan3A_6 = arith.constant 0 : i32
    %scan3A_7 = arith.constant 0 : i32
    %scan3A_8 = arith.constant 4 : i32
    %scan3A_9 = arith.addi %scan3A_7, %scan3A_8 : i32
    %scan3A_10 = arith.constant 1 : i32
    scf.for %scan3A_52 = %scan3A_7 to %scan3A_9 step %scan3A_10  : i32 {
      %mul3A_53 = arith.constant 632 : i32
      %mul3A_54 = arith.muli %arg1, %mul3A_53 : i32
      %mul3A_55 = arith.constant 128 : i32
      %mul3A_56 = arith.muli %scan3A_52, %mul3A_55 : i32
      %add3A_57 = arith.addi %mul3A_54, %mul3A_56 : i32
      "tpu.region"() ({
        %run_scoped3A = tpu.sem_alloc : memref<!tpu.dma_semaphore, #tpu.memory_space<semaphore_mem>>
        %dma_start3A = arith.constant 0 : i32
        %dma_start3A_58 = arith.constant 0 : i32
        %dma_start3A_59 = tpu.memref_slice %arg6[%dma_start3A, %dma_start3A_58] : memref<256x128xf32, #tpu.memory_space<vmem>> -> memref<128x128xf32, #tpu.memory_space<vmem>>
        %dma_start3A_60 = arith.constant 0 : i32
        %dma_start3A_61 = tpu.memref_slice %arg7[%add3A_57, %dma_start3A_60] : memref<10112x128xf32, #tpu.memory_space<vmem_shared>> -> memref<128x128xf32, #tpu.memory_space<vmem_shared>>
        %dma_start3A_62 = arith.constant 0 : i32
        %dma_start3A_63 = tpu.memref_slice %arg7[%add3A_57, %dma_start3A_62] : memref<10112x128xf32, #tpu.memory_space<vmem_shared>> -> memref<128x128xf32, #tpu.memory_space<vmem_shared>>
        %dma_start3A_64 = arith.constant 0 : i32
        %dma_start3A_65 = arith.constant 0 : i32
        %dma_start3A_66 = tpu.memref_slice %arg6[%dma_start3A_64, %dma_start3A_65] : memref<256x128xf32, #tpu.memory_space<vmem>> -> memref<128x128xf32, #tpu.memory_space<vmem>>
        tpu.enqueue_dma source(%dma_start3A_66 : memref<128x128xf32, #tpu.memory_space<vmem>>) target(%dma_start3A_63 : memref<128x128xf32, #tpu.memory_space<vmem_shared>>) target_semaphore(%run_scoped3A : memref<!tpu.dma_semaphore, #tpu.memory_space<semaphore_mem>>)
        %dma_wait3A_67 = arith.constant 0 : i32
        %dma_wait3A_68 = arith.constant 0 : i32
        %dma_wait3A_69 = tpu.memref_slice %arg6[%dma_wait3A_67, %dma_wait3A_68] : memref<256x128xf32, #tpu.memory_space<vmem>> -> memref<128x128xf32, #tpu.memory_space<vmem>>
        %dma_wait3A_70 = arith.constant 0 : i32
        %dma_wait3A_71 = tpu.memref_slice %arg7[%add3A_57, %dma_wait3A_70] : memref<10112x128xf32, #tpu.memory_space<vmem_shared>> -> memref<128x128xf32, #tpu.memory_space<vmem_shared>>
        %dma_wait3A_72 = arith.constant 0 : i32
        %dma_wait3A_73 = tpu.memref_slice %arg7[%add3A_57, %dma_wait3A_72] : memref<10112x128xf32, #tpu.memory_space<vmem_shared>> -> memref<128x128xf32, #tpu.memory_space<vmem_shared>>
        %dma_wait3A_74 = arith.constant 0 : i32
        %dma_wait3A_75 = arith.constant 0 : i32
        %dma_wait3A_76 = tpu.memref_slice %arg6[%dma_wait3A_74, %dma_wait3A_75] : memref<256x128xf32, #tpu.memory_space<vmem>> -> memref<128x128xf32, #tpu.memory_space<vmem>>
        tpu.wait_dma2 semaphore(%run_scoped3A : memref<!tpu.dma_semaphore, #tpu.memory_space<semaphore_mem>>) src(%dma_wait3A_76 : memref<128x128xf32, #tpu.memory_space<vmem>>) dst(%dma_wait3A_73 : memref<128x128xf32, #tpu.memory_space<vmem_shared>>)
        tpu.yield
      }) : () -> ()
    }
    %scan3A_11 = arith.constant 4 : i32
    %mul3A_12 = arith.constant 632 : i32
    %mul3A_13 = arith.muli %arg1, %mul3A_12 : i32
    %add3A_14 = arith.constant 512 : i32
    %add3A_15 = arith.addi %mul3A_13, %add3A_14 : i32
    "tpu.region"() ({
      %run_scoped3A = tpu.sem_alloc : memref<!tpu.dma_semaphore, #tpu.memory_space<semaphore_mem>>
      %dma_start3A = arith.constant 0 : i32
      %dma_start3A_52 = arith.constant 0 : i32
      %dma_start3A_53 = tpu.memref_slice %arg6[%dma_start3A, %dma_start3A_52] : memref<256x128xf32, #tpu.memory_space<vmem>> -> memref<120x128xf32, #tpu.memory_space<vmem>>
      %dma_start3A_54 = arith.constant 0 : i32
      %dma_start3A_55 = tpu.memref_slice %arg7[%add3A_15, %dma_start3A_54] : memref<10112x128xf32, #tpu.memory_space<vmem_shared>> -> memref<120x128xf32, #tpu.memory_space<vmem_shared>>
      %dma_start3A_56 = arith.constant 0 : i32
      %dma_start3A_57 = tpu.memref_slice %arg7[%add3A_15, %dma_start3A_56] : memref<10112x128xf32, #tpu.memory_space<vmem_shared>> -> memref<120x128xf32, #tpu.memory_space<vmem_shared>>
      %dma_start3A_58 = arith.constant 0 : i32
      %dma_start3A_59 = arith.constant 0 : i32
      %dma_start3A_60 = tpu.memref_slice %arg6[%dma_start3A_58, %dma_start3A_59] : memref<256x128xf32, #tpu.memory_space<vmem>> -> memref<120x128xf32, #tpu.memory_space<vmem>>
      tpu.enqueue_dma source(%dma_start3A_60 : memref<120x128xf32, #tpu.memory_space<vmem>>) target(%dma_start3A_57 : memref<120x128xf32, #tpu.memory_space<vmem_shared>>) target_semaphore(%run_scoped3A : memref<!tpu.dma_semaphore, #tpu.memory_space<semaphore_mem>>)
      %dma_wait3A_61 = arith.constant 0 : i32
      %dma_wait3A_62 = arith.constant 0 : i32
      %dma_wait3A_63 = tpu.memref_slice %arg6[%dma_wait3A_61, %dma_wait3A_62] : memref<256x128xf32, #tpu.memory_space<vmem>> -> memref<120x128xf32, #tpu.memory_space<vmem>>
      %dma_wait3A_64 = arith.constant 0 : i32
      %dma_wait3A_65 = tpu.memref_slice %arg7[%add3A_15, %dma_wait3A_64] : memref<10112x128xf32, #tpu.memory_space<vmem_shared>> -> memref<120x128xf32, #tpu.memory_space<vmem_shared>>
      %dma_wait3A_66 = arith.constant 0 : i32
      %dma_wait3A_67 = tpu.memref_slice %arg7[%add3A_15, %dma_wait3A_66] : memref<10112x128xf32, #tpu.memory_space<vmem_shared>> -> memref<120x128xf32, #tpu.memory_space<vmem_shared>>
      %dma_wait3A_68 = arith.constant 0 : i32
      %dma_wait3A_69 = arith.constant 0 : i32
      %dma_wait3A_70 = tpu.memref_slice %arg6[%dma_wait3A_68, %dma_wait3A_69] : memref<256x128xf32, #tpu.memory_space<vmem>> -> memref<120x128xf32, #tpu.memory_space<vmem>>
      tpu.wait_dma2 semaphore(%run_scoped3A : memref<!tpu.dma_semaphore, #tpu.memory_space<semaphore_mem>>) src(%dma_wait3A_70 : memref<120x128xf32, #tpu.memory_space<vmem>>) dst(%dma_wait3A_67 : memref<120x128xf32, #tpu.memory_space<vmem_shared>>)
      tpu.yield
    }) : () -> ()
    %barrier3A = arith.constant 0 : index
    tpu.barrier barrier_id(%barrier3A)
    %mul3A_16 = arith.constant 320 : i32
    %mul3A_17 = arith.muli %arg1, %mul3A_16 : i32
    %mul3A_18 = arith.constant 240 : i32
    %mul3A_19 = arith.muli %arg0, %mul3A_18 : i32
    %add3A_20 = arith.addi %mul3A_17, %mul3A_19 : i32
    %multiple_of3A = tpu.assume_multiple %add3A_20, 8 : i32
    %eq3A = arith.constant 0 : i32
    %eq3A_21 = arith.cmpi eq, %arg0, %eq3A : i32
    %jit3A = arith.constant 15 : i32
    %jit3A_22 = arith.constant 5 : i32
    %select_n3A = arith.select %eq3A_21, %jit3A, %jit3A_22 : i32
    %while3A = arith.constant 0 : i32
    %while3A_23 = arith.constant 0 : i32
    %while3A_24 = arith.subi %select_n3A, %while3A_23 : i32
    %while3A_25 = arith.addi %while3A_23, %while3A_24 : i32
    %while3A_26 = arith.constant 1 : i32
    %while3A_27 = arith.divsi %while3A_24, %while3A_26 : i32
    %while3A_28 = arith.muli %while3A_27, %while3A_26 : i32
    %while3A_29 = arith.addi %while3A_23, %while3A_28 : i32
    %while3A_30 = arith.constant 1 : i32
    scf.for %while3A_52 = %while3A_23 to %while3A_29 step %while3A_30  : i32 {
      %mul3A_53 = arith.constant 16 : i32
      %mul3A_54 = arith.muli %while3A_52, %mul3A_53 : i32
      %multiple_of3A_55 = tpu.assume_multiple %mul3A_54, 16 : i32
      %add3A_56 = arith.addi %multiple_of3A, %multiple_of3A_55 : i32
      "tpu.region"() ({
        %run_scoped3A = tpu.sem_alloc : memref<!tpu.dma_semaphore, #tpu.memory_space<semaphore_mem>>
        %dma_start3A = arith.constant 0 : i32
        %dma_start3A_63 = tpu.memref_slice %arg3[%add3A_56, %dma_start3A] : memref<5120x128xi32, #tpu.memory_space<hbm>> -> memref<16x128xi32, #tpu.memory_space<hbm>>
        %dma_start3A_64 = arith.constant 0 : i32
        %dma_start3A_65 = tpu.memref_slice %arg3[%add3A_56, %dma_start3A_64] : memref<5120x128xi32, #tpu.memory_space<hbm>> -> memref<16x128xi32, #tpu.memory_space<hbm>>
        tpu.enqueue_dma source(%dma_start3A_65 : memref<16x128xi32, #tpu.memory_space<hbm>>) target(%arg5 : memref<16x128xi32, #tpu.memory_space<vmem>>) target_semaphore(%run_scoped3A : memref<!tpu.dma_semaphore, #tpu.memory_space<semaphore_mem>>)
        %dma_wait3A_66 = arith.constant 0 : i32
        %dma_wait3A_67 = tpu.memref_slice %arg3[%add3A_56, %dma_wait3A_66] : memref<5120x128xi32, #tpu.memory_space<hbm>> -> memref<16x128xi32, #tpu.memory_space<hbm>>
        %dma_wait3A_68 = arith.constant 0 : i32
        %dma_wait3A_69 = tpu.memref_slice %arg3[%add3A_56, %dma_wait3A_68] : memref<5120x128xi32, #tpu.memory_space<hbm>> -> memref<16x128xi32, #tpu.memory_space<hbm>>
        tpu.wait_dma2 semaphore(%run_scoped3A : memref<!tpu.dma_semaphore, #tpu.memory_space<semaphore_mem>>) src(%dma_wait3A_69 : memref<16x128xi32, #tpu.memory_space<hbm>>) dst(%arg5 : memref<16x128xi32, #tpu.memory_space<vmem>>)
        tpu.yield
      }) : () -> ()
      %scan3A_57 = arith.constant 0 : i32
      %scan3A_58 = arith.constant 0 : i32
      %scan3A_59 = arith.constant 4 : i32
      %scan3A_60 = arith.addi %scan3A_58, %scan3A_59 : i32
      %scan3A_61 = arith.constant 1 : i32
      scf.for %scan3A_63 = %scan3A_58 to %scan3A_60 step %scan3A_61  : i32 {
        %gt3A = arith.constant 0 : i32
        %gt3A_64 = arith.cmpi sgt, %scan3A_63, %gt3A : i32
        %gt3A_65 = arith.constant 0 : i32
        %gt3A_66 = arith.cmpi sgt, %while3A_52, %gt3A_65 : i32
        %or3A = arith.ori %gt3A_64, %gt3A_66 : i1
        %convert_element_type3A = arith.extui %or3A : i1 to i32
        %cond3A = arith.constant 0 : i32
        %cond3A_67 = arith.cmpi ne, %convert_element_type3A, %cond3A : i32
        scf.if %cond3A_67 {
          %dma_wait3A_117 = arith.constant 0 : i32
          %dma_wait3A_118 = arith.constant 0 : i32
          %dma_wait3A_119 = tpu.memref_slice %arg7[%dma_wait3A_117, %dma_wait3A_118] : memref<10112x128xf32, #tpu.memory_space<vmem_shared>> -> memref<256x128xf32, #tpu.memory_space<vmem_shared>>
          %dma_wait3A_120 = arith.constant 0 : i32
          %dma_wait3A_121 = arith.constant 0 : i32
          %dma_wait3A_122 = tpu.memref_slice %arg7[%dma_wait3A_120, %dma_wait3A_121] : memref<10112x128xf32, #tpu.memory_space<vmem_shared>> -> memref<256x128xf32, #tpu.memory_space<vmem_shared>>
          tpu.wait_dma2 semaphore(%arg9 : memref<!tpu.dma_semaphore, #tpu.memory_space<semaphore_mem>>) src(%arg6 : memref<256x128xf32, #tpu.memory_space<vmem>>) dst(%dma_wait3A_122 : memref<256x128xf32, #tpu.memory_space<vmem_shared>>)
        } else {
        }
        %mul3A_68 = arith.constant 4 : i32
        %mul3A_69 = arith.muli %scan3A_63, %mul3A_68 : i32
        %dma_start3A = arith.constant 0 : i32
        %dma_start3A_70 = arith.constant 0 : i32
        %dma_start3A_71 = tpu.memref_slice %arg6[%dma_start3A, %dma_start3A_70] : memref<256x128xf32, #tpu.memory_space<vmem>> -> memref<128x128xf32, #tpu.memory_space<vmem>>
        %dma_start3A_72 = arith.constant 0 : i32
        %dma_start3A_73 = tpu.memref_slice %arg5[%mul3A_69, %dma_start3A_72] : memref<16x128xi32, #tpu.memory_space<vmem>> -> memref<1x128xi32, #tpu.memory_space<vmem>>
        %dma_start3A_74 = tpu.memref_squeeze %dma_start3A_73 : memref<1x128xi32, #tpu.memory_space<vmem>> -> memref<128xi32, #tpu.memory_space<vmem>>
        %dma_start3A_75 = arith.constant 0 : i32
        %dma_start3A_76 = arith.constant 0 : i32
        %dma_start3A_77 = tpu.memref_slice %arg2[%dma_start3A_75, %dma_start3A_76] : memref<10112x128xf32, #tpu.memory_space<hbm>> -> memref<10112x128xf32, #tpu.memory_space<hbm>>
        tpu.enqueue_indirect_dma source(%dma_start3A_77 : memref<10112x128xf32, #tpu.memory_space<hbm>>) target(%dma_start3A_71 : memref<128x128xf32, #tpu.memory_space<vmem>>) offsets(%dma_start3A_74 : memref<128xi32, #tpu.memory_space<vmem>>) semaphore(%arg8 : memref<!tpu.dma_semaphore, #tpu.memory_space<semaphore_mem>>)
        %add3A_78 = arith.constant 2 : i32
        %add3A_79 = arith.addi %mul3A_69, %add3A_78 : i32
        %dma_start3A_80 = arith.constant 128 : i32
        %dma_start3A_81 = arith.constant 0 : i32
        %dma_start3A_82 = tpu.memref_slice %arg6[%dma_start3A_80, %dma_start3A_81] : memref<256x128xf32, #tpu.memory_space<vmem>> -> memref<128x128xf32, #tpu.memory_space<vmem>>
        %dma_start3A_83 = arith.constant 0 : i32
        %dma_start3A_84 = tpu.memref_slice %arg5[%add3A_79, %dma_start3A_83] : memref<16x128xi32, #tpu.memory_space<vmem>> -> memref<1x128xi32, #tpu.memory_space<vmem>>
        %dma_start3A_85 = tpu.memref_squeeze %dma_start3A_84 : memref<1x128xi32, #tpu.memory_space<vmem>> -> memref<128xi32, #tpu.memory_space<vmem>>
        %dma_start3A_86 = arith.constant 0 : i32
        %dma_start3A_87 = arith.constant 0 : i32
        %dma_start3A_88 = tpu.memref_slice %arg2[%dma_start3A_86, %dma_start3A_87] : memref<10112x128xf32, #tpu.memory_space<hbm>> -> memref<10112x128xf32, #tpu.memory_space<hbm>>
        tpu.enqueue_indirect_dma source(%dma_start3A_88 : memref<10112x128xf32, #tpu.memory_space<hbm>>) target(%dma_start3A_82 : memref<128x128xf32, #tpu.memory_space<vmem>>) offsets(%dma_start3A_85 : memref<128xi32, #tpu.memory_space<vmem>>) semaphore(%arg8 : memref<!tpu.dma_semaphore, #tpu.memory_space<semaphore_mem>>)
        %dma_wait3A_89 = arith.constant 0 : i32
        %dma_wait3A_90 = arith.constant 0 : i32
        %dma_wait3A_91 = tpu.memref_slice %arg2[%dma_wait3A_89, %dma_wait3A_90] : memref<10112x128xf32, #tpu.memory_space<hbm>> -> memref<256x128xf32, #tpu.memory_space<hbm>>
        %dma_wait3A_92 = arith.constant 0 : i32
        %dma_wait3A_93 = arith.constant 0 : i32
        %dma_wait3A_94 = tpu.memref_slice %arg2[%dma_wait3A_92, %dma_wait3A_93] : memref<10112x128xf32, #tpu.memory_space<hbm>> -> memref<256x128xf32, #tpu.memory_space<hbm>>
        tpu.wait_dma2 semaphore(%arg8 : memref<!tpu.dma_semaphore, #tpu.memory_space<semaphore_mem>>) src(%dma_wait3A_94 : memref<256x128xf32, #tpu.memory_space<hbm>>) dst(%arg6 : memref<256x128xf32, #tpu.memory_space<vmem>>)
        %add3A_95 = arith.constant 1 : i32
        %add3A_96 = arith.addi %mul3A_69, %add3A_95 : i32
        %dma_start3A_97 = arith.constant 0 : i32
        %dma_start3A_98 = arith.constant 0 : i32
        %dma_start3A_99 = tpu.memref_slice %arg6[%dma_start3A_97, %dma_start3A_98] : memref<256x128xf32, #tpu.memory_space<vmem>> -> memref<128x128xf32, #tpu.memory_space<vmem>>
        %dma_start3A_100 = arith.constant 0 : i32
        %dma_start3A_101 = tpu.memref_slice %arg5[%add3A_96, %dma_start3A_100] : memref<16x128xi32, #tpu.memory_space<vmem>> -> memref<1x128xi32, #tpu.memory_space<vmem>>
        %dma_start3A_102 = tpu.memref_squeeze %dma_start3A_101 : memref<1x128xi32, #tpu.memory_space<vmem>> -> memref<128xi32, #tpu.memory_space<vmem>>
        %dma_start3A_103 = arith.constant 0 : i32
        %dma_start3A_104 = arith.constant 0 : i32
        %dma_start3A_105 = tpu.memref_slice %arg7[%dma_start3A_103, %dma_start3A_104] : memref<10112x128xf32, #tpu.memory_space<vmem_shared>> -> memref<10112x128xf32, #tpu.memory_space<vmem_shared>>
        tpu.enqueue_indirect_dma source(%dma_start3A_99 : memref<128x128xf32, #tpu.memory_space<vmem>>) target(%dma_start3A_105 : memref<10112x128xf32, #tpu.memory_space<vmem_shared>>) offsets(%dma_start3A_102 : memref<128xi32, #tpu.memory_space<vmem>>) semaphore(%arg9 : memref<!tpu.dma_semaphore, #tpu.memory_space<semaphore_mem>>) {add = true}
        %add3A_106 = arith.constant 3 : i32
        %add3A_107 = arith.addi %mul3A_69, %add3A_106 : i32
        %dma_start3A_108 = arith.constant 128 : i32
        %dma_start3A_109 = arith.constant 0 : i32
        %dma_start3A_110 = tpu.memref_slice %arg6[%dma_start3A_108, %dma_start3A_109] : memref<256x128xf32, #tpu.memory_space<vmem>> -> memref<128x128xf32, #tpu.memory_space<vmem>>
        %dma_start3A_111 = arith.constant 0 : i32
        %dma_start3A_112 = tpu.memref_slice %arg5[%add3A_107, %dma_start3A_111] : memref<16x128xi32, #tpu.memory_space<vmem>> -> memref<1x128xi32, #tpu.memory_space<vmem>>
        %dma_start3A_113 = tpu.memref_squeeze %dma_start3A_112 : memref<1x128xi32, #tpu.memory_space<vmem>> -> memref<128xi32, #tpu.memory_space<vmem>>
        %dma_start3A_114 = arith.constant 0 : i32
        %dma_start3A_115 = arith.constant 0 : i32
        %dma_start3A_116 = tpu.memref_slice %arg7[%dma_start3A_114, %dma_start3A_115] : memref<10112x128xf32, #tpu.memory_space<vmem_shared>> -> memref<10112x128xf32, #tpu.memory_space<vmem_shared>>
        tpu.enqueue_indirect_dma source(%dma_start3A_110 : memref<128x128xf32, #tpu.memory_space<vmem>>) target(%dma_start3A_116 : memref<10112x128xf32, #tpu.memory_space<vmem_shared>>) offsets(%dma_start3A_113 : memref<128xi32, #tpu.memory_space<vmem>>) semaphore(%arg9 : memref<!tpu.dma_semaphore, #tpu.memory_space<semaphore_mem>>) {add = true}
      }
      %scan3A_62 = arith.constant 4 : i32
    }
    %while3A_31 = arith.constant 1 : i32
    scf.for %while3A_52 = %while3A_29 to %while3A_25 step %while3A_31  : i32 {
      %mul3A_53 = arith.constant 16 : i32
      %mul3A_54 = arith.muli %while3A_52, %mul3A_53 : i32
      %multiple_of3A_55 = tpu.assume_multiple %mul3A_54, 16 : i32
      %add3A_56 = arith.addi %multiple_of3A, %multiple_of3A_55 : i32
      "tpu.region"() ({
        %run_scoped3A = tpu.sem_alloc : memref<!tpu.dma_semaphore, #tpu.memory_space<semaphore_mem>>
        %dma_start3A = arith.constant 0 : i32
        %dma_start3A_63 = tpu.memref_slice %arg3[%add3A_56, %dma_start3A] : memref<5120x128xi32, #tpu.memory_space<hbm>> -> memref<16x128xi32, #tpu.memory_space<hbm>>
        %dma_start3A_64 = arith.constant 0 : i32
        %dma_start3A_65 = tpu.memref_slice %arg3[%add3A_56, %dma_start3A_64] : memref<5120x128xi32, #tpu.memory_space<hbm>> -> memref<16x128xi32, #tpu.memory_space<hbm>>
        tpu.enqueue_dma source(%dma_start3A_65 : memref<16x128xi32, #tpu.memory_space<hbm>>) target(%arg5 : memref<16x128xi32, #tpu.memory_space<vmem>>) target_semaphore(%run_scoped3A : memref<!tpu.dma_semaphore, #tpu.memory_space<semaphore_mem>>)
        %dma_wait3A_66 = arith.constant 0 : i32
        %dma_wait3A_67 = tpu.memref_slice %arg3[%add3A_56, %dma_wait3A_66] : memref<5120x128xi32, #tpu.memory_space<hbm>> -> memref<16x128xi32, #tpu.memory_space<hbm>>
        %dma_wait3A_68 = arith.constant 0 : i32
        %dma_wait3A_69 = tpu.memref_slice %arg3[%add3A_56, %dma_wait3A_68] : memref<5120x128xi32, #tpu.memory_space<hbm>> -> memref<16x128xi32, #tpu.memory_space<hbm>>
        tpu.wait_dma2 semaphore(%run_scoped3A : memref<!tpu.dma_semaphore, #tpu.memory_space<semaphore_mem>>) src(%dma_wait3A_69 : memref<16x128xi32, #tpu.memory_space<hbm>>) dst(%arg5 : memref<16x128xi32, #tpu.memory_space<vmem>>)
        tpu.yield
      }) : () -> ()
      %scan3A_57 = arith.constant 0 : i32
      %scan3A_58 = arith.constant 0 : i32
      %scan3A_59 = arith.constant 4 : i32
      %scan3A_60 = arith.addi %scan3A_58, %scan3A_59 : i32
      %scan3A_61 = arith.constant 1 : i32
      scf.for %scan3A_63 = %scan3A_58 to %scan3A_60 step %scan3A_61  : i32 {
        %gt3A = arith.constant 0 : i32
        %gt3A_64 = arith.cmpi sgt, %scan3A_63, %gt3A : i32
        %gt3A_65 = arith.constant 0 : i32
        %gt3A_66 = arith.cmpi sgt, %while3A_52, %gt3A_65 : i32
        %or3A = arith.ori %gt3A_64, %gt3A_66 : i1
        %convert_element_type3A = arith.extui %or3A : i1 to i32
        %cond3A = arith.constant 0 : i32
        %cond3A_67 = arith.cmpi ne, %convert_element_type3A, %cond3A : i32
        scf.if %cond3A_67 {
          %dma_wait3A_117 = arith.constant 0 : i32
          %dma_wait3A_118 = arith.constant 0 : i32
          %dma_wait3A_119 = tpu.memref_slice %arg7[%dma_wait3A_117, %dma_wait3A_118] : memref<10112x128xf32, #tpu.memory_space<vmem_shared>> -> memref<256x128xf32, #tpu.memory_space<vmem_shared>>
          %dma_wait3A_120 = arith.constant 0 : i32
          %dma_wait3A_121 = arith.constant 0 : i32
          %dma_wait3A_122 = tpu.memref_slice %arg7[%dma_wait3A_120, %dma_wait3A_121] : memref<10112x128xf32, #tpu.memory_space<vmem_shared>> -> memref<256x128xf32, #tpu.memory_space<vmem_shared>>
          tpu.wait_dma2 semaphore(%arg9 : memref<!tpu.dma_semaphore, #tpu.memory_space<semaphore_mem>>) src(%arg6 : memref<256x128xf32, #tpu.memory_space<vmem>>) dst(%dma_wait3A_122 : memref<256x128xf32, #tpu.memory_space<vmem_shared>>)
        } else {
        }
        %mul3A_68 = arith.constant 4 : i32
        %mul3A_69 = arith.muli %scan3A_63, %mul3A_68 : i32
        %dma_start3A = arith.constant 0 : i32
        %dma_start3A_70 = arith.constant 0 : i32
        %dma_start3A_71 = tpu.memref_slice %arg6[%dma_start3A, %dma_start3A_70] : memref<256x128xf32, #tpu.memory_space<vmem>> -> memref<128x128xf32, #tpu.memory_space<vmem>>
        %dma_start3A_72 = arith.constant 0 : i32
        %dma_start3A_73 = tpu.memref_slice %arg5[%mul3A_69, %dma_start3A_72] : memref<16x128xi32, #tpu.memory_space<vmem>> -> memref<1x128xi32, #tpu.memory_space<vmem>>
        %dma_start3A_74 = tpu.memref_squeeze %dma_start3A_73 : memref<1x128xi32, #tpu.memory_space<vmem>> -> memref<128xi32, #tpu.memory_space<vmem>>
        %dma_start3A_75 = arith.constant 0 : i32
        %dma_start3A_76 = arith.constant 0 : i32
        %dma_start3A_77 = tpu.memref_slice %arg2[%dma_start3A_75, %dma_start3A_76] : memref<10112x128xf32, #tpu.memory_space<hbm>> -> memref<10112x128xf32, #tpu.memory_space<hbm>>
        tpu.enqueue_indirect_dma source(%dma_start3A_77 : memref<10112x128xf32, #tpu.memory_space<hbm>>) target(%dma_start3A_71 : memref<128x128xf32, #tpu.memory_space<vmem>>) offsets(%dma_start3A_74 : memref<128xi32, #tpu.memory_space<vmem>>) semaphore(%arg8 : memref<!tpu.dma_semaphore, #tpu.memory_space<semaphore_mem>>)
        %add3A_78 = arith.constant 2 : i32
        %add3A_79 = arith.addi %mul3A_69, %add3A_78 : i32
        %dma_start3A_80 = arith.constant 128 : i32
        %dma_start3A_81 = arith.constant 0 : i32
        %dma_start3A_82 = tpu.memref_slice %arg6[%dma_start3A_80, %dma_start3A_81] : memref<256x128xf32, #tpu.memory_space<vmem>> -> memref<128x128xf32, #tpu.memory_space<vmem>>
        %dma_start3A_83 = arith.constant 0 : i32
        %dma_start3A_84 = tpu.memref_slice %arg5[%add3A_79, %dma_start3A_83] : memref<16x128xi32, #tpu.memory_space<vmem>> -> memref<1x128xi32, #tpu.memory_space<vmem>>
        %dma_start3A_85 = tpu.memref_squeeze %dma_start3A_84 : memref<1x128xi32, #tpu.memory_space<vmem>> -> memref<128xi32, #tpu.memory_space<vmem>>
        %dma_start3A_86 = arith.constant 0 : i32
        %dma_start3A_87 = arith.constant 0 : i32
        %dma_start3A_88 = tpu.memref_slice %arg2[%dma_start3A_86, %dma_start3A_87] : memref<10112x128xf32, #tpu.memory_space<hbm>> -> memref<10112x128xf32, #tpu.memory_space<hbm>>
        tpu.enqueue_indirect_dma source(%dma_start3A_88 : memref<10112x128xf32, #tpu.memory_space<hbm>>) target(%dma_start3A_82 : memref<128x128xf32, #tpu.memory_space<vmem>>) offsets(%dma_start3A_85 : memref<128xi32, #tpu.memory_space<vmem>>) semaphore(%arg8 : memref<!tpu.dma_semaphore, #tpu.memory_space<semaphore_mem>>)
        %dma_wait3A_89 = arith.constant 0 : i32
        %dma_wait3A_90 = arith.constant 0 : i32
        %dma_wait3A_91 = tpu.memref_slice %arg2[%dma_wait3A_89, %dma_wait3A_90] : memref<10112x128xf32, #tpu.memory_space<hbm>> -> memref<256x128xf32, #tpu.memory_space<hbm>>
        %dma_wait3A_92 = arith.constant 0 : i32
        %dma_wait3A_93 = arith.constant 0 : i32
        %dma_wait3A_94 = tpu.memref_slice %arg2[%dma_wait3A_92, %dma_wait3A_93] : memref<10112x128xf32, #tpu.memory_space<hbm>> -> memref<256x128xf32, #tpu.memory_space<hbm>>
        tpu.wait_dma2 semaphore(%arg8 : memref<!tpu.dma_semaphore, #tpu.memory_space<semaphore_mem>>) src(%dma_wait3A_94 : memref<256x128xf32, #tpu.memory_space<hbm>>) dst(%arg6 : memref<256x128xf32, #tpu.memory_space<vmem>>)
        %add3A_95 = arith.constant 1 : i32
        %add3A_96 = arith.addi %mul3A_69, %add3A_95 : i32
        %dma_start3A_97 = arith.constant 0 : i32
        %dma_start3A_98 = arith.constant 0 : i32
        %dma_start3A_99 = tpu.memref_slice %arg6[%dma_start3A_97, %dma_start3A_98] : memref<256x128xf32, #tpu.memory_space<vmem>> -> memref<128x128xf32, #tpu.memory_space<vmem>>
        %dma_start3A_100 = arith.constant 0 : i32
        %dma_start3A_101 = tpu.memref_slice %arg5[%add3A_96, %dma_start3A_100] : memref<16x128xi32, #tpu.memory_space<vmem>> -> memref<1x128xi32, #tpu.memory_space<vmem>>
        %dma_start3A_102 = tpu.memref_squeeze %dma_start3A_101 : memref<1x128xi32, #tpu.memory_space<vmem>> -> memref<128xi32, #tpu.memory_space<vmem>>
        %dma_start3A_103 = arith.constant 0 : i32
        %dma_start3A_104 = arith.constant 0 : i32
        %dma_start3A_105 = tpu.memref_slice %arg7[%dma_start3A_103, %dma_start3A_104] : memref<10112x128xf32, #tpu.memory_space<vmem_shared>> -> memref<10112x128xf32, #tpu.memory_space<vmem_shared>>
        tpu.enqueue_indirect_dma source(%dma_start3A_99 : memref<128x128xf32, #tpu.memory_space<vmem>>) target(%dma_start3A_105 : memref<10112x128xf32, #tpu.memory_space<vmem_shared>>) offsets(%dma_start3A_102 : memref<128xi32, #tpu.memory_space<vmem>>) semaphore(%arg9 : memref<!tpu.dma_semaphore, #tpu.memory_space<semaphore_mem>>) {add = true}
        %add3A_106 = arith.constant 3 : i32
        %add3A_107 = arith.addi %mul3A_69, %add3A_106 : i32
        %dma_start3A_108 = arith.constant 128 : i32
        %dma_start3A_109 = arith.constant 0 : i32
        %dma_start3A_110 = tpu.memref_slice %arg6[%dma_start3A_108, %dma_start3A_109] : memref<256x128xf32, #tpu.memory_space<vmem>> -> memref<128x128xf32, #tpu.memory_space<vmem>>
        %dma_start3A_111 = arith.constant 0 : i32
        %dma_start3A_112 = tpu.memref_slice %arg5[%add3A_107, %dma_start3A_111] : memref<16x128xi32, #tpu.memory_space<vmem>> -> memref<1x128xi32, #tpu.memory_space<vmem>>
        %dma_start3A_113 = tpu.memref_squeeze %dma_start3A_112 : memref<1x128xi32, #tpu.memory_space<vmem>> -> memref<128xi32, #tpu.memory_space<vmem>>
        %dma_start3A_114 = arith.constant 0 : i32
        %dma_start3A_115 = arith.constant 0 : i32
        %dma_start3A_116 = tpu.memref_slice %arg7[%dma_start3A_114, %dma_start3A_115] : memref<10112x128xf32, #tpu.memory_space<vmem_shared>> -> memref<10112x128xf32, #tpu.memory_space<vmem_shared>>
        tpu.enqueue_indirect_dma source(%dma_start3A_110 : memref<128x128xf32, #tpu.memory_space<vmem>>) target(%dma_start3A_116 : memref<10112x128xf32, #tpu.memory_space<vmem_shared>>) offsets(%dma_start3A_113 : memref<128xi32, #tpu.memory_space<vmem>>) semaphore(%arg9 : memref<!tpu.dma_semaphore, #tpu.memory_space<semaphore_mem>>) {add = true}
      }
      %scan3A_62 = arith.constant 4 : i32
    }
    %dma_wait3A = arith.constant 0 : i32
    %dma_wait3A_32 = arith.constant 0 : i32
    %dma_wait3A_33 = tpu.memref_slice %arg7[%dma_wait3A, %dma_wait3A_32] : memref<10112x128xf32, #tpu.memory_space<vmem_shared>> -> memref<256x128xf32, #tpu.memory_space<vmem_shared>>
    %dma_wait3A_34 = arith.constant 0 : i32
    %dma_wait3A_35 = arith.constant 0 : i32
    %dma_wait3A_36 = tpu.memref_slice %arg7[%dma_wait3A_34, %dma_wait3A_35] : memref<10112x128xf32, #tpu.memory_space<vmem_shared>> -> memref<256x128xf32, #tpu.memory_space<vmem_shared>>
    tpu.wait_dma2 semaphore(%arg9 : memref<!tpu.dma_semaphore, #tpu.memory_space<semaphore_mem>>) src(%arg6 : memref<256x128xf32, #tpu.memory_space<vmem>>) dst(%dma_wait3A_36 : memref<256x128xf32, #tpu.memory_space<vmem_shared>>)
    %barrier3A_37 = arith.constant 0 : index
    tpu.barrier barrier_id(%barrier3A_37)
    %scan3A_38 = arith.constant 0 : i32
    %scan3A_39 = arith.constant 0 : i32
    %scan3A_40 = arith.constant 4 : i32
    %scan3A_41 = arith.addi %scan3A_39, %scan3A_40 : i32
    %scan3A_42 = arith.constant 1 : i32
    scf.for %scan3A_52 = %scan3A_39 to %scan3A_41 step %scan3A_42  : i32 {
      %mul3A_53 = arith.constant 632 : i32
      %mul3A_54 = arith.muli %arg1, %mul3A_53 : i32
      %mul3A_55 = arith.constant 128 : i32
      %mul3A_56 = arith.muli %scan3A_52, %mul3A_55 : i32
      %add3A_57 = arith.addi %mul3A_54, %mul3A_56 : i32
      %mul3A_58 = arith.constant 632 : i32
      %mul3A_59 = arith.muli %arg1, %mul3A_58 : i32
      %mul3A_60 = arith.constant 128 : i32
      %mul3A_61 = arith.muli %scan3A_52, %mul3A_60 : i32
      %add3A_62 = arith.addi %mul3A_59, %mul3A_61 : i32
      "tpu.region"() ({
        %run_scoped3A = tpu.sem_alloc : memref<!tpu.dma_semaphore, #tpu.memory_space<semaphore_mem>>
        %dma_start3A = arith.constant 0 : i32
        %dma_start3A_63 = tpu.memref_slice %arg4[%arg0, %add3A_62, %dma_start3A] : memref<2x10112x128xf32, #tpu.memory_space<hbm>> -> memref<1x128x128xf32, #tpu.memory_space<hbm>>
        %dma_start3A_64 = tpu.memref_squeeze %dma_start3A_63 : memref<1x128x128xf32, #tpu.memory_space<hbm>> -> memref<128x128xf32, #tpu.memory_space<hbm>>
        %dma_start3A_65 = arith.constant 0 : i32
        %dma_start3A_66 = tpu.memref_slice %arg7[%add3A_57, %dma_start3A_65] : memref<10112x128xf32, #tpu.memory_space<vmem_shared>> -> memref<128x128xf32, #tpu.memory_space<vmem_shared>>
        tpu.enqueue_dma source(%dma_start3A_66 : memref<128x128xf32, #tpu.memory_space<vmem_shared>>) target(%dma_start3A_64 : memref<128x128xf32, #tpu.memory_space<hbm>>) target_semaphore(%run_scoped3A : memref<!tpu.dma_semaphore, #tpu.memory_space<semaphore_mem>>)
        %dma_wait3A_67 = arith.constant 0 : i32
        %dma_wait3A_68 = tpu.memref_slice %arg4[%arg0, %add3A_62, %dma_wait3A_67] : memref<2x10112x128xf32, #tpu.memory_space<hbm>> -> memref<1x128x128xf32, #tpu.memory_space<hbm>>
        %dma_wait3A_69 = tpu.memref_squeeze %dma_wait3A_68 : memref<1x128x128xf32, #tpu.memory_space<hbm>> -> memref<128x128xf32, #tpu.memory_space<hbm>>
        %dma_wait3A_70 = arith.constant 0 : i32
        %dma_wait3A_71 = tpu.memref_slice %arg7[%add3A_57, %dma_wait3A_70] : memref<10112x128xf32, #tpu.memory_space<vmem_shared>> -> memref<128x128xf32, #tpu.memory_space<vmem_shared>>
        tpu.wait_dma2 semaphore(%run_scoped3A : memref<!tpu.dma_semaphore, #tpu.memory_space<semaphore_mem>>) src(%dma_wait3A_71 : memref<128x128xf32, #tpu.memory_space<vmem_shared>>) dst(%dma_wait3A_69 : memref<128x128xf32, #tpu.memory_space<hbm>>)
        tpu.yield
      }) : () -> ()
    }
    %scan3A_43 = arith.constant 4 : i32
    %mul3A_44 = arith.constant 632 : i32
    %mul3A_45 = arith.muli %arg1, %mul3A_44 : i32
    %add3A_46 = arith.constant 512 : i32
    %add3A_47 = arith.addi %mul3A_45, %add3A_46 : i32
    %mul3A_48 = arith.constant 632 : i32
    %mul3A_49 = arith.muli %arg1, %mul3A_48 : i32
    %add3A_50 = arith.constant 512 : i32
    %add3A_51 = arith.addi %mul3A_49, %add3A_50 : i32
    "tpu.region"() ({
      %run_scoped3A = tpu.sem_alloc : memref<!tpu.dma_semaphore, #tpu.memory_space<semaphore_mem>>
      %dma_start3A = arith.constant 0 : i32
      %dma_start3A_52 = tpu.memref_slice %arg4[%arg0, %add3A_51, %dma_start3A] : memref<2x10112x128xf32, #tpu.memory_space<hbm>> -> memref<1x120x128xf32, #tpu.memory_space<hbm>>
      %dma_start3A_53 = tpu.memref_squeeze %dma_start3A_52 : memref<1x120x128xf32, #tpu.memory_space<hbm>> -> memref<120x128xf32, #tpu.memory_space<hbm>>
      %dma_start3A_54 = arith.constant 0 : i32
      %dma_start3A_55 = tpu.memref_slice %arg7[%add3A_47, %dma_start3A_54] : memref<10112x128xf32, #tpu.memory_space<vmem_shared>> -> memref<120x128xf32, #tpu.memory_space<vmem_shared>>
      tpu.enqueue_dma source(%dma_start3A_55 : memref<120x128xf32, #tpu.memory_space<vmem_shared>>) target(%dma_start3A_53 : memref<120x128xf32, #tpu.memory_space<hbm>>) target_semaphore(%run_scoped3A : memref<!tpu.dma_semaphore, #tpu.memory_space<semaphore_mem>>)
      %dma_wait3A_56 = arith.constant 0 : i32
      %dma_wait3A_57 = tpu.memref_slice %arg4[%arg0, %add3A_51, %dma_wait3A_56] : memref<2x10112x128xf32, #tpu.memory_space<hbm>> -> memref<1x120x128xf32, #tpu.memory_space<hbm>>
      %dma_wait3A_58 = tpu.memref_squeeze %dma_wait3A_57 : memref<1x120x128xf32, #tpu.memory_space<hbm>> -> memref<120x128xf32, #tpu.memory_space<hbm>>
      %dma_wait3A_59 = arith.constant 0 : i32
      %dma_wait3A_60 = tpu.memref_slice %arg7[%add3A_47, %dma_wait3A_59] : memref<10112x128xf32, #tpu.memory_space<vmem_shared>> -> memref<120x128xf32, #tpu.memory_space<vmem_shared>>
      tpu.wait_dma2 semaphore(%run_scoped3A : memref<!tpu.dma_semaphore, #tpu.memory_space<semaphore_mem>>) src(%dma_wait3A_60 : memref<120x128xf32, #tpu.memory_space<vmem_shared>>) dst(%dma_wait3A_58 : memref<120x128xf32, #tpu.memory_space<hbm>>)
      tpu.yield
    }) : () -> ()
    return
  }
}

module attributes {stable_mosaic.version = 14 : i64} {
  func.func @_first_body(%arg0: i32, %arg1: memref<128x1xf32, #tpu.memory_space<vmem>>, %arg2: memref<128x1xf32, #tpu.memory_space<vmem>>, %arg3: memref<128x128xf32, #tpu.memory_space<vmem>>, %arg4: memref<128x128xf32, #tpu.memory_space<vmem>>, %arg5: memref<128x128xf32, #tpu.memory_space<vmem>>, %arg6: memref<128x1xf32, #tpu.memory_space<vmem>>) attributes {dimension_semantics = [#tpu.dimension_semantics<arbitrary>], iteration_bounds = array<i64: 79>, scalar_prefetch = 0 : i64, scratch_operands = 0 : i64, tpu.core_type = #tpu.core_type<tc>, window_params = [{transform_indices = @transform_0, window_bounds = array<i64: 128, 1>}, {transform_indices = @transform_1, window_bounds = array<i64: 128, 1>}, {transform_indices = @transform_2, window_bounds = array<i64: 128, 128>}, {pipeline_mode = #tpu.pipeline_mode<synchronous>, transform_indices = @transform_3, window_bounds = array<i64: 128, 128>}, {transform_indices = @transform_4, window_bounds = array<i64: 128, 128>}, {transform_indices = @transform_5, window_bounds = array<i64: 128, 1>}]} {
    %get3A = arith.constant 0 : index
    %get3A_0 = arith.constant 0 : index
    %get3A_1 = vector.load %arg1[%get3A, %get3A_0] : memref<128x1xf32, #tpu.memory_space<vmem>>, vector<128x1xf32>
    %get3A_2 = arith.constant 0 : index
    %get3A_3 = arith.constant 0 : index
    %get3A_4 = vector.load %arg2[%get3A_2, %get3A_3] : memref<128x1xf32, #tpu.memory_space<vmem>>, vector<128x1xf32>
    %add3A = arith.addf %get3A_1, %get3A_4 : vector<128x1xf32>
    %add3A_5 = arith.constant 1.000000e+00 : f32
    %add3A_6 = vector.broadcast %add3A_5 : f32 to vector<128x1xf32>
    %add3A_7 = arith.addf %add3A, %add3A_6 : vector<128x1xf32>
    %iota3A = tpu.iota {dimensions = array<i32: 0>} : vector<128x1xi32>
    %mul3A = arith.constant 128 : i32
    %mul3A_8 = arith.muli %arg0, %mul3A : i32
    %add3A_9 = vector.broadcast %mul3A_8 : i32 to vector<128x1xi32>
    %add3A_10 = arith.addi %iota3A, %add3A_9 : vector<128x1xi32>
    %lt3A = arith.constant 10000 : i32
    %lt3A_11 = vector.broadcast %lt3A : i32 to vector<128x1xi32>
    %lt3A_12 = arith.cmpi slt, %add3A_10, %lt3A_11 : vector<128x1xi32>
    %rsqrt3A = math.rsqrt %add3A_7 : vector<128x1xf32>
    %jit3A = arith.constant 0.000000e+00 : f32
    %broadcast_in_dim3A = vector.broadcast %jit3A : f32 to vector<128x1xf32>
    %select_n3A = arith.select %lt3A_12, %rsqrt3A, %broadcast_in_dim3A : vector<128x1xi1>, vector<128x1xf32>
    %get3A_13 = arith.constant 0 : index
    %get3A_14 = arith.constant 0 : index
    %get3A_15 = vector.load %arg3[%get3A_13, %get3A_14] : memref<128x128xf32, #tpu.memory_space<vmem>>, vector<128x128xf32>
    %get3A_16 = arith.constant 0 : index
    %get3A_17 = arith.constant 0 : index
    %get3A_18 = vector.load %arg4[%get3A_16, %get3A_17] : memref<128x128xf32, #tpu.memory_space<vmem>>, vector<128x128xf32>
    %dot_general3A = arith.constant dense<0.000000e+00> : vector<128x128xf32>
    %dot_general3A_19 = tpu.matmul %get3A_15, %get3A_18, %dot_general3A {dimension_numbers = #tpu.dot_dimension_numbers<[1], [0], [0], [1], [0, 0, 1, 1], [], []>, precision = #tpu.contract_precision<fp32>, transpose_lhs_hint = false} : vector<128x128xf32>, vector<128x128xf32>, vector<128x128xf32> -> vector<128x128xf32>
    %mul3A_20 = vector.broadcast %select_n3A : vector<128x1xf32> to vector<128x128xf32>
    %mul3A_21 = arith.mulf %mul3A_20, %dot_general3A_19 : vector<128x128xf32>
    %swap3A = arith.constant 0 : index
    %swap3A_22 = arith.constant 0 : index
    %swap3A_23 = vector.load %arg5[%swap3A, %swap3A_22] : memref<128x128xf32, #tpu.memory_space<vmem>>, vector<128x128xf32>
    tpu.vector_store %arg5[%swap3A, %swap3A_22], %mul3A_21 {strides = array<i32>} : memref<128x128xf32, #tpu.memory_space<vmem>>, vector<128x128xf32>,
    %swap3A_24 = arith.constant 0 : index
    %swap3A_25 = arith.constant 0 : index
    %swap3A_26 = vector.load %arg6[%swap3A_24, %swap3A_25] : memref<128x1xf32, #tpu.memory_space<vmem>>, vector<128x1xf32>
    tpu.vector_store %arg6[%swap3A_24, %swap3A_25], %select_n3A {strides = array<i32>} : memref<128x1xf32, #tpu.memory_space<vmem>>, vector<128x1xf32>,
    return
  }
  func.func @transform_0(%arg0: i32) -> (i32, i32) {
    %c0_i32 = arith.constant 0 : i32
    %c0_i32_0 = arith.constant 0 : i32
    return %arg0, %c0_i32 : i32, i32
  }
  func.func @transform_1(%arg0: i32) -> (i32, i32) {
    %c0_i32 = arith.constant 0 : i32
    %c0_i32_0 = arith.constant 0 : i32
    return %arg0, %c0_i32 : i32, i32
  }
  func.func @transform_2(%arg0: i32) -> (i32, i32) {
    %c0_i32 = arith.constant 0 : i32
    %c0_i32_0 = arith.constant 0 : i32
    return %arg0, %c0_i32 : i32, i32
  }
  func.func @transform_3(%arg0: i32) -> (i32, i32) {
    %c0_i32 = arith.constant 0 : i32
    %c0_i32_0 = arith.constant 0 : i32
    %c0_i32_1 = arith.constant 0 : i32
    return %c0_i32, %c0_i32_0 : i32, i32
  }
  func.func @transform_4(%arg0: i32) -> (i32, i32) {
    %c0_i32 = arith.constant 0 : i32
    %c0_i32_0 = arith.constant 0 : i32
    return %arg0, %c0_i32 : i32, i32
  }
  func.func @transform_5(%arg0: i32) -> (i32, i32) {
    %c0_i32 = arith.constant 0 : i32
    %c0_i32_0 = arith.constant 0 : i32
    return %arg0, %c0_i32 : i32, i32
  }
}

module attributes {stable_mosaic.version = 14 : i64} {
  func.func @_mid_body(%arg0: i32, %arg1: memref<2x128x128xf32, #tpu.memory_space<vmem>>, %arg2: memref<128x128xf32, #tpu.memory_space<vmem>>, %arg3: memref<128x1xf32, #tpu.memory_space<vmem>>, %arg4: memref<1x128xf32, #tpu.memory_space<vmem>>, %arg5: memref<128x128xf32, #tpu.memory_space<vmem>>, %arg6: memref<128x128xf32, #tpu.memory_space<vmem>>) attributes {dimension_semantics = [#tpu.dimension_semantics<arbitrary>], iteration_bounds = array<i64: 79>, scalar_prefetch = 0 : i64, scratch_operands = 0 : i64, tpu.core_type = #tpu.core_type<tc>, window_params = [{transform_indices = @transform_0, window_bounds = array<i64: 2, 128, 128>}, {transform_indices = @transform_1, window_bounds = array<i64: 128, 128>}, {transform_indices = @transform_2, window_bounds = array<i64: 128, 1>}, {pipeline_mode = #tpu.pipeline_mode<synchronous>, transform_indices = @transform_3, window_bounds = array<i64: 1, 128>}, {pipeline_mode = #tpu.pipeline_mode<synchronous>, transform_indices = @transform_4, window_bounds = array<i64: 128, 128>}, {transform_indices = @transform_5, window_bounds = array<i64: 128, 128>}]} {
    %get3A = arith.constant 0 : index
    %get3A_0 = arith.constant 0 : index
    %get3A_1 = vector.load %arg3[%get3A, %get3A_0] : memref<128x1xf32, #tpu.memory_space<vmem>>, vector<128x1xf32>
    %get3A_2 = arith.constant 0 : index
    %get3A_3 = arith.constant 0 : index
    %get3A_4 = arith.constant 0 : index
    %get3A_5 = vector.load %arg1[%get3A_2, %get3A_3, %get3A_4] : memref<2x128x128xf32, #tpu.memory_space<vmem>>, vector<1x128x128xf32>
    %get3A_6 = vector.shape_cast %get3A_5 : vector<1x128x128xf32> to vector<128x128xf32>
    %get3A_7 = arith.constant 1 : index
    %get3A_8 = arith.constant 0 : index
    %get3A_9 = arith.constant 0 : index
    %get3A_10 = vector.load %arg1[%get3A_7, %get3A_8, %get3A_9] : memref<2x128x128xf32, #tpu.memory_space<vmem>>, vector<1x128x128xf32>
    %get3A_11 = vector.shape_cast %get3A_10 : vector<1x128x128xf32> to vector<128x128xf32>
    %add3A = arith.addf %get3A_6, %get3A_11 : vector<128x128xf32>
    %get3A_12 = arith.constant 0 : index
    %get3A_13 = arith.constant 0 : index
    %get3A_14 = vector.load %arg2[%get3A_12, %get3A_13] : memref<128x128xf32, #tpu.memory_space<vmem>>, vector<128x128xf32>
    %add3A_15 = arith.addf %add3A, %get3A_14 : vector<128x128xf32>
    %mul3A = vector.broadcast %get3A_1 : vector<128x1xf32> to vector<128x128xf32>
    %mul3A_16 = arith.mulf %mul3A, %add3A_15 : vector<128x128xf32>
    %get3A_17 = arith.constant 0 : index
    %get3A_18 = arith.constant 0 : index
    %get3A_19 = vector.load %arg4[%get3A_17, %get3A_18] : memref<1x128xf32, #tpu.memory_space<vmem>>, vector<1x128xf32>
    %add3A_20 = vector.broadcast %get3A_19 : vector<1x128xf32> to vector<128x128xf32>
    %add3A_21 = arith.addf %mul3A_16, %add3A_20 : vector<128x128xf32>
    %max3A = arith.constant 0.000000e+00 : f32
    %max3A_22 = vector.broadcast %max3A : f32 to vector<128x128xf32>
    %max3A_23 = arith.maximumf %add3A_21, %max3A_22 : vector<128x128xf32>
    %get3A_24 = arith.constant 0 : index
    %get3A_25 = arith.constant 0 : index
    %get3A_26 = vector.load %arg5[%get3A_24, %get3A_25] : memref<128x128xf32, #tpu.memory_space<vmem>>, vector<128x128xf32>
    %dot_general3A = arith.constant dense<0.000000e+00> : vector<128x128xf32>
    %dot_general3A_27 = tpu.matmul %max3A_23, %get3A_26, %dot_general3A {dimension_numbers = #tpu.dot_dimension_numbers<[1], [0], [0], [1], [0, 0, 1, 1], [], []>, precision = #tpu.contract_precision<fp32>, transpose_lhs_hint = false} : vector<128x128xf32>, vector<128x128xf32>, vector<128x128xf32> -> vector<128x128xf32>
    %mul3A_28 = vector.broadcast %get3A_1 : vector<128x1xf32> to vector<128x128xf32>
    %mul3A_29 = arith.mulf %mul3A_28, %dot_general3A_27 : vector<128x128xf32>
    %swap3A = arith.constant 0 : index
    %swap3A_30 = arith.constant 0 : index
    %swap3A_31 = vector.load %arg6[%swap3A, %swap3A_30] : memref<128x128xf32, #tpu.memory_space<vmem>>, vector<128x128xf32>
    tpu.vector_store %arg6[%swap3A, %swap3A_30], %mul3A_29 {strides = array<i32>} : memref<128x128xf32, #tpu.memory_space<vmem>>, vector<128x128xf32>,
    return
  }
  func.func @transform_0(%arg0: i32) -> (i32, i32, i32) {
    %c0_i32 = arith.constant 0 : i32
    %c0_i32_0 = arith.constant 0 : i32
    %c0_i32_1 = arith.constant 0 : i32
    return %c0_i32, %arg0, %c0_i32_0 : i32, i32, i32
  }
  func.func @transform_1(%arg0: i32) -> (i32, i32) {
    %c0_i32 = arith.constant 0 : i32
    %c0_i32_0 = arith.constant 0 : i32
    return %arg0, %c0_i32 : i32, i32
  }
  func.func @transform_2(%arg0: i32) -> (i32, i32) {
    %c0_i32 = arith.constant 0 : i32
    %c0_i32_0 = arith.constant 0 : i32
    return %arg0, %c0_i32 : i32, i32
  }
  func.func @transform_3(%arg0: i32) -> (i32, i32) {
    %c0_i32 = arith.constant 0 : i32
    %c0_i32_0 = arith.constant 0 : i32
    %c0_i32_1 = arith.constant 0 : i32
    return %c0_i32, %c0_i32_0 : i32, i32
  }
  func.func @transform_4(%arg0: i32) -> (i32, i32) {
    %c0_i32 = arith.constant 0 : i32
    %c0_i32_0 = arith.constant 0 : i32
    %c0_i32_1 = arith.constant 0 : i32
    return %c0_i32, %c0_i32_0 : i32, i32
  }
  func.func @transform_5(%arg0: i32) -> (i32, i32) {
    %c0_i32 = arith.constant 0 : i32
    %c0_i32_0 = arith.constant 0 : i32
    return %arg0, %c0_i32 : i32, i32
  }
}

module attributes {stable_mosaic.version = 14 : i64} {
  func.func @_final_body(%arg0: i32, %arg1: memref<2x128x128xf32, #tpu.memory_space<vmem>>, %arg2: memref<128x128xf32, #tpu.memory_space<vmem>>, %arg3: memref<128x1xf32, #tpu.memory_space<vmem>>, %arg4: memref<1x128xf32, #tpu.memory_space<vmem>>, %arg5: memref<1x1x128xi32, #tpu.memory_space<vmem>>, %arg6: memref<64x128xf32, #tpu.memory_space<vmem>>, %arg7: memref<64x128xf32, #tpu.memory_space<vmem>>, %arg8: memref<64x1xf32, #tpu.memory_space<vmem>>) attributes {dimension_semantics = [#tpu.dimension_semantics<arbitrary>], iteration_bounds = array<i64: 79>, scalar_prefetch = 0 : i64, scratch_operands = 2 : i64, tpu.core_type = #tpu.core_type<tc>, window_params = [{transform_indices = @transform_0, window_bounds = array<i64: 2, 128, 128>}, {transform_indices = @transform_1, window_bounds = array<i64: 128, 128>}, {transform_indices = @transform_2, window_bounds = array<i64: 128, 1>}, {pipeline_mode = #tpu.pipeline_mode<synchronous>, transform_indices = @transform_3, window_bounds = array<i64: 1, 128>}, {transform_indices = @transform_4, window_bounds = array<i64: 1, 1, 128>}, {pipeline_mode = #tpu.pipeline_mode<synchronous>, transform_indices = @transform_5, window_bounds = array<i64: 64, 128>}]} {
    %eq3A = arith.constant 0 : i32
    %eq3A_0 = arith.cmpi eq, %arg0, %eq3A : i32
    %convert_element_type3A = arith.extui %eq3A_0 : i1 to i32
    %cond3A = arith.constant 0 : i32
    %cond3A_1 = arith.cmpi ne, %convert_element_type3A, %cond3A : i32
    scf.if %cond3A_1 {
      %broadcast_in_dim3A_54 = arith.constant 0.000000e+00 : f32
      %broadcast_in_dim3A_55 = vector.broadcast %broadcast_in_dim3A_54 : f32 to vector<64x128xf32>
      %swap3A_56 = arith.constant 0 : index
      %swap3A_57 = arith.constant 0 : index
      %swap3A_58 = vector.load %arg7[%swap3A_56, %swap3A_57] : memref<64x128xf32, #tpu.memory_space<vmem>>, vector<64x128xf32>
      tpu.vector_store %arg7[%swap3A_56, %swap3A_57], %broadcast_in_dim3A_55 {strides = array<i32>} : memref<64x128xf32, #tpu.memory_space<vmem>>, vector<64x128xf32>,
      %broadcast_in_dim3A_59 = arith.constant 0.000000e+00 : f32
      %broadcast_in_dim3A_60 = vector.broadcast %broadcast_in_dim3A_59 : f32 to vector<64x1xf32>
      %swap3A_61 = arith.constant 0 : index
      %swap3A_62 = arith.constant 0 : index
      %swap3A_63 = vector.load %arg8[%swap3A_61, %swap3A_62] : memref<64x1xf32, #tpu.memory_space<vmem>>, vector<64x1xf32>
      tpu.vector_store %arg8[%swap3A_61, %swap3A_62], %broadcast_in_dim3A_60 {strides = array<i32>} : memref<64x1xf32, #tpu.memory_space<vmem>>, vector<64x1xf32>,
    } else {
    }
    %get3A = arith.constant 0 : index
    %get3A_2 = arith.constant 0 : index
    %get3A_3 = vector.load %arg3[%get3A, %get3A_2] : memref<128x1xf32, #tpu.memory_space<vmem>>, vector<128x1xf32>
    %get3A_4 = arith.constant 0 : index
    %get3A_5 = arith.constant 0 : index
    %get3A_6 = arith.constant 0 : index
    %get3A_7 = vector.load %arg1[%get3A_4, %get3A_5, %get3A_6] : memref<2x128x128xf32, #tpu.memory_space<vmem>>, vector<1x128x128xf32>
    %get3A_8 = vector.shape_cast %get3A_7 : vector<1x128x128xf32> to vector<128x128xf32>
    %get3A_9 = arith.constant 1 : index
    %get3A_10 = arith.constant 0 : index
    %get3A_11 = arith.constant 0 : index
    %get3A_12 = vector.load %arg1[%get3A_9, %get3A_10, %get3A_11] : memref<2x128x128xf32, #tpu.memory_space<vmem>>, vector<1x128x128xf32>
    %get3A_13 = vector.shape_cast %get3A_12 : vector<1x128x128xf32> to vector<128x128xf32>
    %add3A = arith.addf %get3A_8, %get3A_13 : vector<128x128xf32>
    %get3A_14 = arith.constant 0 : index
    %get3A_15 = arith.constant 0 : index
    %get3A_16 = vector.load %arg2[%get3A_14, %get3A_15] : memref<128x128xf32, #tpu.memory_space<vmem>>, vector<128x128xf32>
    %add3A_17 = arith.addf %add3A, %get3A_16 : vector<128x128xf32>
    %mul3A = vector.broadcast %get3A_3 : vector<128x1xf32> to vector<128x128xf32>
    %mul3A_18 = arith.mulf %mul3A, %add3A_17 : vector<128x128xf32>
    %get3A_19 = arith.constant 0 : index
    %get3A_20 = arith.constant 0 : index
    %get3A_21 = vector.load %arg4[%get3A_19, %get3A_20] : memref<1x128xf32, #tpu.memory_space<vmem>>, vector<1x128xf32>
    %add3A_22 = vector.broadcast %get3A_21 : vector<1x128xf32> to vector<128x128xf32>
    %add3A_23 = arith.addf %mul3A_18, %add3A_22 : vector<128x128xf32>
    %iota3A = tpu.iota {dimensions = array<i32: 0>} : vector<64x1xi32>
    %get3A_24 = arith.constant 0 : index
    %get3A_25 = arith.constant 0 : index
    %get3A_26 = arith.constant 0 : index
    %get3A_27 = vector.load %arg5[%get3A_24, %get3A_25, %get3A_26] : memref<1x1x128xi32, #tpu.memory_space<vmem>>, vector<1x1x128xi32>
    %get3A_28 = vector.shape_cast %get3A_27 : vector<1x1x128xi32> to vector<1x128xi32>
    %eq3A_29 = vector.broadcast %iota3A : vector<64x1xi32> to vector<64x128xi32>
    %eq3A_30 = vector.broadcast %get3A_28 : vector<1x128xi32> to vector<64x128xi32>
    %eq3A_31 = arith.cmpi eq, %eq3A_29, %eq3A_30 : vector<64x128xi32>
    %convert_element_type3A_32 = arith.extui %eq3A_31 : vector<64x128xi1> to vector<64x128xi32>
    %convert_element_type3A_33 = arith.sitofp %convert_element_type3A_32 : vector<64x128xi32> to vector<64x128xf32>
    %get3A_34 = arith.constant 0 : index
    %get3A_35 = arith.constant 0 : index
    %get3A_36 = vector.load %arg7[%get3A_34, %get3A_35] : memref<64x128xf32, #tpu.memory_space<vmem>>, vector<64x128xf32>
    %dot_general3A = arith.constant dense<0.000000e+00> : vector<64x128xf32>
    %dot_general3A_37 = tpu.matmul %convert_element_type3A_33, %add3A_23, %dot_general3A {dimension_numbers = #tpu.dot_dimension_numbers<[1], [0], [0], [1], [0, 0, 1, 1], [], []>, precision = #tpu.contract_precision<fp32>, transpose_lhs_hint = false} : vector<64x128xf32>, vector<128x128xf32>, vector<64x128xf32> -> vector<64x128xf32>
    %add3A_38 = arith.addf %get3A_36, %dot_general3A_37 : vector<64x128xf32>
    %swap3A = arith.constant 0 : index
    %swap3A_39 = arith.constant 0 : index
    %swap3A_40 = vector.load %arg7[%swap3A, %swap3A_39] : memref<64x128xf32, #tpu.memory_space<vmem>>, vector<64x128xf32>
    tpu.vector_store %arg7[%swap3A, %swap3A_39], %add3A_38 {strides = array<i32>} : memref<64x128xf32, #tpu.memory_space<vmem>>, vector<64x128xf32>,
    %get3A_41 = arith.constant 0 : index
    %get3A_42 = arith.constant 0 : index
    %get3A_43 = vector.load %arg8[%get3A_41, %get3A_42] : memref<64x1xf32, #tpu.memory_space<vmem>>, vector<64x1xf32>
    %reduce_sum3A = arith.constant dense<0.000000e+00> : vector<64xf32>
    %reduce_sum3A_44 = vector.multi_reduction <add>, %convert_element_type3A_33, %reduce_sum3A [1] : vector<64x128xf32> to vector<64xf32>
    %broadcast_in_dim3A = vector.shape_cast %reduce_sum3A_44 : vector<64xf32> to vector<64x1xf32>
    %add3A_45 = arith.addf %get3A_43, %broadcast_in_dim3A : vector<64x1xf32>
    %swap3A_46 = arith.constant 0 : index
    %swap3A_47 = arith.constant 0 : index
    %swap3A_48 = vector.load %arg8[%swap3A_46, %swap3A_47] : memref<64x1xf32, #tpu.memory_space<vmem>>, vector<64x1xf32>
    tpu.vector_store %arg8[%swap3A_46, %swap3A_47], %add3A_45 {strides = array<i32>} : memref<64x1xf32, #tpu.memory_space<vmem>>, vector<64x1xf32>,
    %eq3A_49 = arith.constant 78 : i32
    %eq3A_50 = arith.cmpi eq, %arg0, %eq3A_49 : i32
    %convert_element_type3A_51 = arith.extui %eq3A_50 : i1 to i32
    %cond3A_52 = arith.constant 0 : i32
    %cond3A_53 = arith.cmpi ne, %convert_element_type3A_51, %cond3A_52 : i32
    scf.if %cond3A_53 {
      %get3A_54 = arith.constant 0 : index
      %get3A_55 = arith.constant 0 : index
      %get3A_56 = vector.load %arg7[%get3A_54, %get3A_55] : memref<64x128xf32, #tpu.memory_space<vmem>>, vector<64x128xf32>
      %get3A_57 = arith.constant 0 : index
      %get3A_58 = arith.constant 0 : index
      %get3A_59 = vector.load %arg8[%get3A_57, %get3A_58] : memref<64x1xf32, #tpu.memory_space<vmem>>, vector<64x1xf32>
      %max3A = arith.constant 1.000000e+00 : f32
      %max3A_60 = vector.broadcast %max3A : f32 to vector<64x1xf32>
      %max3A_61 = arith.maximumf %get3A_59, %max3A_60 : vector<64x1xf32>
      %div3A = vector.broadcast %max3A_61 : vector<64x1xf32> to vector<64x128xf32>
      %div3A_62 = arith.divf %get3A_56, %div3A : vector<64x128xf32>
      %swap3A_63 = arith.constant 0 : index
      %swap3A_64 = arith.constant 0 : index
      %swap3A_65 = vector.load %arg6[%swap3A_63, %swap3A_64] : memref<64x128xf32, #tpu.memory_space<vmem>>, vector<64x128xf32>
      tpu.vector_store %arg6[%swap3A_63, %swap3A_64], %div3A_62 {strides = array<i32>} : memref<64x128xf32, #tpu.memory_space<vmem>>, vector<64x128xf32>,
    } else {
    }
    return
  }
  func.func @transform_0(%arg0: i32) -> (i32, i32, i32) {
    %c0_i32 = arith.constant 0 : i32
    %c0_i32_0 = arith.constant 0 : i32
    %c0_i32_1 = arith.constant 0 : i32
    return %c0_i32, %arg0, %c0_i32_0 : i32, i32, i32
  }
  func.func @transform_1(%arg0: i32) -> (i32, i32) {
    %c0_i32 = arith.constant 0 : i32
    %c0_i32_0 = arith.constant 0 : i32
    return %arg0, %c0_i32 : i32, i32
  }
  func.func @transform_2(%arg0: i32) -> (i32, i32) {
    %c0_i32 = arith.constant 0 : i32
    %c0_i32_0 = arith.constant 0 : i32
    return %arg0, %c0_i32 : i32, i32
  }
  func.func @transform_3(%arg0: i32) -> (i32, i32) {
    %c0_i32 = arith.constant 0 : i32
    %c0_i32_0 = arith.constant 0 : i32
    %c0_i32_1 = arith.constant 0 : i32
    return %c0_i32, %c0_i32_0 : i32, i32
  }
  func.func @transform_4(%arg0: i32) -> (i32, i32, i32) {
    %c0_i32 = arith.constant 0 : i32
    %c0_i32_0 = arith.constant 0 : i32
    %c0_i32_1 = arith.constant 0 : i32
    return %arg0, %c0_i32, %c0_i32_0 : i32, i32, i32
  }
  func.func @transform_5(%arg0: i32) -> (i32, i32) {
    %c0_i32 = arith.constant 0 : i32
    %c0_i32_0 = arith.constant 0 : i32
    %c0_i32_1 = arith.constant 0 : i32
    return %c0_i32, %c0_i32_0 : i32, i32
  }
}

</mosaic_0001>

<sc_bundles>
// kernel: kernel.10.cloned.1.call-start
scs
__scs_entry_jumppad:
0x0: {  	(pc) =	sbr.rel $0x88, $3  }
0x1: {  	(tag) =	ssettag $0x0;
	lr =	simm.s32 $0x1  }
0x2: {  	[smem:$0x3F98] =	sst lr;
	_ =	strace $0xD0000000  }
0x3: {  	_ = 	snop  }
0x4: {  	_ = 	snop  }
0x5: {  	_ = 	snop  }
0x6: {  	_ = 	snop  }
0x7: {  	_ = 	snop  }
__scs_overlays_trampoline_lowered:
0x8: {  	[smem:$0x3FA7] =	sst s0  }
0x9: {  	[smem:$0x3FA8] =	sst s1  }
0xa: {  	[smem:$0x3FA9] =	sst s2  }
0xb: {  	[smem:$0x3FAA] =	sst s3  }
0xc: {  	[smem:$0x3FAB] =	sst s4  }
0xd: {  	[smem:$0x3FAC] =	sst s5  }
0xe: {  	[smem:$0x3FAD] =	sst s6  }
0xf: {  	[smem:$0x3FAE] =	sst s7  }
0x10: {  	[smem:$0x3FAF] =	sst s8  }
0x11: {  	[smem:$0x3FB0] =	sst s9;
	s0 =	simm.s32 @!p0 $0x0  }
0x12: {  	s1 =	sld [smem:$0x3F96];
	s0 =	simm.s32 @p0 $0x1  }
0x13: {  	[smem:$0x3FB1] =	sst s0;
	s0 =	simm.s32 @!p1 $0x0  }
0x14: {  	s2 =	sld [smem:$0x3F95];
	s0 =	simm.s32 @p1 $0x1  }
0x15: {  	[smem:$0x3FB2] =	sst s0;
	s0 =	simm.s32 @!p2 $0x0  }
0x16: {  	s3 =	sld [smem:$0x3FDB];
	s0 =	simm.s32 @p2 $0x1  }
0x17: {  	s4 =	simm.s32 $0x1BF5;
	[smem:$0x3FB4] =	sst s0  }
0x18: {  	s0 =	sld [smem:$0x3F97];
	_ =	swait.ge [sflag:s4], $0x0  }
0x19: {  	s7 =	sld [smem:$0x3F98]  }
0x1a: {  	s8 =	sadd.s32 $0xFFFFE003, lr  }
0x1b: {  	s9 =	sadd.s32 $0xFFFFFEF7, lr;
	s5 =	simm.s32 $0xFFFFFFFF;
	p2 =	slt.u32 s8, $0xFFFFF086  }
0x1c: {  	p1 =	slt.u32 s9, $0xF7A;
	s5 =	simm.s32 @!p2 $0x0  }
0x1d: {  	s5 =	simm.s32 @p1 $0x1;
	p0 =	seq.s32 s7, s2  }
0x1e: {  	s7 =	smul.u32 @!p0 $0xF7A, s2;
	p2 =	seq.s32 @!p0 s5, $0x0  }
0x1f: {  	s9 =	smul.u32 $0xF7A, s1;
	s8 =	simm.s32 @!p0 $0x1BF5;
	p2 =	por !p2, p0  }
0x20: {  	[sflag:s8] =	ssyncset.s32 @!p0 $0xFFFFF086;
	s6 =	sadd.s32 @!p0 s3, s7;
	s7 =	simm.s32 @!p0 $0x108  }
0x21: {  	s3 =	sadd.s32 s3, s9;
	s6 =	sadd.s32 @!p0 $0x88, s6;
	s7 =	simm.s32 @p2 $0x1082  }
0x22: {  	[simem:s7], [sflag:s8] =	dma.local @!p0 [hbm:s6], $0xF7A  }
0x23: {  	s9 =	sor.u32 $0xD0000000, s2;
	s6 =	simm.s32 $0x108;
	_ =	swait.ge @!p0 [sflag:s8], $0x0  }
0x24: {  	s3 =	sadd.s32 $0x88, s3;
	s6 =	simm.s32 @!p1 $0x1082;
	[sflag:s4] =	ssyncset.s32 $0xFFFFF086  }
0x25: {  	[simem:s6], [sflag:s4] =	dma.local [hbm:s3], $0xF7A  }
0x26: {  	[smem:$0x3F98] =	sst s1;
	(tag) =	ssettag s2;
	_ =	strace s9  }
0x27: {  	s1 =	sld [smem:$0x3FA8]  }
0x28: {  	s2 =	sld [smem:$0x3FA9]  }
0x29: {  	s4 =	sld [smem:$0x3FAB]  }
0x2a: {  	p0 =	seq.s32 s5, $0x0;
	s5 =	sld [smem:$0x3FAC]  }
0x2b: {  	s6 =	sld [smem:$0x3FAD]  }
0x2c: {  	s7 =	sld [smem:$0x3FAE]  }
0x2d: {  	s3 =	simm.s32 $0x108;
	s8 =	sld [smem:$0x3FAF]  }
0x2e: {  	s3 =	simm.s32 @!p0 $0x1082;
	s9 =	sld [smem:$0x3FB0]  }
0x2f: {  	lr =	sadd.s32 s0, s3;
	s0 =	sld [smem:$0x3FA7]  }
0x30: {  	s3 =	sld [smem:$0x3FAA]  }
0x31: {  	[smem:$0x3FB3] =	sst s10  }
0x32: {  	s10 =	sld [smem:$0x3FB1];
	_ =	sdelay $0x3  }
0x33: {  	p0 =	seq.s32 s10, $0x1;
	s10 =	sld [smem:$0x3FB3];
	_ =	sdelay $0x3  }
0x34: {  	[smem:$0x3FB3] =	sst s10  }
0x35: {  	s10 =	sld [smem:$0x3FB2];
	_ =	sdelay $0x3  }
0x36: {  	p1 =	seq.s32 s10, $0x1;
	s10 =	sld [smem:$0x3FB3];
	_ =	sdelay $0x3  }
0x37: {  	[smem:$0x3FB3] =	sst s10  }
0x38: {  	s10 =	sld [smem:$0x3FB4]  }
0x39: {  	_ = 	snop;
	(pc) =	sbr.ind lr, $3  }
0x3a: {  	_ = 	snop  }
0x3b: {  	_ = 	snop  }
0x3c: {  	p2 =	seq.s32 s10, $0x1;
	s10 =	sld [smem:$0x3FB3]  }
0x3d: {  	_ =	shalt  }
0x3e: {  	_ =	shalt  }
0x3f: {  	_ =	shalt  }
0x40: {  	_ =	shalt  }
0x41: {  	_ =	shalt  }
0x42: {  	_ =	shalt  }
0x43: {  	_ =	shalt  }
0x44: {  	_ =	shalt  }
0x45: {  	_ =	shalt  }
0x46: {  	_ =	shalt  }
0x47: {  	_ =	shalt  }
0x48: {  	_ =	shalt  }
0x49: {  	_ =	shalt  }
0x4a: {  	_ =	shalt  }
0x4b: {  	_ =	shalt  }
0x4c: {  	_ =	shalt  }
0x4d: {  	_ =	shalt  }
0x4e: {  	_ =	shalt  }
0x4f: {  	_ =	shalt  }
0x50: {  	_ =	shalt  }
0x51: {  	_ =	shalt  }
0x52: {  	_ =	shalt  }
0x53: {  	_ =	shalt  }
0x54: {  	_ =	shalt  }
0x55: {  	_ =	shalt  }
0x56: {  	_ =	shalt  }
0x57: {  	_ =	shalt  }
0x58: {  	_ =	shalt  }
0x59: {  	_ =	shalt  }
0x5a: {  	_ =	shalt  }
0x5b: {  	_ =	shalt  }
0x5c: {  	_ =	shalt  }
0x5d: {  	_ =	shalt  }
0x5e: {  	_ =	shalt  }
0x5f: {  	_ =	shalt  }
0x60: {  	_ =	shalt  }
0x61: {  	_ =	shalt  }
0x62: {  	_ =	shalt  }
0x63: {  	_ =	shalt  }
0x64: {  	_ =	shalt  }
0x65: {  	_ =	shalt  }
0x66: {  	_ =	shalt  }
0x67: {  	_ =	shalt  }
0x68: {  	_ =	shalt  }
0x69: {  	_ =	shalt  }
0x6a: {  	_ =	shalt  }
0x6b: {  	_ =	shalt  }
0x6c: {  	_ =	shalt  }
0x6d: {  	_ =	shalt  }
0x6e: {  	_ =	shalt  }
0x6f: {  	_ =	shalt  }
0x70: {  	_ =	shalt  }
0x71: {  	_ =	shalt  }
0x72: {  	_ =	shalt  }
0x73: {  	_ =	shalt  }
0x74: {  	_ =	shalt  }
0x75: {  	_ =	shalt  }
0x76: {  	_ =	shalt  }
0x77: {  	_ =	shalt  }
0x78: {  	_ =	shalt  }
0x79: {  	_ =	shalt  }
0x7a: {  	_ =	shalt  }
0x7b: {  	_ =	shalt  }
0x7c: {  	_ =	shalt  }
0x7d: {  	_ =	shalt  }
0x7e: {  	_ =	shalt  }
0x7f: {  	_ =	shalt  }
0x80: {  	_ =	shalt  }
0x81: {  	_ =	shalt  }
0x82: {  	_ =	shalt  }
0x83: {  	_ =	shalt  }
0x84: {  	_ =	shalt  }
0x85: {  	_ =	shalt  }
0x86: {  	_ =	shalt  }
0x87: {  	_ =	shalt  }
.Lfunc_end0:
.L_simem_size_0:
called_computation_lowered:
.L_overlay_start_0:
0x88: {  	s2 =	sld [smem:$0x3FD9]  }
0x89: {  	s3 =	sld [smem:$0x3FFE];
	_ =	sdelay $0x1  }
0x8a: {  	s1 =	srdreg.scid  }
0x8b: {  	s0 =	sand.u32 $0x1, s1  }
0x8c: {  	s16 =	sshll.u32 s0, $0xA;
	s2 =	sadd.s32 s3, s2  }
0x8d: {  	s2 =	sadd.s32 s2, s16  }
0x8e: {  	[smem:$0x3FBF] =	sst s2  }
0x8f: {  	_ = 	snop  }
0x90: {  	(tm) =	ssettm $0x1  }
0x91: {  	s17 =	sld [smem:$0x3FFB];
	_ =	sdelay $0x3  }
0x92: {  	_ =	strace s17  }
0x93: {  	s2 =	sld [smem:$0x3FFC];
	_ =	sdelay $0x3  }
0x94: {  	_ =	strace s2  }
0x95: {  	s2 =	sld [smem:$0x3FFD];
	_ =	sdelay $0x3  }
0x96: {  	_ =	strace s2  }
0x97: {  	_ =	strace $0x8FFFFFFF  }
0x98: {  	s18 =	sld [smem:$0x3FDB];
	_ =	sdelay $0x1  }
0x99: {  	s19 =	simm.s32 $_scs_section_size  }
0x9a: {  	s4 =	simm.s32 $_size__tile_overlayer_lowered;
	s5 =	simm.s32 $_tile_overlayer_lowered  }
0x9b: {  	s22 =	simm.s32 $0x1BFF;
	s21 =	sshll.u32 s5, $0x1;
	s2 =	sadd.s32 s19, s18  }
0x9c: {  	s6 =	simm.s32 $0x0;
	s20 =	sshll.u32 s4, $0x1;
	s4 =	sadd.s32 s21, s2  }
0x9d: {  	[timem:s6], [sflag:s22] =	dma.local [hbm:s4], s20  }
0x9e: {  	_ =	swait.ge [sflag:s22], s20  }
0x9f: {  	s3 =	ssub.s32 $0x0, s20;
	[sflag:s22] =	ssyncset.done $0x0  }
0xa0: {  	[sflag:s22] =	ssyncadd.s32 s3;
	_ =	sdelay $0x1  }
0xa1: {  	s23 =	simm.s32 $0x1B8B  }
0xa2: {  	_ =	swait.ge [sflag:s23], $0x1  }
0xa3: {  	[sflag:s23] =	ssyncset.done $0x0  }
0xa4: {  	s25 =	simm.s32 $0x1B8E;
	s24 =	sld [smem:$0x3FFE];
	[sflag:s23] =	ssyncadd.s32 $0xFFFFFFFF  }
0xa5: {  	s26 =	simm.s32 $execute0_lowered;
	[smem:$0x3FD2] =	sst s25  }
0xa6: {  	s4 =	sshll.u32 s26, $0x1;
	_ =	strace $0x80000046;
	[dreg:$0x1] =	wrdreg $0xFFFFFFFF  }
0xa7: {  	s28 =	simm.s32 $_size_execute0_lowered;
	s2 =	sadd.s32 s2, s4;
	[dreg:$0x0] =	wrdreg $0x0  }
0xa8: {  	s4 =	sshll.u32 s28, $0x1;
	[dreg:$0x2] =	wrdreg s2  }
0xa9: {  	[dreg:$0x3] =	wrdreg s4  }
0xaa: {  	[dreg:$0x4] =	wrdreg $0xC0  }
0xab: {  	_ =	task [dreg:s6], $0x5FFFF  }
0xac: {  	[dreg:$0x1] =	wrdreg $0xFFFFFFFF  }
0xad: {  	[dreg:$0x0] =	wrdreg $0x60  }
0xae: {  	[dreg:$0x2] =	wrdreg s24  }
0xaf: {  	[dreg:$0x3] =	wrdreg $0x2B000  }
0xb0: {  	[dreg:$0x4] =	wrdreg $0x9  }
0xb1: {  	_ =	task.clear_ibuf [dreg:s6], $0x5FFFF;
	_ =	strace $0x90000046  }
0xb2: {  	s29 =	simm.s32 $0x9;
	_ =	strace $0x80000048  }
0xb3: {  	_ =	swait.ge [sflag:s29], $0x1  }
0xb4: {  	[sflag:s29] =	ssyncadd.s32 $0xFFFFFFFF  }
0xb5: {  	_ =	strace $0x90000048  }
0xb6: {  	_ =	sfence  }
0xb7: {  	s30 =	sld [smem:$0x0];
	_ =	sdelay $0x2  }
0xb8: {  	s31 =	sshll.u32 s1, $0xD;
	s1 =	sshrl.u32 s1, $0x2  }
0xb9: {  	s3 =	sand.u32 $0x4000, s31;
	s1 =	sadd.s32 s1, s30  }
0xba: {  	s0 =	sor.u32 s3, s0;
	s1 =	sshll.u32 s1, $0x11  }
0xbb: {  	s0 =	sor.u32 s1, s0  }
0xbc: {  	s0 =	sadd.s32 $0x8F2B, s0  }
0xbd: {  	[sflag:s0] =	ssyncadd.remote.s32 $0x1  }
0xbe: {  	_ =	sfence.sel $0xFFFF  }
0xbf: {  	[dreg:$0x0] =	wrdreg $0xFFFFFFFF;
	(pc) =	sbr.abs _section_cstart, $3  }
0xc0: {  	[dreg:$0x1] =	wrdreg $0xFFFFFFFF  }
0xc1: {  	_ =	task.clear_ibuf [dreg:s6], $0x2FFFF;
	_ =	strace $0x9FFFFFFF  }
0xc2: {  	(tm) =	ssettm $0x7FFFFFFF  }
0xc3: {  	_ =	shalt  }
tec
execute0_lowered:
.L_overlay_start_1:
0x0: {  	(tag) =	ssettag $0x1  }
0x1: {  	s4 =	rddreg [dreg:$0x0]  }
0x2: {  	s2 =	rddreg [dreg:$0x1]  }
0x3: {  	s3 =	srdreg.scid;
	s1 =	stileid.u32  }
0x4: {  	s0 =	rddreg [dreg:$0x2];
	s10 =	simm.s32 $0x80;
	s11 =	simm.s32 $0x2800  }
0x5: {  	s12 =	simm.s32 $0x0;
	s5 =	sand.u32 $0x1, s3;
	s6 =	smul.u32 $0x278, s1  }
0x6: {  	s3 =	simm.s32 $0x0;
	s7 =	sshll.u32 s1, $0x1;
	s8 =	smul.u32 $0x2780, s5  }
0x7: {  	[smem:$0x7FF] =	sst s3;
	s7 =	sor.u32 s5, s7;
	s5 =	ssub.s32 $0x2, s5  }
0x8: {  	s6 =	smin.u32 s6, $0x2500;
	s7 =	smul.u32 $0x500, s7;
	s9 =	sshrl.u32 s5, $0x1  }
0x9: {  	_ =	strace $0x80000047;
	s8 =	sadd.s32 s8, s6;
	s9 =	ssub.s32 s5, s9  }
0xa: {  	s5 =	sadd.s32 s6, s2;
	s8 =	sshrl.u32 s8, $0x3;
	s7 =	sadd.s32 s7, s4  }
0xb: {  	s8 =	sadd.s32 s8, s4;
	s4 =	sadd.s32 $0x3200, s7;
	s7 =	smax.u32 s9, $0x1  }
0xc: {  	v0 =	vimm.f32 $1.000000000e+00;
	v1 =	vimm.f32 $0.0e+00;
	s9 =	simm.s32 $0x2880;
	s6 =	sadd.s32 $0xD200, s8;
	s8 =	simm.s32 $0x1  }
.LBB2_1:
0xd: {  	[tilespmem:s3], [sflag:$0x1] =	stream.linear.gather [hbm4b:s4+s3], $0x2800, $0x38;
	[tilespmem:$0x2D78] =	vst v63  }
0xe: {  	_ =	swait.ge [sflag:s8], $0x2800  }
0xf: {  	[sflag:s8] =	ssyncset.done $0x0  }
0x10: {  	[sflag:s8] =	ssyncadd.s32 $0xFFFFD800  }
0x11: {  	[tilespmem:$0x2800] =	vst v0  }
0x12: {  	[tilespmem:$0x2810] =	vst v0  }
0x13: {  	[tilespmem:$0x2820] =	vst v0  }
0x14: {  	[tilespmem:$0x2830] =	vst v0  }
0x15: {  	[tilespmem:$0x2840] =	vst v0  }
0x16: {  	[tilespmem:$0x2850] =	vst v0  }
0x17: {  	[tilespmem:$0x2860] =	vst v0  }
0x18: {  	[tilespmem:$0x2870] =	vst v0  }
0x19: {  	[tilespmem:$0x2880] =	vst v1  }
0x1a: {  	[tilespmem:$0x2890] =	vst v1  }
0x1b: {  	[tilespmem:$0x28A0] =	vst v1  }
0x1c: {  	[tilespmem:$0x28B0] =	vst v1  }
0x1d: {  	[tilespmem:$0x28C0] =	vst v1  }
0x1e: {  	[tilespmem:$0x28D0] =	vst v1  }
0x1f: {  	[tilespmem:$0x28E0] =	vst v1  }
0x20: {  	[tilespmem:$0x28F0] =	vst v1  }
0x21: {  	[tilespmem:$0x2900] =	vst v1  }
0x22: {  	[tilespmem:$0x2910] =	vst v1  }
0x23: {  	[tilespmem:$0x2920] =	vst v1  }
0x24: {  	[tilespmem:$0x2930] =	vst v1  }
0x25: {  	[tilespmem:$0x2940] =	vst v1  }
0x26: {  	[tilespmem:$0x2950] =	vst v1  }
0x27: {  	[tilespmem:$0x2960] =	vst v1  }
0x28: {  	[tilespmem:$0x2970] =	vst v1  }
0x29: {  	[tilespmem:$0x2980] =	vst v1  }
0x2a: {  	[tilespmem:$0x2990] =	vst v1  }
0x2b: {  	[tilespmem:$0x29A0] =	vst v1  }
0x2c: {  	[tilespmem:$0x29B0] =	vst v1  }
0x2d: {  	[tilespmem:$0x29C0] =	vst v1  }
0x2e: {  	[tilespmem:$0x29D0] =	vst v1  }
0x2f: {  	[tilespmem:$0x29E0] =	vst v1  }
0x30: {  	[tilespmem:$0x29F0] =	vst v1  }
0x31: {  	[tilespmem:$0x2A00] =	vst v1  }
0x32: {  	[tilespmem:$0x2A10] =	vst v1  }
0x33: {  	[tilespmem:$0x2A20] =	vst v1  }
0x34: {  	[tilespmem:$0x2A30] =	vst v1  }
0x35: {  	[tilespmem:$0x2A40] =	vst v1  }
0x36: {  	[tilespmem:$0x2A50] =	vst v1  }
0x37: {  	[tilespmem:$0x2A60] =	vst v1  }
0x38: {  	[tilespmem:$0x2A70] =	vst v1  }
0x39: {  	[tilespmem:$0x2A80] =	vst v1  }
0x3a: {  	[tilespmem:$0x2A90] =	vst v1  }
0x3b: {  	[tilespmem:$0x2AA0] =	vst v1  }
0x3c: {  	[tilespmem:$0x2AB0] =	vst v1  }
0x3d: {  	[tilespmem:$0x2AC0] =	vst v1  }
0x3e: {  	[tilespmem:$0x2AD0] =	vst v1  }
0x3f: {  	[tilespmem:$0x2AE0] =	vst v1  }
0x40: {  	[tilespmem:$0x2AF0] =	vst v1  }
0x41: {  	[spmem:s5] =	stream.linear.scatter [tilespmem:s9], [sflag:$0x1], $0x280, $0x38;
	[tilespmem:$0x2D78] =	vst v63  }
0x42: {  	_ =	swait.ge [sflag:s8], $0x280  }
0x43: {  	[sflag:s8] =	ssyncset.done $0x0  }
0x44: {  	[sflag:s8] =	ssyncadd.s32 $0xFFFFFD80  }
0x45: {  	s13 =	simm.s32 $0x0;
	[bflag:$0x0] =	sbarrier.arrive $0xFFFF  }
0x46: {  	[spmem:s2] =	stream.indirect.scatter.add.f32 [tilespmem:s11], [sflag:$0x1], $0x1, s13, s10, $0xb8;
	[tilespmem:$0x2D78] =	vst v63  }
0x47: {  	_ =	swait.ge [sflag:s8], $0x80  }
0x48: {  	s13 =	simm.s32 $0x200;
	[sflag:s8] =	ssyncset.done $0x0  }
.LBB2_2:
0x49: {  	s14 =	sshra.s32 s13, $0x2;
	[sflag:s8] =	ssyncadd.s32 $0xFFFFFF80;
	p0 =	sne.s32 s13, $0x9E00  }
0x4a: {  	[spmem:s2] =	stream.indirect.scatter.add.f32 [tilespmem:s11], [sflag:$0x1], $0x1, s14, s10, $0xb8;
	[tilespmem:$0x2D78] =	vst v63  }
.Ltmp0:
0x4b: {  	_ = 	snop;
	(pc) =	sbr.rel @p0 .LBB2_2-.Ltmp0, $4  }
0x4c: {  	_ = 	snop  }
0x4d: {  	s13 =	sadd.s32 $0x200, s13  }
0x4e: {  	_ =	swait.ge [sflag:s8], $0x80  }
0x4f: {  	[sflag:s8] =	ssyncset.done $0x0  }
0x50: {  	[sflag:s8] =	ssyncadd.s32 $0xFFFFFF80  }
0x51: {  	[bflag:$0x0] =	sbarrier.arrive $0xFFFF  }
0x52: {  	[tilespmem:s9], [sflag:$0x1] =	stream.linear.gather [spmem:s5], $0x280, $0x38;
	[tilespmem:$0x2D78] =	vst v63  }
0x53: {  	s12 =	sadd.s32 $0x1, s12;
	_ =	swait.ge [sflag:s8], $0x280  }
0x54: {  	p0 =	sne.s32 s12, s7;
	[sflag:s8] =	ssyncset.done $0x0  }
.Ltmp1:
0x55: {  	[sflag:s8] =	ssyncadd.s32 $0xFFFFFD80;
	(pc) =	sbr.rel @p0 .LBB2_1-.Ltmp1, $4  }
0x56: {  	[hbm4b:s6+s3] =	stream.linear.scatter [tilespmem:s9], [sflag:$0x1], $0x280, $0x38;
	[tilespmem:$0x2D78] =	vst v63  }
0x57: {  	_ =	swait.ge [sflag:s8], $0x280  }
0x58: {  	[sflag:s8] =	ssyncset.done $0x0  }
0x59: {  	[sflag:s8] =	ssyncadd.s32 $0xFFFFFD80  }
0x5a: {  	_ =	sfence.sel $0x180000  }
0x5b: {  	[bflag:$0x0] =	sbarrier.arrive $0xFFFF  }
0x5c: {  	p0 =	sne.s32 s1, $0x0;
	_ =	strace $0x90000047  }
0x5d: {  	s0 =	sadd.s32 @!p0 $0x100000, s0;
	[bflag:$0x2] =	sbarrier.arrive $0xFFFF  }
0x5e: {  	[sflag:s0] =	ssyncadd.tile.s32 @!p0 $0x1;
	_ =	shalt  }
.Lfunc_end2:
_tile_overlayer_lowered:
.L_overlay_start_2:
0x5f: {  	(tag) =	ssettag $0x2  }
0x60: {  	s0 =	rddreg [dreg:$0x0];
	s2 =	stileid.u32  }
0x61: {  	s1 =	rddreg [dreg:$0x1];
	p0 =	sne.s32 s2, $0x0  }
0x62: {  	s3 =	rddreg [dreg:$0x2];
	[bflag:$0x3] =	sbarrier.arrive $0xFFFF;
	s2 =	simm.s32 @!p0 $0x1C01  }
0x63: {  	[timem:s3], [sflag:s2] =	dma.local @!p0 [hbm:s0], s1  }
0x64: {  	s0 =	simm.s32 @!p0 $0x1  }
0x65: {  	_ =	swait.ge @!p0 [sflag:s0], s1  }
0x66: {  	s1 =	ssub.s32 @!p0 $0x0, s1;
	[sflag:s0] =	ssyncset.done @!p0 $0x0  }
0x67: {  	[sflag:s0] =	ssyncadd.s32 @!p0 s1  }
0x68: {  	[bflag:$0x3] =	sbarrier.arrive $0xFFFF  }
0x69: {  	_ =	shalt  }

// kernel: kernel.13.cloned.1.call-start
scs
__scs_entry_jumppad:
0x0: {  	(pc) =	sbr.rel $0x88, $3  }
0x1: {  	(tag) =	ssettag $0x0;
	lr =	simm.s32 $0x1  }
0x2: {  	[smem:$0x3F98] =	sst lr;
	_ =	strace $0xD0000000  }
0x3: {  	_ = 	snop  }
0x4: {  	_ = 	snop  }
0x5: {  	_ = 	snop  }
0x6: {  	_ = 	snop  }
0x7: {  	_ = 	snop  }
__scs_overlays_trampoline_lowered:
0x8: {  	[smem:$0x3FA7] =	sst s0  }
0x9: {  	[smem:$0x3FA8] =	sst s1  }
0xa: {  	[smem:$0x3FA9] =	sst s2  }
0xb: {  	[smem:$0x3FAA] =	sst s3  }
0xc: {  	[smem:$0x3FAB] =	sst s4  }
0xd: {  	[smem:$0x3FAC] =	sst s5  }
0xe: {  	[smem:$0x3FAD] =	sst s6  }
0xf: {  	[smem:$0x3FAE] =	sst s7  }
0x10: {  	[smem:$0x3FAF] =	sst s8  }
0x11: {  	[smem:$0x3FB0] =	sst s9;
	s0 =	simm.s32 @!p0 $0x0  }
0x12: {  	s1 =	sld [smem:$0x3F96];
	s0 =	simm.s32 @p0 $0x1  }
0x13: {  	[smem:$0x3FB1] =	sst s0;
	s0 =	simm.s32 @!p1 $0x0  }
0x14: {  	s2 =	sld [smem:$0x3F95];
	s0 =	simm.s32 @p1 $0x1  }
0x15: {  	[smem:$0x3FB2] =	sst s0;
	s0 =	simm.s32 @!p2 $0x0  }
0x16: {  	s3 =	sld [smem:$0x3FDB];
	s0 =	simm.s32 @p2 $0x1  }
0x17: {  	s4 =	simm.s32 $0x1BF5;
	[smem:$0x3FB4] =	sst s0  }
0x18: {  	s0 =	sld [smem:$0x3F97];
	_ =	swait.ge [sflag:s4], $0x0  }
0x19: {  	s7 =	sld [smem:$0x3F98]  }
0x1a: {  	s8 =	sadd.s32 $0xFFFFE003, lr  }
0x1b: {  	s9 =	sadd.s32 $0xFFFFFEF7, lr;
	s5 =	simm.s32 $0xFFFFFFFF;
	p2 =	slt.u32 s8, $0xFFFFF086  }
0x1c: {  	p1 =	slt.u32 s9, $0xF7A;
	s5 =	simm.s32 @!p2 $0x0  }
0x1d: {  	s5 =	simm.s32 @p1 $0x1;
	p0 =	seq.s32 s7, s2  }
0x1e: {  	s7 =	smul.u32 @!p0 $0xF7A, s2;
	p2 =	seq.s32 @!p0 s5, $0x0  }
0x1f: {  	s9 =	smul.u32 $0xF7A, s1;
	s8 =	simm.s32 @!p0 $0x1BF5;
	p2 =	por !p2, p0  }
0x20: {  	[sflag:s8] =	ssyncset.s32 @!p0 $0xFFFFF086;
	s6 =	sadd.s32 @!p0 s3, s7;
	s7 =	simm.s32 @!p0 $0x108  }
0x21: {  	s3 =	sadd.s32 s3, s9;
	s6 =	sadd.s32 @!p0 $0x88, s6;
	s7 =	simm.s32 @p2 $0x1082  }
0x22: {  	[simem:s7], [sflag:s8] =	dma.local @!p0 [hbm:s6], $0xF7A  }
0x23: {  	s9 =	sor.u32 $0xD0000000, s2;
	s6 =	simm.s32 $0x108;
	_ =	swait.ge @!p0 [sflag:s8], $0x0  }
0x24: {  	s3 =	sadd.s32 $0x88, s3;
	s6 =	simm.s32 @!p1 $0x1082;
	[sflag:s4] =	ssyncset.s32 $0xFFFFF086  }
0x25: {  	[simem:s6], [sflag:s4] =	dma.local [hbm:s3], $0xF7A  }
0x26: {  	[smem:$0x3F98] =	sst s1;
	(tag) =	ssettag s2;
	_ =	strace s9  }
0x27: {  	s1 =	sld [smem:$0x3FA8]  }
0x28: {  	s2 =	sld [smem:$0x3FA9]  }
0x29: {  	s4 =	sld [smem:$0x3FAB]  }
0x2a: {  	p0 =	seq.s32 s5, $0x0;
	s5 =	sld [smem:$0x3FAC]  }
0x2b: {  	s6 =	sld [smem:$0x3FAD]  }
0x2c: {  	s7 =	sld [smem:$0x3FAE]  }
0x2d: {  	s3 =	simm.s32 $0x108;
	s8 =	sld [smem:$0x3FAF]  }
0x2e: {  	s3 =	simm.s32 @!p0 $0x1082;
	s9 =	sld [smem:$0x3FB0]  }
0x2f: {  	lr =	sadd.s32 s0, s3;
	s0 =	sld [smem:$0x3FA7]  }
0x30: {  	s3 =	sld [smem:$0x3FAA]  }
0x31: {  	[smem:$0x3FB3] =	sst s10  }
0x32: {  	s10 =	sld [smem:$0x3FB1];
	_ =	sdelay $0x3  }
0x33: {  	p0 =	seq.s32 s10, $0x1;
	s10 =	sld [smem:$0x3FB3];
	_ =	sdelay $0x3  }
0x34: {  	[smem:$0x3FB3] =	sst s10  }
0x35: {  	s10 =	sld [smem:$0x3FB2];
	_ =	sdelay $0x3  }
0x36: {  	p1 =	seq.s32 s10, $0x1;
	s10 =	sld [smem:$0x3FB3];
	_ =	sdelay $0x3  }
0x37: {  	[smem:$0x3FB3] =	sst s10  }
0x38: {  	s10 =	sld [smem:$0x3FB4]  }
0x39: {  	_ = 	snop;
	(pc) =	sbr.ind lr, $3  }
0x3a: {  	_ = 	snop  }
0x3b: {  	_ = 	snop  }
0x3c: {  	p2 =	seq.s32 s10, $0x1;
	s10 =	sld [smem:$0x3FB3]  }
0x3d: {  	_ =	shalt  }
0x3e: {  	_ =	shalt  }
0x3f: {  	_ =	shalt  }
0x40: {  	_ =	shalt  }
0x41: {  	_ =	shalt  }
0x42: {  	_ =	shalt  }
0x43: {  	_ =	shalt  }
0x44: {  	_ =	shalt  }
0x45: {  	_ =	shalt  }
0x46: {  	_ =	shalt  }
0x47: {  	_ =	shalt  }
0x48: {  	_ =	shalt  }
0x49: {  	_ =	shalt  }
0x4a: {  	_ =	shalt  }
0x4b: {  	_ =	shalt  }
0x4c: {  	_ =	shalt  }
0x4d: {  	_ =	shalt  }
0x4e: {  	_ =	shalt  }
0x4f: {  	_ =	shalt  }
0x50: {  	_ =	shalt  }
0x51: {  	_ =	shalt  }
0x52: {  	_ =	shalt  }
0x53: {  	_ =	shalt  }
0x54: {  	_ =	shalt  }
0x55: {  	_ =	shalt  }
0x56: {  	_ =	shalt  }
0x57: {  	_ =	shalt  }
0x58: {  	_ =	shalt  }
0x59: {  	_ =	shalt  }
0x5a: {  	_ =	shalt  }
0x5b: {  	_ =	shalt  }
0x5c: {  	_ =	shalt  }
0x5d: {  	_ =	shalt  }
0x5e: {  	_ =	shalt  }
0x5f: {  	_ =	shalt  }
0x60: {  	_ =	shalt  }
0x61: {  	_ =	shalt  }
0x62: {  	_ =	shalt  }
0x63: {  	_ =	shalt  }
0x64: {  	_ =	shalt  }
0x65: {  	_ =	shalt  }
0x66: {  	_ =	shalt  }
0x67: {  	_ =	shalt  }
0x68: {  	_ =	shalt  }
0x69: {  	_ =	shalt  }
0x6a: {  	_ =	shalt  }
0x6b: {  	_ =	shalt  }
0x6c: {  	_ =	shalt  }
0x6d: {  	_ =	shalt  }
0x6e: {  	_ =	shalt  }
0x6f: {  	_ =	shalt  }
0x70: {  	_ =	shalt  }
0x71: {  	_ =	shalt  }
0x72: {  	_ =	shalt  }
0x73: {  	_ =	shalt  }
0x74: {  	_ =	shalt  }
0x75: {  	_ =	shalt  }
0x76: {  	_ =	shalt  }
0x77: {  	_ =	shalt  }
0x78: {  	_ =	shalt  }
0x79: {  	_ =	shalt  }
0x7a: {  	_ =	shalt  }
0x7b: {  	_ =	shalt  }
0x7c: {  	_ =	shalt  }
0x7d: {  	_ =	shalt  }
0x7e: {  	_ =	shalt  }
0x7f: {  	_ =	shalt  }
0x80: {  	_ =	shalt  }
0x81: {  	_ =	shalt  }
0x82: {  	_ =	shalt  }
0x83: {  	_ =	shalt  }
0x84: {  	_ =	shalt  }
0x85: {  	_ =	shalt  }
0x86: {  	_ =	shalt  }
0x87: {  	_ =	shalt  }
.Lfunc_end0:
.L_simem_size_0:
called_computation.1_lowered:
.L_overlay_start_0:
0x88: {  	s2 =	sld [smem:$0x3FD9]  }
0x89: {  	s3 =	sld [smem:$0x3FFE];
	_ =	sdelay $0x1  }
0x8a: {  	s1 =	srdreg.scid  }
0x8b: {  	s0 =	sand.u32 $0x1, s1  }
0x8c: {  	s16 =	sshll.u32 s0, $0xA;
	s2 =	sadd.s32 s3, s2  }
0x8d: {  	s2 =	sadd.s32 s2, s16  }
0x8e: {  	[smem:$0x3FBF] =	sst s2  }
0x8f: {  	_ = 	snop  }
0x90: {  	(tm) =	ssettm $0x1  }
0x91: {  	s17 =	sld [smem:$0x3FFB];
	_ =	sdelay $0x3  }
0x92: {  	_ =	strace s17  }
0x93: {  	s2 =	sld [smem:$0x3FFC];
	_ =	sdelay $0x3  }
0x94: {  	_ =	strace s2  }
0x95: {  	s2 =	sld [smem:$0x3FFD];
	_ =	sdelay $0x3  }
0x96: {  	_ =	strace s2  }
0x97: {  	_ =	strace $0x8FFFFFFF  }
0x98: {  	s18 =	sld [smem:$0x3FDB];
	_ =	sdelay $0x1  }
0x99: {  	s19 =	simm.s32 $_scs_section_size  }
0x9a: {  	s4 =	simm.s32 $_size__tile_overlayer_lowered;
	s5 =	simm.s32 $_tile_overlayer_lowered  }
0x9b: {  	s22 =	simm.s32 $0x1BFF;
	s21 =	sshll.u32 s5, $0x1;
	s2 =	sadd.s32 s19, s18  }
0x9c: {  	s6 =	simm.s32 $0x0;
	s20 =	sshll.u32 s4, $0x1;
	s4 =	sadd.s32 s21, s2  }
0x9d: {  	[timem:s6], [sflag:s22] =	dma.local [hbm:s4], s20  }
0x9e: {  	_ =	swait.ge [sflag:s22], s20  }
0x9f: {  	s3 =	ssub.s32 $0x0, s20;
	[sflag:s22] =	ssyncset.done $0x0  }
0xa0: {  	[sflag:s22] =	ssyncadd.s32 s3;
	_ =	sdelay $0x1  }
0xa1: {  	s23 =	simm.s32 $0x1B8B  }
0xa2: {  	_ =	swait.ge [sflag:s23], $0x1  }
0xa3: {  	[sflag:s23] =	ssyncset.done $0x0  }
0xa4: {  	s25 =	simm.s32 $0x1B8E;
	s24 =	sld [smem:$0x3FFE];
	[sflag:s23] =	ssyncadd.s32 $0xFFFFFFFF  }
0xa5: {  	s26 =	simm.s32 $execute0_lowered;
	[smem:$0x3FD2] =	sst s25  }
0xa6: {  	s4 =	sshll.u32 s26, $0x1;
	_ =	strace $0x80000049;
	[dreg:$0x1] =	wrdreg $0xFFFFFFFF  }
0xa7: {  	s28 =	simm.s32 $_size_execute0_lowered;
	s2 =	sadd.s32 s2, s4;
	[dreg:$0x0] =	wrdreg $0x0  }
0xa8: {  	s4 =	sshll.u32 s28, $0x1;
	[dreg:$0x2] =	wrdreg s2  }
0xa9: {  	[dreg:$0x3] =	wrdreg s4  }
0xaa: {  	[dreg:$0x4] =	wrdreg $0xC0  }
0xab: {  	_ =	task [dreg:s6], $0x5FFFF  }
0xac: {  	[dreg:$0x1] =	wrdreg $0xFFFFFFFF  }
0xad: {  	[dreg:$0x0] =	wrdreg $0x60  }
0xae: {  	[dreg:$0x2] =	wrdreg s24  }
0xaf: {  	[dreg:$0x3] =	wrdreg $0x88000  }
0xb0: {  	[dreg:$0x4] =	wrdreg $0x9  }
0xb1: {  	_ =	task.clear_ibuf [dreg:s6], $0x5FFFF;
	_ =	strace $0x90000049  }
0xb2: {  	s29 =	simm.s32 $0x9;
	_ =	strace $0x8000004B  }
0xb3: {  	_ =	swait.ge [sflag:s29], $0x1  }
0xb4: {  	[sflag:s29] =	ssyncadd.s32 $0xFFFFFFFF  }
0xb5: {  	_ =	strace $0x9000004B  }
0xb6: {  	_ =	sfence  }
0xb7: {  	s30 =	sld [smem:$0x0];
	_ =	sdelay $0x2  }
0xb8: {  	s31 =	sshll.u32 s1, $0xD;
	s1 =	sshrl.u32 s1, $0x2  }
0xb9: {  	s3 =	sand.u32 $0x4000, s31;
	s1 =	sadd.s32 s1, s30  }
0xba: {  	s0 =	sor.u32 s3, s0;
	s1 =	sshll.u32 s1, $0x11  }
0xbb: {  	s0 =	sor.u32 s1, s0  }
0xbc: {  	s0 =	sadd.s32 $0x8F2B, s0  }
0xbd: {  	[sflag:s0] =	ssyncadd.remote.s32 $0x1  }
0xbe: {  	_ =	sfence.sel $0xFFFF  }
0xbf: {  	[dreg:$0x0] =	wrdreg $0xFFFFFFFF;
	(pc) =	sbr.abs _section_cstart, $3  }
0xc0: {  	[dreg:$0x1] =	wrdreg $0xFFFFFFFF  }
0xc1: {  	_ =	task.clear_ibuf [dreg:s6], $0x2FFFF;
	_ =	strace $0x9FFFFFFF  }
0xc2: {  	(tm) =	ssettm $0x7FFFFFFF  }
0xc3: {  	_ =	shalt  }
tec
execute0_lowered:
.L_overlay_start_1:
0x0: {  	(tag) =	ssettag $0x1  }
0x1: {  	s0 =	rddreg [dreg:$0x0]  }
0x2: {  	s1 =	rddreg [dreg:$0x1];
	s3 =	simm.s32 $0x0;
	s2 =	srdreg.scid  }
0x3: {  	s10 =	stileid.u32;
	s13 =	simm.s32 $0xE;
	s28 =	simm.s32 $0x4800  }
0x4: {  	s29 =	simm.s32 $0x1;
	s30 =	simm.s32 $0x180;
	s6 =	smul.u32 $0x4F000, s10  }
0x5: {  	s31 =	simm.s32 $0x2;
	[smem:$0x7FF] =	sst s3;
	s8 =	smul.u32 $0x13C00, s10  }
0x6: {  	s4 =	sadd.s32 $0x3200, s0;
	s2 =	sand.u32 $0x1, s2;
	s10 =	smul.u32 $0xA000, s10  }
0x7: {  	s5 =	sadd.s32 $0x35400, s0;
	s0 =	sadd.s32 $0x49400, s0;
	s18 =	smul.u32 $0x7800, s2  }
0x8: {  	_ =	strace $0x8000004A;
	s7 =	ssub.s32 $0x2, s2;
	s12 =	smul.u32 $0x13C000, s2  }
0x9: {  	p0 =	seq.s32 s2, $0x0;
	s9 =	sshrl.u32 s7, $0x1;
	s6 =	sshrl.u32 s6, $0x2  }
0xa: {  	s11 =	sadd.s32 $0x10000, s8;
	s13 =	simm.s32 @!p0 $0x4;
	s26 =	sadd.s32 $0x4000, s8  }
0xb: {  	s16 =	sadd.s32 $0x8000, s8;
	s7 =	ssub.s32 s7, s9;
	s6 =	sadd.s32 s6, s1  }
0xc: {  	s25 =	sadd.s32 s11, s1;
	s9 =	sadd.s32 s18, s10;
	s19 =	sadd.s32 s12, s11  }
0xd: {  	s20 =	sadd.s32 s12, s8;
	[dreg:$0x3] =	wrdreg s13;
	s14 =	sadd.s32 s12, s26  }
0xe: {  	s17 =	sadd.s32 s12, s16;
	s8 =	sadd.s32 $0xC000, s8;
	s2 =	sshrl.u32 s19, $0x3  }
0xf: {  	s10 =	sshrl.u32 s20, $0x3;
	s22 =	smax.u32 s7, $0x1;
	s23 =	sadd.s32 $0x4000, s6  }
0x10: {  	s24 =	sadd.s32 $0x8000, s6;
	s11 =	sadd.s32 $0xC000, s6;
	s13 =	sshrl.u32 s9, $0x3  }
0x11: {  	s15 =	sshrl.u32 s14, $0x3;
	s18 =	sadd.s32 s12, s8;
	s19 =	sadd.s32 s16, s1  }
0x12: {  	s20 =	simm.s32 $0x800;
	s12 =	simm.s32 $0x500;
	[dreg:$0x6] =	wrdreg s22  }
0x13: {  	s14 =	simm.s32 $0x580;
	s16 =	simm.s32 $0x700;
	[dreg:$0x7] =	wrdreg s23  }
0x14: {  	s2 =	sadd.s32 s0, s2;
	s21 =	sadd.s32 s0, s10;
	[dreg:$0x8] =	wrdreg s24  }
0x15: {  	[dreg:$0x9] =	wrdreg s11;
	s7 =	sadd.s32 s5, s13;
	s22 =	sshrl.u32 s18, $0x3  }
0x16: {  	s23 =	sadd.s32 s8, s1;
	s24 =	sadd.s32 $0x800, s9;
	s9 =	simm.s32 $0x280  }
0x17: {  	s10 =	simm.s32 $0x380;
	s11 =	simm.s32 $0x400;
	[dreg:$0x4] =	wrdreg s2  }
0x18: {  	s13 =	simm.s32 $0x480;
	s18 =	simm.s32 $0x780;
	[dreg:$0x5] =	wrdreg s21  }
0x19: {  	[dreg:$0xa] =	wrdreg s7;
	s7 =	sadd.s32 s0, s15;
	s2 =	sadd.s32 s26, s1  }
0x1a: {  	[dreg:$0xe] =	wrdreg s24;
	s21 =	simm.s32 $0x3;
	s26 =	sshrl.u32 s19, $0x3  }
0x1b: {  	s15 =	simm.s32 $0x600;
	[dreg:$0xb] =	wrdreg s7;
	s7 =	sshrl.u32 s17, $0x3  }
0x1c: {  	s2 =	sshrl.u32 s2, $0x3;
	[dreg:$0x10] =	wrdreg s26;
	s26 =	simm.s32 $0x100  }
0x1d: {  	s17 =	simm.s32 $0x680;
	s7 =	sadd.s32 s0, s7;
	[dreg:$0xf] =	wrdreg s2  }
0x1e: {  	s0 =	sadd.s32 s0, s22;
	s22 =	simm.s32 $0x80;
	[dreg:$0xc] =	wrdreg s7  }
0x1f: {  	s2 =	simm.s32 $0x300;
	[dreg:$0xd] =	wrdreg s0;
	s0 =	sshrl.u32 s23, $0x3  }
0x20: {  	v0 =	vimm.f32 $0.0e+00;
	s23 =	simm.s32 $0x0;
	[dreg:$0x11] =	wrdreg s0;
	s0 =	simm.s32 $0x200  }
.LBB2_1:
0x21: {  	s7 =	simm.s32 $0x0;
	s8 =	simm.s32 $0x200  }
.LBB2_2:
0x22: {  	p0 =	sne.s32 s8, $0xFE00;
	[tilespmem:s7+$0x870] =	vst v0  }
0x23: {  	[tilespmem:s7+$0x800] =	vst v0  }
0x24: {  	[tilespmem:s7+$0x810] =	vst v0  }
.Ltmp0:
0x25: {  	[tilespmem:s7+$0x820] =	vst v0;
	(pc) =	sbr.rel @p0 .LBB2_2-.Ltmp0, $4  }
0x26: {  	[tilespmem:s7+$0x830] =	vst v0  }
0x27: {  	[tilespmem:s7+$0x840] =	vst v0  }
0x28: {  	[tilespmem:s7+$0x850] =	vst v0  }
0x29: {  	[tilespmem:s7+$0x860] =	vst v0;
	s7 =	sshra.s32 s8, $0x2;
	s8 =	sadd.s32 $0x200, s8  }
0x2a: {  	[tilespmem:s7+$0x870] =	vst v0  }
0x2b: {  	[tilespmem:s7+$0x800] =	vst v0  }
0x2c: {  	[tilespmem:s7+$0x810] =	vst v0  }
0x2d: {  	[tilespmem:s7+$0x820] =	vst v0  }
0x2e: {  	[tilespmem:s7+$0x830] =	vst v0  }
0x2f: {  	[tilespmem:s7+$0x840] =	vst v0  }
0x30: {  	[tilespmem:s7+$0x850] =	vst v0  }
0x31: {  	[tilespmem:s7+$0x860] =	vst v0  }
0x32: {  	[spmem:s6] =	stream.linear.scatter [tilespmem:s20], [sflag:$0x3], $0x4000, $0x38;
	[tilespmem:$0x1C400] =	vst v63  }
0x33: {  	_ =	swait.ge [sflag:s21], $0x4000  }
0x34: {  	[sflag:s21] =	ssyncset.done $0x0  }
0x35: {  	s8 =	rddreg [dreg:$0x7];
	[sflag:s21] =	ssyncadd.s32 $0xFFFFC000  }
0x36: {  	[spmem:s8] =	stream.linear.scatter [tilespmem:s20], [sflag:$0x3], $0x4000, $0x38;
	[tilespmem:$0x1C400] =	vst v63  }
0x37: {  	_ =	swait.ge [sflag:s21], $0x4000  }
0x38: {  	[sflag:s21] =	ssyncset.done $0x0  }
0x39: {  	s19 =	rddreg [dreg:$0x8];
	[sflag:s21] =	ssyncadd.s32 $0xFFFFC000  }
0x3a: {  	[spmem:s19] =	stream.linear.scatter [tilespmem:s20], [sflag:$0x3], $0x4000, $0x38;
	[tilespmem:$0x1C400] =	vst v63  }
0x3b: {  	_ =	swait.ge [sflag:s21], $0x4000  }
0x3c: {  	[sflag:s21] =	ssyncset.done $0x0  }
0x3d: {  	s24 =	rddreg [dreg:$0x9];
	[sflag:s21] =	ssyncadd.s32 $0xFFFFC000  }
0x3e: {  	[spmem:s24] =	stream.linear.scatter [tilespmem:s20], [sflag:$0x3], $0x4000, $0x38;
	[tilespmem:$0x1C400] =	vst v63  }
0x3f: {  	_ =	swait.ge [sflag:s21], $0x4000  }
0x40: {  	[sflag:s21] =	ssyncset.done $0x0  }
0x41: {  	[sflag:s21] =	ssyncadd.s32 $0xFFFFC000  }
0x42: {  	[spmem:s25] =	stream.linear.scatter [tilespmem:s20], [sflag:$0x3], $0x3C00, $0x38;
	[tilespmem:$0x1C400] =	vst v63  }
0x43: {  	_ =	swait.ge [sflag:s21], $0x3C00  }
0x44: {  	[sflag:s21] =	ssyncset.done $0x0  }
0x45: {  	[sflag:s21] =	ssyncadd.s32 $0xFFFFC400  }
0x46: {  	[bflag:$0x0] =	sbarrier.arrive $0xFFFF  }
0x47: {  	s8 =	rddreg [dreg:$0xa]  }
0x48: {  	[tilespmem:s3], [sflag:$0x3] =	stream.linear.gather [hbm4b:s8+s3], $0x800, $0x38;
	[tilespmem:$0x1C400] =	vst v63  }
0x49: {  	_ =	swait.ge [sflag:s21], $0x800  }
0x4a: {  	[sflag:s21] =	ssyncset.done $0x0  }
0x4b: {  	[sflag:s21] =	ssyncadd.s32 $0xFFFFF800  }
0x4c: {  	[tilespmem:s20], [sflag:$0x1] =	stream.indirect.gather [hbm4b:s4+s22], $0x80, s3, s22, $0xb8;
	[tilespmem:$0x1C400] =	vst v63  }
0x4d: {  	_ = 	snop  }
0x4e: {  	[tilespmem:s28], [sflag:$0x1] =	stream.indirect.gather [hbm4b:s4+s22], $0x80, s26, s22, $0xb8;
	[tilespmem:$0x1C400] =	vst v63  }
0x4f: {  	_ =	swait.ge [sflag:s29], $0x8000  }
0x50: {  	[sflag:s29] =	ssyncset.done $0x0  }
0x51: {  	[sflag:s29] =	ssyncadd.s32 $0xFFFF8000  }
0x52: {  	[spmem:s1] =	stream.indirect.scatter.add.f32 [tilespmem:s20], [sflag:$0x2], $0x80, s22, s22, $0xb8;
	[tilespmem:$0x1C400] =	vst v63  }
0x53: {  	_ = 	snop  }
0x54: {  	[spmem:s1] =	stream.indirect.scatter.add.f32 [tilespmem:s28], [sflag:$0x2], $0x80, s30, s22, $0xb8;
	[tilespmem:$0x1C400] =	vst v63  }
0x55: {  	_ =	swait.ge [sflag:s31], $0x8000  }
0x56: {  	[sflag:s31] =	ssyncset.done $0x0  }
0x57: {  	[sflag:s31] =	ssyncadd.s32 $0xFFFF8000  }
0x58: {  	[tilespmem:s20], [sflag:$0x1] =	stream.indirect.gather [hbm4b:s4+s22], $0x80, s0, s22, $0xb8;
	[tilespmem:$0x1C400] =	vst v63  }
0x59: {  	_ = 	snop  }
0x5a: {  	[tilespmem:s28], [sflag:$0x1] =	stream.indirect.gather [hbm4b:s4+s22], $0x80, s2, s22, $0xb8;
	[tilespmem:$0x1C400] =	vst v63  }
0x5b: {  	_ =	swait.ge [sflag:s29], $0x8000  }
0x5c: {  	[sflag:s29] =	ssyncset.done $0x0  }
0x5d: {  	[sflag:s29] =	ssyncadd.s32 $0xFFFF8000  }
0x5e: {  	[spmem:s1] =	stream.indirect.scatter.add.f32 [tilespmem:s20], [sflag:$0x2], $0x80, s9, s22, $0xb8;
	[tilespmem:$0x1C400] =	vst v63  }
0x5f: {  	_ = 	snop  }
0x60: {  	[spmem:s1] =	stream.indirect.scatter.add.f32 [tilespmem:s28], [sflag:$0x2], $0x80, s10, s22, $0xb8;
	[tilespmem:$0x1C400] =	vst v63  }
0x61: {  	_ =	swait.ge [sflag:s31], $0x8000  }
0x62: {  	[sflag:s31] =	ssyncset.done $0x0  }
0x63: {  	[sflag:s31] =	ssyncadd.s32 $0xFFFF8000  }
0x64: {  	[tilespmem:s20], [sflag:$0x1] =	stream.indirect.gather [hbm4b:s4+s22], $0x80, s11, s22, $0xb8;
	[tilespmem:$0x1C400] =	vst v63  }
0x65: {  	_ = 	snop  }
0x66: {  	[tilespmem:s28], [sflag:$0x1] =	stream.indirect.gather [hbm4b:s4+s22], $0x80, s12, s22, $0xb8;
	[tilespmem:$0x1C400] =	vst v63  }
0x67: {  	_ =	swait.ge [sflag:s29], $0x8000  }
0x68: {  	[sflag:s29] =	ssyncset.done $0x0  }
0x69: {  	[sflag:s29] =	ssyncadd.s32 $0xFFFF8000  }
0x6a: {  	[spmem:s1] =	stream.indirect.scatter.add.f32 [tilespmem:s20], [sflag:$0x2], $0x80, s13, s22, $0xb8;
	[tilespmem:$0x1C400] =	vst v63  }
0x6b: {  	_ = 	snop  }
0x6c: {  	[spmem:s1] =	stream.indirect.scatter.add.f32 [tilespmem:s28], [sflag:$0x2], $0x80, s14, s22, $0xb8;
	[tilespmem:$0x1C400] =	vst v63  }
0x6d: {  	_ =	swait.ge [sflag:s31], $0x8000  }
0x6e: {  	[sflag:s31] =	ssyncset.done $0x0  }
0x6f: {  	[sflag:s31] =	ssyncadd.s32 $0xFFFF8000  }
0x70: {  	[tilespmem:s20], [sflag:$0x1] =	stream.indirect.gather [hbm4b:s4+s22], $0x80, s15, s22, $0xb8;
	[tilespmem:$0x1C400] =	vst v63  }
0x71: {  	_ = 	snop  }
0x72: {  	[tilespmem:s28], [sflag:$0x1] =	stream.indirect.gather [hbm4b:s4+s22], $0x80, s16, s22, $0xb8;
	[tilespmem:$0x1C400] =	vst v63  }
0x73: {  	_ =	swait.ge [sflag:s29], $0x8000  }
0x74: {  	s19 =	rddreg [dreg:$0x3]  }
0x75: {  	p1 =	sne.s32 s19, $0x1  }
.Ltmp1:
0x76: {  	[sflag:s29] =	ssyncset.done $0x0;
	(pc) =	sbr.rel @!p1 .LBB2_8-.Ltmp1, $4  }
0x77: {  	p0 =	por $0x0, $0x0;
	s8 =	rddreg [dreg:$0xe];
	[sflag:s29] =	ssyncadd.s32 $0xFFFF8000  }
0x78: {  	[spmem:s1] =	stream.indirect.scatter.add.f32 [tilespmem:s20], [sflag:$0x2], $0x80, s17, s22, $0xb8;
	[tilespmem:$0x1C400] =	vst v63  }
0x79: {  	s24 =	sshrl.u32 s8, $0x3;
	s7 =	sadd.s32 $0xFFFFFFFF, s19;
	s8 =	sadd.s32 $0x800, s8  }
0x7a: {  	[spmem:s1] =	stream.indirect.scatter.add.f32 [tilespmem:s28], [sflag:$0x2], $0x80, s18, s22, $0xb8;
	[tilespmem:$0x1C400] =	vst v63  }
0x7b: {  	s24 =	sadd.s32 s5, s24  }
0x7c: {  	[tilespmem:s3], [sflag:$0x3] =	stream.linear.gather [hbm4b:s24+s3], $0x800, $0x38;
	[tilespmem:$0x1C400] =	vst v63  }
0x7d: {  	_ =	swait.ge [sflag:s21], $0x800  }
0x7e: {  	[sflag:s21] =	ssyncset.done $0x0  }
0x7f: {  	[sflag:s21] =	ssyncadd.s32 $0xFFFFF800  }
0x80: {  	_ =	swait.ge [sflag:s31], $0x8000  }
0x81: {  	[sflag:s31] =	ssyncset.done $0x0  }
0x82: {  	[sflag:s31] =	ssyncadd.s32 $0xFFFF8000  }
0x83: {  	[tilespmem:s20], [sflag:$0x1] =	stream.indirect.gather [hbm4b:s4+s22], $0x80, s3, s22, $0xb8;
	[tilespmem:$0x1C400] =	vst v63  }
0x84: {  	_ = 	snop  }
0x85: {  	[tilespmem:s28], [sflag:$0x1] =	stream.indirect.gather [hbm4b:s4+s22], $0x80, s26, s22, $0xb8;
	[tilespmem:$0x1C400] =	vst v63  }
0x86: {  	_ =	swait.ge [sflag:s29], $0x8000  }
0x87: {  	[sflag:s29] =	ssyncset.done $0x0  }
0x88: {  	[sflag:s29] =	ssyncadd.s32 $0xFFFF8000  }
0x89: {  	[spmem:s1] =	stream.indirect.scatter.add.f32 [tilespmem:s20], [sflag:$0x2], $0x80, s22, s22, $0xb8;
	[tilespmem:$0x1C400] =	vst v63  }
0x8a: {  	_ = 	snop  }
0x8b: {  	[spmem:s1] =	stream.indirect.scatter.add.f32 [tilespmem:s28], [sflag:$0x2], $0x80, s30, s22, $0xb8;
	[tilespmem:$0x1C400] =	vst v63  }
0x8c: {  	_ =	swait.ge [sflag:s31], $0x8000  }
0x8d: {  	[sflag:s31] =	ssyncset.done $0x0  }
0x8e: {  	[sflag:s31] =	ssyncadd.s32 $0xFFFF8000  }
0x8f: {  	[tilespmem:s20], [sflag:$0x1] =	stream.indirect.gather [hbm4b:s4+s22], $0x80, s0, s22, $0xb8;
	[tilespmem:$0x1C400] =	vst v63  }
0x90: {  	_ = 	snop  }
0x91: {  	[tilespmem:s28], [sflag:$0x1] =	stream.indirect.gather [hbm4b:s4+s22], $0x80, s2, s22, $0xb8;
	[tilespmem:$0x1C400] =	vst v63  }
0x92: {  	_ =	swait.ge [sflag:s29], $0x8000  }
0x93: {  	[sflag:s29] =	ssyncset.done $0x0  }
0x94: {  	[sflag:s29] =	ssyncadd.s32 $0xFFFF8000  }
0x95: {  	[spmem:s1] =	stream.indirect.scatter.add.f32 [tilespmem:s20], [sflag:$0x2], $0x80, s9, s22, $0xb8;
	[tilespmem:$0x1C400] =	vst v63  }
0x96: {  	_ = 	snop  }
0x97: {  	[spmem:s1] =	stream.indirect.scatter.add.f32 [tilespmem:s28], [sflag:$0x2], $0x80, s10, s22, $0xb8;
	[tilespmem:$0x1C400] =	vst v63  }
0x98: {  	_ =	swait.ge [sflag:s31], $0x8000  }
0x99: {  	[sflag:s31] =	ssyncset.done $0x0  }
0x9a: {  	[sflag:s31] =	ssyncadd.s32 $0xFFFF8000  }
0x9b: {  	[tilespmem:s20], [sflag:$0x1] =	stream.indirect.gather [hbm4b:s4+s22], $0x80, s11, s22, $0xb8;
	[tilespmem:$0x1C400] =	vst v63  }
0x9c: {  	_ = 	snop  }
0x9d: {  	[tilespmem:s28], [sflag:$0x1] =	stream.indirect.gather [hbm4b:s4+s22], $0x80, s12, s22, $0xb8;
	[tilespmem:$0x1C400] =	vst v63  }
0x9e: {  	_ =	swait.ge [sflag:s29], $0x8000  }
0x9f: {  	[sflag:s29] =	ssyncset.done $0x0  }
0xa0: {  	[sflag:s29] =	ssyncadd.s32 $0xFFFF8000  }
0xa1: {  	[spmem:s1] =	stream.indirect.scatter.add.f32 [tilespmem:s20], [sflag:$0x2], $0x80, s13, s22, $0xb8;
	[tilespmem:$0x1C400] =	vst v63  }
0xa2: {  	_ = 	snop  }
0xa3: {  	[spmem:s1] =	stream.indirect.scatter.add.f32 [tilespmem:s28], [sflag:$0x2], $0x80, s14, s22, $0xb8;
	[tilespmem:$0x1C400] =	vst v63  }
0xa4: {  	_ =	swait.ge [sflag:s31], $0x8000  }
0xa5: {  	[sflag:s31] =	ssyncset.done $0x0  }
0xa6: {  	[sflag:s31] =	ssyncadd.s32 $0xFFFF8000  }
0xa7: {  	[tilespmem:s20], [sflag:$0x1] =	stream.indirect.gather [hbm4b:s4+s22], $0x80, s15, s22, $0xb8;
	[tilespmem:$0x1C400] =	vst v63  }
0xa8: {  	p1 =	sne.s32 s7, $0x1  }
0xa9: {  	[tilespmem:s28], [sflag:$0x1] =	stream.indirect.gather [hbm4b:s4+s22], $0x80, s16, s22, $0xb8;
	[tilespmem:$0x1C400] =	vst v63  }
.Ltmp2:
0xaa: {  	_ = 	snop;
	(pc) =	sbr.rel @!p1 .LBB2_5-.Ltmp2, $4  }
0xab: {  	s19 =	smov.u32 s6;
	s6 =	smov.u32 s25;
	_ =	swait.ge [sflag:s29], $0x8000  }
0xac: {  	s25 =	sadd.s32 $0xFFFFFFFF, s7;
	s7 =	sadd.s32 $0x800, s8;
	[sflag:s29] =	ssyncset.done $0x0  }
0xad: {  	p0 =	por $0x1, $0x1;
	s24 =	sshrl.u32 s8, $0x3;
	[sflag:s29] =	ssyncadd.s32 $0xFFFF8000  }
0xae: {  	[spmem:s1] =	stream.indirect.scatter.add.f32 [tilespmem:s20], [sflag:$0x2], $0x80, s17, s22, $0xb8;
	[tilespmem:$0x1C400] =	vst v63  }
.LBB2_6:
0xaf: {  	[spmem:s1] =	stream.indirect.scatter.add.f32 [tilespmem:s28], [sflag:$0x2], $0x80, s18, s22, $0xb8;
	[tilespmem:$0x1C400] =	vst v63  }
0xb0: {  	p1 =	sne.s32 s25, $0x1;
	s8 =	sadd.s32 s5, s24;
	s24 =	sshrl.u32 s7, $0x3  }
0xb1: {  	[tilespmem:s3], [sflag:$0x3] =	stream.linear.gather [hbm4b:s8+s3], $0x800, $0x38;
	[tilespmem:$0x1C400] =	vst v63  }
0xb2: {  	s25 =	sadd.s32 $0xFFFFFFFF, s25;
	_ =	swait.ge [sflag:s21], $0x800  }
0xb3: {  	[sflag:s21] =	ssyncset.done $0x0  }
0xb4: {  	[sflag:s21] =	ssyncadd.s32 $0xFFFFF800  }
0xb5: {  	_ =	swait.ge [sflag:s31], $0x8000  }
0xb6: {  	[sflag:s31] =	ssyncset.done $0x0  }
0xb7: {  	[sflag:s31] =	ssyncadd.s32 $0xFFFF8000  }
0xb8: {  	[tilespmem:s20], [sflag:$0x1] =	stream.indirect.gather [hbm4b:s4+s22], $0x80, s3, s22, $0xb8;
	[tilespmem:$0x1C400] =	vst v63  }
0xb9: {  	_ = 	snop  }
0xba: {  	[tilespmem:s28], [sflag:$0x1] =	stream.indirect.gather [hbm4b:s4+s22], $0x80, s26, s22, $0xb8;
	[tilespmem:$0x1C400] =	vst v63  }
0xbb: {  	_ =	swait.ge [sflag:s29], $0x8000  }
0xbc: {  	[sflag:s29] =	ssyncset.done $0x0  }
0xbd: {  	[sflag:s29] =	ssyncadd.s32 $0xFFFF8000  }
0xbe: {  	[spmem:s1] =	stream.indirect.scatter.add.f32 [tilespmem:s20], [sflag:$0x2], $0x80, s22, s22, $0xb8;
	[tilespmem:$0x1C400] =	vst v63  }
0xbf: {  	_ = 	snop  }
0xc0: {  	[spmem:s1] =	stream.indirect.scatter.add.f32 [tilespmem:s28], [sflag:$0x2], $0x80, s30, s22, $0xb8;
	[tilespmem:$0x1C400] =	vst v63  }
0xc1: {  	_ =	swait.ge [sflag:s31], $0x8000  }
0xc2: {  	[sflag:s31] =	ssyncset.done $0x0  }
0xc3: {  	[sflag:s31] =	ssyncadd.s32 $0xFFFF8000  }
0xc4: {  	[tilespmem:s20], [sflag:$0x1] =	stream.indirect.gather [hbm4b:s4+s22], $0x80, s0, s22, $0xb8;
	[tilespmem:$0x1C400] =	vst v63  }
0xc5: {  	_ = 	snop  }
0xc6: {  	[tilespmem:s28], [sflag:$0x1] =	stream.indirect.gather [hbm4b:s4+s22], $0x80, s2, s22, $0xb8;
	[tilespmem:$0x1C400] =	vst v63  }
0xc7: {  	_ =	swait.ge [sflag:s29], $0x8000  }
0xc8: {  	[sflag:s29] =	ssyncset.done $0x0  }
0xc9: {  	[sflag:s29] =	ssyncadd.s32 $0xFFFF8000  }
0xca: {  	[spmem:s1] =	stream.indirect.scatter.add.f32 [tilespmem:s20], [sflag:$0x2], $0x80, s9, s22, $0xb8;
	[tilespmem:$0x1C400] =	vst v63  }
0xcb: {  	_ = 	snop  }
0xcc: {  	[spmem:s1] =	stream.indirect.scatter.add.f32 [tilespmem:s28], [sflag:$0x2], $0x80, s10, s22, $0xb8;
	[tilespmem:$0x1C400] =	vst v63  }
0xcd: {  	_ =	swait.ge [sflag:s31], $0x8000  }
0xce: {  	[sflag:s31] =	ssyncset.done $0x0  }
0xcf: {  	[sflag:s31] =	ssyncadd.s32 $0xFFFF8000  }
0xd0: {  	[tilespmem:s20], [sflag:$0x1] =	stream.indirect.gather [hbm4b:s4+s22], $0x80, s11, s22, $0xb8;
	[tilespmem:$0x1C400] =	vst v63  }
0xd1: {  	_ = 	snop  }
0xd2: {  	[tilespmem:s28], [sflag:$0x1] =	stream.indirect.gather [hbm4b:s4+s22], $0x80, s12, s22, $0xb8;
	[tilespmem:$0x1C400] =	vst v63  }
0xd3: {  	_ =	swait.ge [sflag:s29], $0x8000  }
0xd4: {  	[sflag:s29] =	ssyncset.done $0x0  }
0xd5: {  	[sflag:s29] =	ssyncadd.s32 $0xFFFF8000  }
0xd6: {  	[spmem:s1] =	stream.indirect.scatter.add.f32 [tilespmem:s20], [sflag:$0x2], $0x80, s13, s22, $0xb8;
	[tilespmem:$0x1C400] =	vst v63  }
0xd7: {  	_ = 	snop  }
0xd8: {  	[spmem:s1] =	stream.indirect.scatter.add.f32 [tilespmem:s28], [sflag:$0x2], $0x80, s14, s22, $0xb8;
	[tilespmem:$0x1C400] =	vst v63  }
0xd9: {  	_ =	swait.ge [sflag:s31], $0x8000  }
0xda: {  	[sflag:s31] =	ssyncset.done $0x0  }
0xdb: {  	[sflag:s31] =	ssyncadd.s32 $0xFFFF8000  }
0xdc: {  	[tilespmem:s20], [sflag:$0x1] =	stream.indirect.gather [hbm4b:s4+s22], $0x80, s15, s22, $0xb8;
	[tilespmem:$0x1C400] =	vst v63  }
0xdd: {  	_ = 	snop  }
0xde: {  	[tilespmem:s28], [sflag:$0x1] =	stream.indirect.gather [hbm4b:s4+s22], $0x80, s16, s22, $0xb8;
	[tilespmem:$0x1C400] =	vst v63  }
.Ltmp3:
0xdf: {  	_ =	swait.ge [sflag:s29], $0x8000;
	(pc) =	sbr.rel @p1 .LBB2_6-.Ltmp3, $4  }
0xe0: {  	[sflag:s29] =	ssyncset.done $0x0  }
0xe1: {  	[sflag:s29] =	ssyncadd.s32 $0xFFFF8000  }
0xe2: {  	[spmem:s1] =	stream.indirect.scatter.add.f32 [tilespmem:s20], [sflag:$0x2], $0x80, s17, s22, $0xb8;
	[tilespmem:$0x1C400] =	vst v63  }
0xe3: {  	s7 =	sadd.s32 $0x800, s7  }
0xe4: {  	s25 =	smov.u32 s6;
	s6 =	smov.u32 s19  }
.LBB2_8:
0xe5: {  	[spmem:s1] =	stream.indirect.scatter.add.f32 @p0 [tilespmem:s28], [sflag:$0x2], $0x80, s18, s22, $0xb8;
	[tilespmem:$0x1C400] =	vst v63  }
0xe6: {  	s7 =	sadd.s32 s5, s24  }
0xe7: {  	[tilespmem:s3], [sflag:$0x3] =	stream.linear.gather [hbm4b:s7+s3], $0x800, $0x38;
	[tilespmem:$0x1C400] =	vst v63  }
0xe8: {  	_ =	swait.ge [sflag:s21], $0x800  }
0xe9: {  	[sflag:s21] =	ssyncset.done $0x0  }
0xea: {  	[sflag:s21] =	ssyncadd.s32 $0xFFFFF800  }
0xeb: {  	_ =	swait.ge [sflag:s31], $0x8000  }
0xec: {  	[sflag:s31] =	ssyncset.done $0x0  }
0xed: {  	[sflag:s31] =	ssyncadd.s32 $0xFFFF8000  }
0xee: {  	[tilespmem:s20], [sflag:$0x1] =	stream.indirect.gather [hbm4b:s4+s22], $0x80, s3, s22, $0xb8;
	[tilespmem:$0x1C400] =	vst v63  }
0xef: {  	_ = 	snop  }
0xf0: {  	[tilespmem:s28], [sflag:$0x1] =	stream.indirect.gather [hbm4b:s4+s22], $0x80, s26, s22, $0xb8;
	[tilespmem:$0x1C400] =	vst v63  }
0xf1: {  	_ =	swait.ge [sflag:s29], $0x8000  }
0xf2: {  	[sflag:s29] =	ssyncset.done $0x0  }
0xf3: {  	[sflag:s29] =	ssyncadd.s32 $0xFFFF8000  }
0xf4: {  	[spmem:s1] =	stream.indirect.scatter.add.f32 [tilespmem:s20], [sflag:$0x2], $0x80, s22, s22, $0xb8;
	[tilespmem:$0x1C400] =	vst v63  }
0xf5: {  	_ = 	snop  }
0xf6: {  	[spmem:s1] =	stream.indirect.scatter.add.f32 [tilespmem:s28], [sflag:$0x2], $0x80, s30, s22, $0xb8;
	[tilespmem:$0x1C400] =	vst v63  }
0xf7: {  	_ =	swait.ge [sflag:s31], $0x8000  }
0xf8: {  	[sflag:s31] =	ssyncset.done $0x0  }
0xf9: {  	[sflag:s31] =	ssyncadd.s32 $0xFFFF8000  }
0xfa: {  	[tilespmem:s20], [sflag:$0x1] =	stream.indirect.gather [hbm4b:s4+s22], $0x80, s0, s22, $0xb8;
	[tilespmem:$0x1C400] =	vst v63  }
0xfb: {  	_ = 	snop  }
0xfc: {  	[tilespmem:s28], [sflag:$0x1] =	stream.indirect.gather [hbm4b:s4+s22], $0x80, s2, s22, $0xb8;
	[tilespmem:$0x1C400] =	vst v63  }
0xfd: {  	_ =	swait.ge [sflag:s29], $0x8000  }
0xfe: {  	[sflag:s29] =	ssyncset.done $0x0  }
0xff: {  	[sflag:s29] =	ssyncadd.s32 $0xFFFF8000  }
0x100: {  	[spmem:s1] =	stream.indirect.scatter.add.f32 [tilespmem:s20], [sflag:$0x2], $0x80, s9, s22, $0xb8;
	[tilespmem:$0x1C400] =	vst v63  }
0x101: {  	_ = 	snop  }
0x102: {  	[spmem:s1] =	stream.indirect.scatter.add.f32 [tilespmem:s28], [sflag:$0x2], $0x80, s10, s22, $0xb8;
	[tilespmem:$0x1C400] =	vst v63  }
0x103: {  	_ =	swait.ge [sflag:s31], $0x8000  }
0x104: {  	[sflag:s31] =	ssyncset.done $0x0  }
0x105: {  	[sflag:s31] =	ssyncadd.s32 $0xFFFF8000  }
0x106: {  	[tilespmem:s20], [sflag:$0x1] =	stream.indirect.gather [hbm4b:s4+s22], $0x80, s11, s22, $0xb8;
	[tilespmem:$0x1C400] =	vst v63  }
0x107: {  	_ = 	snop  }
0x108: {  	[tilespmem:s28], [sflag:$0x1] =	stream.indirect.gather [hbm4b:s4+s22], $0x80, s12, s22, $0xb8;
	[tilespmem:$0x1C400] =	vst v63  }
0x109: {  	_ =	swait.ge [sflag:s29], $0x8000  }
0x10a: {  	[sflag:s29] =	ssyncset.done $0x0  }
0x10b: {  	[sflag:s29] =	ssyncadd.s32 $0xFFFF8000  }
0x10c: {  	[spmem:s1] =	stream.indirect.scatter.add.f32 [tilespmem:s20], [sflag:$0x2], $0x80, s13, s22, $0xb8;
	[tilespmem:$0x1C400] =	vst v63  }
0x10d: {  	_ = 	snop  }
0x10e: {  	[spmem:s1] =	stream.indirect.scatter.add.f32 [tilespmem:s28], [sflag:$0x2], $0x80, s14, s22, $0xb8;
	[tilespmem:$0x1C400] =	vst v63  }
0x10f: {  	_ =	swait.ge [sflag:s31], $0x8000  }
0x110: {  	[sflag:s31] =	ssyncset.done $0x0  }
0x111: {  	[sflag:s31] =	ssyncadd.s32 $0xFFFF8000  }
0x112: {  	[tilespmem:s20], [sflag:$0x1] =	stream.indirect.gather [hbm4b:s4+s22], $0x80, s15, s22, $0xb8;
	[tilespmem:$0x1C400] =	vst v63  }
0x113: {  	_ = 	snop  }
0x114: {  	[tilespmem:s28], [sflag:$0x1] =	stream.indirect.gather [hbm4b:s4+s22], $0x80, s16, s22, $0xb8;
	[tilespmem:$0x1C400] =	vst v63  }
0x115: {  	_ =	swait.ge [sflag:s29], $0x8000  }
0x116: {  	[sflag:s29] =	ssyncset.done $0x0  }
0x117: {  	[sflag:s29] =	ssyncadd.s32 $0xFFFF8000  }
0x118: {  	[spmem:s1] =	stream.indirect.scatter.add.f32 [tilespmem:s20], [sflag:$0x2], $0x80, s17, s22, $0xb8;
	[tilespmem:$0x1C400] =	vst v63  }
0x119: {  	_ = 	snop  }
0x11a: {  	[spmem:s1] =	stream.indirect.scatter.add.f32 [tilespmem:s28], [sflag:$0x2], $0x80, s18, s22, $0xb8;
	[tilespmem:$0x1C400] =	vst v63  }
0x11b: {  	_ =	swait.ge [sflag:s31], $0x8000  }
0x11c: {  	[sflag:s31] =	ssyncset.done $0x0  }
0x11d: {  	s8 =	stileid.u32;
	[sflag:s31] =	ssyncadd.s32 $0xFFFF8000  }
0x11e: {  	s7 =	sshll.u32 s8, $0x6;
	[bflag:$0x0] =	sbarrier.arrive $0xFFFF  }
0x11f: {  	s8 =	sshrl.u32 s6, $0x3;
	s7 =	sor.u32 $0x1C03, s7;
	s19 =	rddreg [dreg:$0x5]  }
0x120: {  	[hbm:s19], [sflag:s7] =	dma.local [spmem:s8], $0x800  }
0x121: {  	_ =	swait.ge [sflag:s21], $0x800  }
0x122: {  	[sflag:s21] =	ssyncset.done $0x0;
	s19 =	rddreg [dreg:$0xb]  }
0x123: {  	s24 =	rddreg [dreg:$0xf];
	[sflag:s21] =	ssyncadd.s32 $0xFFFFF800  }
0x124: {  	[hbm:s19], [sflag:s7] =	dma.local [spmem:s24], $0x800  }
0x125: {  	_ =	swait.ge [sflag:s21], $0x800  }
0x126: {  	[sflag:s21] =	ssyncset.done $0x0;
	s19 =	rddreg [dreg:$0xc]  }
0x127: {  	s24 =	rddreg [dreg:$0x10];
	[sflag:s21] =	ssyncadd.s32 $0xFFFFF800  }
0x128: {  	[hbm:s19], [sflag:s7] =	dma.local [spmem:s24], $0x800  }
0x129: {  	_ =	swait.ge [sflag:s21], $0x800  }
0x12a: {  	[sflag:s21] =	ssyncset.done $0x0;
	s19 =	rddreg [dreg:$0xd]  }
0x12b: {  	s24 =	rddreg [dreg:$0x11];
	[sflag:s21] =	ssyncadd.s32 $0xFFFFF800  }
0x12c: {  	[hbm:s19], [sflag:s7] =	dma.local [spmem:s24], $0x800  }
0x12d: {  	_ =	swait.ge [sflag:s21], $0x800  }
0x12e: {  	[sflag:s21] =	ssyncset.done $0x0  }
0x12f: {  	s19 =	sshrl.u32 s25, $0x3;
	s24 =	rddreg [dreg:$0x4];
	[sflag:s21] =	ssyncadd.s32 $0xFFFFF800  }
0x130: {  	[hbm:s24], [sflag:s7] =	dma.local [spmem:s19], $0x780  }
0x131: {  	_ =	swait.ge [sflag:s21], $0x780  }
0x132: {  	s23 =	sadd.s32 $0x1, s23;
	s24 =	rddreg [dreg:$0x6]  }
0x133: {  	p0 =	sne.s32 s23, s24  }
.Ltmp4:
0x134: {  	_ = 	snop;
	(pc) =	sbr.rel @p0 .LBB2_1-.Ltmp4, $4  }
.Ltmp5:
0x135: {  	_ = 	snop;
	(pc) =	sbr.rel @!p0 .LBB2_9-.Ltmp5, $4  }
0x136: {  	_ = 	snop  }
0x137: {  	[sflag:s21] =	ssyncset.done $0x0  }
0x138: {  	[sflag:s21] =	ssyncadd.s32 $0xFFFFF880  }
0x139: {  	_ = 	snop  }
.LBB2_5:
.Ltmp6:
0x13a: {  	(pc) =	sbr.rel .LBB2_8-.Ltmp6, $2  }
0x13b: {  	_ =	sdelay $0x2  }
0x13c: {  	s25 =	smov.u32 s6;
	s6 =	smov.u32 s19  }
.LBB2_9:
0x13d: {  	_ =	sfence.sel $0x180000  }
0x13e: {  	[bflag:$0x0] =	sbarrier.arrive $0xFFFF  }
0x13f: {  	_ =	strace $0x9000004A  }
0x140: {  	s0 =	stileid.u32;
	[bflag:$0x2] =	sbarrier.arrive $0xFFFF  }
0x141: {  	p0 =	sne.s32 s0, $0x0;
	s0 =	rddreg [dreg:$0x2]  }
0x142: {  	s0 =	sadd.s32 @!p0 $0x100000, s0  }
0x143: {  	[sflag:s0] =	ssyncadd.tile.s32 @!p0 $0x1;
	_ =	shalt  }
.Lfunc_end2:
_tile_overlayer_lowered:
.L_overlay_start_2:
0x144: {  	(tag) =	ssettag $0x2  }
0x145: {  	s0 =	rddreg [dreg:$0x0];
	s2 =	stileid.u32  }
0x146: {  	s1 =	rddreg [dreg:$0x1];
	p0 =	sne.s32 s2, $0x0  }
0x147: {  	s3 =	rddreg [dreg:$0x2];
	[bflag:$0x3] =	sbarrier.arrive $0xFFFF;
	s2 =	simm.s32 @!p0 $0x1C03  }
0x148: {  	[timem:s3], [sflag:s2] =	dma.local @!p0 [hbm:s0], s1  }
0x149: {  	s0 =	simm.s32 @!p0 $0x3  }
0x14a: {  	_ =	swait.ge @!p0 [sflag:s0], s1  }
0x14b: {  	s1 =	ssub.s32 @!p0 $0x0, s1;
	[sflag:s0] =	ssyncset.done @!p0 $0x0  }
0x14c: {  	[sflag:s0] =	ssyncadd.s32 @!p0 s1  }
0x14d: {  	[bflag:$0x3] =	sbarrier.arrive $0xFFFF  }
0x14e: {  	_ =	shalt  }

// kernel: kernel.16.cloned.1.call-start
scs
__scs_entry_jumppad:
0x0: {  	(pc) =	sbr.rel $0x88, $3  }
0x1: {  	(tag) =	ssettag $0x0;
	lr =	simm.s32 $0x1  }
0x2: {  	[smem:$0x3F98] =	sst lr;
	_ =	strace $0xD0000000  }
0x3: {  	_ = 	snop  }
0x4: {  	_ = 	snop  }
0x5: {  	_ = 	snop  }
0x6: {  	_ = 	snop  }
0x7: {  	_ = 	snop  }
__scs_overlays_trampoline_lowered:
0x8: {  	[smem:$0x3FA7] =	sst s0  }
0x9: {  	[smem:$0x3FA8] =	sst s1  }
0xa: {  	[smem:$0x3FA9] =	sst s2  }
0xb: {  	[smem:$0x3FAA] =	sst s3  }
0xc: {  	[smem:$0x3FAB] =	sst s4  }
0xd: {  	[smem:$0x3FAC] =	sst s5  }
0xe: {  	[smem:$0x3FAD] =	sst s6  }
0xf: {  	[smem:$0x3FAE] =	sst s7  }
0x10: {  	[smem:$0x3FAF] =	sst s8  }
0x11: {  	[smem:$0x3FB0] =	sst s9;
	s0 =	simm.s32 @!p0 $0x0  }
0x12: {  	s1 =	sld [smem:$0x3F96];
	s0 =	simm.s32 @p0 $0x1  }
0x13: {  	[smem:$0x3FB1] =	sst s0;
	s0 =	simm.s32 @!p1 $0x0  }
0x14: {  	s2 =	sld [smem:$0x3F95];
	s0 =	simm.s32 @p1 $0x1  }
0x15: {  	[smem:$0x3FB2] =	sst s0;
	s0 =	simm.s32 @!p2 $0x0  }
0x16: {  	s3 =	sld [smem:$0x3FDB];
	s0 =	simm.s32 @p2 $0x1  }
0x17: {  	s4 =	simm.s32 $0x1BF5;
	[smem:$0x3FB4] =	sst s0  }
0x18: {  	s0 =	sld [smem:$0x3F97];
	_ =	swait.ge [sflag:s4], $0x0  }
0x19: {  	s7 =	sld [smem:$0x3F98]  }
0x1a: {  	s8 =	sadd.s32 $0xFFFFE003, lr  }
0x1b: {  	s9 =	sadd.s32 $0xFFFFFEF7, lr;
	s5 =	simm.s32 $0xFFFFFFFF;
	p2 =	slt.u32 s8, $0xFFFFF086  }
0x1c: {  	p1 =	slt.u32 s9, $0xF7A;
	s5 =	simm.s32 @!p2 $0x0  }
0x1d: {  	s5 =	simm.s32 @p1 $0x1;
	p0 =	seq.s32 s7, s2  }
0x1e: {  	s7 =	smul.u32 @!p0 $0xF7A, s2;
	p2 =	seq.s32 @!p0 s5, $0x0  }
0x1f: {  	s9 =	smul.u32 $0xF7A, s1;
	s8 =	simm.s32 @!p0 $0x1BF5;
	p2 =	por !p2, p0  }
0x20: {  	[sflag:s8] =	ssyncset.s32 @!p0 $0xFFFFF086;
	s6 =	sadd.s32 @!p0 s3, s7;
	s7 =	simm.s32 @!p0 $0x108  }
0x21: {  	s3 =	sadd.s32 s3, s9;
	s6 =	sadd.s32 @!p0 $0x88, s6;
	s7 =	simm.s32 @p2 $0x1082  }
0x22: {  	[simem:s7], [sflag:s8] =	dma.local @!p0 [hbm:s6], $0xF7A  }
0x23: {  	s9 =	sor.u32 $0xD0000000, s2;
	s6 =	simm.s32 $0x108;
	_ =	swait.ge @!p0 [sflag:s8], $0x0  }
0x24: {  	s3 =	sadd.s32 $0x88, s3;
	s6 =	simm.s32 @!p1 $0x1082;
	[sflag:s4] =	ssyncset.s32 $0xFFFFF086  }
0x25: {  	[simem:s6], [sflag:s4] =	dma.local [hbm:s3], $0xF7A  }
0x26: {  	[smem:$0x3F98] =	sst s1;
	(tag) =	ssettag s2;
	_ =	strace s9  }
0x27: {  	s1 =	sld [smem:$0x3FA8]  }
0x28: {  	s2 =	sld [smem:$0x3FA9]  }
0x29: {  	s4 =	sld [smem:$0x3FAB]  }
0x2a: {  	p0 =	seq.s32 s5, $0x0;
	s5 =	sld [smem:$0x3FAC]  }
0x2b: {  	s6 =	sld [smem:$0x3FAD]  }
0x2c: {  	s7 =	sld [smem:$0x3FAE]  }
0x2d: {  	s3 =	simm.s32 $0x108;
	s8 =	sld [smem:$0x3FAF]  }
0x2e: {  	s3 =	simm.s32 @!p0 $0x1082;
	s9 =	sld [smem:$0x3FB0]  }
0x2f: {  	lr =	sadd.s32 s0, s3;
	s0 =	sld [smem:$0x3FA7]  }
0x30: {  	s3 =	sld [smem:$0x3FAA]  }
0x31: {  	[smem:$0x3FB3] =	sst s10  }
0x32: {  	s10 =	sld [smem:$0x3FB1];
	_ =	sdelay $0x3  }
0x33: {  	p0 =	seq.s32 s10, $0x1;
	s10 =	sld [smem:$0x3FB3];
	_ =	sdelay $0x3  }
0x34: {  	[smem:$0x3FB3] =	sst s10  }
0x35: {  	s10 =	sld [smem:$0x3FB2];
	_ =	sdelay $0x3  }
0x36: {  	p1 =	seq.s32 s10, $0x1;
	s10 =	sld [smem:$0x3FB3];
	_ =	sdelay $0x3  }
0x37: {  	[smem:$0x3FB3] =	sst s10  }
0x38: {  	s10 =	sld [smem:$0x3FB4]  }
0x39: {  	_ = 	snop;
	(pc) =	sbr.ind lr, $3  }
0x3a: {  	_ = 	snop  }
0x3b: {  	_ = 	snop  }
0x3c: {  	p2 =	seq.s32 s10, $0x1;
	s10 =	sld [smem:$0x3FB3]  }
0x3d: {  	_ =	shalt  }
0x3e: {  	_ =	shalt  }
0x3f: {  	_ =	shalt  }
0x40: {  	_ =	shalt  }
0x41: {  	_ =	shalt  }
0x42: {  	_ =	shalt  }
0x43: {  	_ =	shalt  }
0x44: {  	_ =	shalt  }
0x45: {  	_ =	shalt  }
0x46: {  	_ =	shalt  }
0x47: {  	_ =	shalt  }
0x48: {  	_ =	shalt  }
0x49: {  	_ =	shalt  }
0x4a: {  	_ =	shalt  }
0x4b: {  	_ =	shalt  }
0x4c: {  	_ =	shalt  }
0x4d: {  	_ =	shalt  }
0x4e: {  	_ =	shalt  }
0x4f: {  	_ =	shalt  }
0x50: {  	_ =	shalt  }
0x51: {  	_ =	shalt  }
0x52: {  	_ =	shalt  }
0x53: {  	_ =	shalt  }
0x54: {  	_ =	shalt  }
0x55: {  	_ =	shalt  }
0x56: {  	_ =	shalt  }
0x57: {  	_ =	shalt  }
0x58: {  	_ =	shalt  }
0x59: {  	_ =	shalt  }
0x5a: {  	_ =	shalt  }
0x5b: {  	_ =	shalt  }
0x5c: {  	_ =	shalt  }
0x5d: {  	_ =	shalt  }
0x5e: {  	_ =	shalt  }
0x5f: {  	_ =	shalt  }
0x60: {  	_ =	shalt  }
0x61: {  	_ =	shalt  }
0x62: {  	_ =	shalt  }
0x63: {  	_ =	shalt  }
0x64: {  	_ =	shalt  }
0x65: {  	_ =	shalt  }
0x66: {  	_ =	shalt  }
0x67: {  	_ =	shalt  }
0x68: {  	_ =	shalt  }
0x69: {  	_ =	shalt  }
0x6a: {  	_ =	shalt  }
0x6b: {  	_ =	shalt  }
0x6c: {  	_ =	shalt  }
0x6d: {  	_ =	shalt  }
0x6e: {  	_ =	shalt  }
0x6f: {  	_ =	shalt  }
0x70: {  	_ =	shalt  }
0x71: {  	_ =	shalt  }
0x72: {  	_ =	shalt  }
0x73: {  	_ =	shalt  }
0x74: {  	_ =	shalt  }
0x75: {  	_ =	shalt  }
0x76: {  	_ =	shalt  }
0x77: {  	_ =	shalt  }
0x78: {  	_ =	shalt  }
0x79: {  	_ =	shalt  }
0x7a: {  	_ =	shalt  }
0x7b: {  	_ =	shalt  }
0x7c: {  	_ =	shalt  }
0x7d: {  	_ =	shalt  }
0x7e: {  	_ =	shalt  }
0x7f: {  	_ =	shalt  }
0x80: {  	_ =	shalt  }
0x81: {  	_ =	shalt  }
0x82: {  	_ =	shalt  }
0x83: {  	_ =	shalt  }
0x84: {  	_ =	shalt  }
0x85: {  	_ =	shalt  }
0x86: {  	_ =	shalt  }
0x87: {  	_ =	shalt  }
.Lfunc_end0:
.L_simem_size_0:
called_computation.2_lowered:
.L_overlay_start_0:
0x88: {  	s2 =	sld [smem:$0x3FD9]  }
0x89: {  	s3 =	sld [smem:$0x3FFE];
	_ =	sdelay $0x1  }
0x8a: {  	s1 =	srdreg.scid  }
0x8b: {  	s0 =	sand.u32 $0x1, s1  }
0x8c: {  	s16 =	sshll.u32 s0, $0xA;
	s2 =	sadd.s32 s3, s2  }
0x8d: {  	s2 =	sadd.s32 s2, s16  }
0x8e: {  	[smem:$0x3FBF] =	sst s2  }
0x8f: {  	_ = 	snop  }
0x90: {  	(tm) =	ssettm $0x1  }
0x91: {  	s17 =	sld [smem:$0x3FFB];
	_ =	sdelay $0x3  }
0x92: {  	_ =	strace s17  }
0x93: {  	s2 =	sld [smem:$0x3FFC];
	_ =	sdelay $0x3  }
0x94: {  	_ =	strace s2  }
0x95: {  	s2 =	sld [smem:$0x3FFD];
	_ =	sdelay $0x3  }
0x96: {  	_ =	strace s2  }
0x97: {  	_ =	strace $0x8FFFFFFF  }
0x98: {  	s18 =	sld [smem:$0x3FDB];
	_ =	sdelay $0x1  }
0x99: {  	s19 =	simm.s32 $_scs_section_size  }
0x9a: {  	s4 =	simm.s32 $_size__tile_overlayer_lowered;
	s5 =	simm.s32 $_tile_overlayer_lowered  }
0x9b: {  	s22 =	simm.s32 $0x1BFF;
	s21 =	sshll.u32 s5, $0x1;
	s2 =	sadd.s32 s19, s18  }
0x9c: {  	s6 =	simm.s32 $0x0;
	s20 =	sshll.u32 s4, $0x1;
	s4 =	sadd.s32 s21, s2  }
0x9d: {  	[timem:s6], [sflag:s22] =	dma.local [hbm:s4], s20  }
0x9e: {  	_ =	swait.ge [sflag:s22], s20  }
0x9f: {  	s3 =	ssub.s32 $0x0, s20;
	[sflag:s22] =	ssyncset.done $0x0  }
0xa0: {  	[sflag:s22] =	ssyncadd.s32 s3;
	_ =	sdelay $0x1  }
0xa1: {  	s23 =	simm.s32 $0x1B8B  }
0xa2: {  	_ =	swait.ge [sflag:s23], $0x1  }
0xa3: {  	[sflag:s23] =	ssyncset.done $0x0  }
0xa4: {  	s25 =	simm.s32 $0x1B8E;
	s24 =	sld [smem:$0x3FFE];
	[sflag:s23] =	ssyncadd.s32 $0xFFFFFFFF  }
0xa5: {  	s26 =	simm.s32 $execute0_lowered;
	[smem:$0x3FD2] =	sst s25  }
0xa6: {  	s4 =	sshll.u32 s26, $0x1;
	_ =	strace $0x8000004C;
	[dreg:$0x1] =	wrdreg $0xFFFFFFFF  }
0xa7: {  	s28 =	simm.s32 $_size_execute0_lowered;
	s2 =	sadd.s32 s2, s4;
	[dreg:$0x0] =	wrdreg $0x0  }
0xa8: {  	s4 =	sshll.u32 s28, $0x1;
	[dreg:$0x2] =	wrdreg s2  }
0xa9: {  	[dreg:$0x3] =	wrdreg s4  }
0xaa: {  	[dreg:$0x4] =	wrdreg $0xC0  }
0xab: {  	_ =	task [dreg:s6], $0x5FFFF  }
0xac: {  	[dreg:$0x1] =	wrdreg $0xFFFFFFFF  }
0xad: {  	[dreg:$0x0] =	wrdreg $0x60  }
0xae: {  	[dreg:$0x2] =	wrdreg s24  }
0xaf: {  	[dreg:$0x3] =	wrdreg $0x88000  }
0xb0: {  	[dreg:$0x4] =	wrdreg $0x9  }
0xb1: {  	_ =	task.clear_ibuf [dreg:s6], $0x5FFFF;
	_ =	strace $0x9000004C  }
0xb2: {  	s29 =	simm.s32 $0x9;
	_ =	strace $0x8000004E  }
0xb3: {  	_ =	swait.ge [sflag:s29], $0x1  }
0xb4: {  	[sflag:s29] =	ssyncadd.s32 $0xFFFFFFFF  }
0xb5: {  	_ =	strace $0x9000004E  }
0xb6: {  	_ =	sfence  }
0xb7: {  	s30 =	sld [smem:$0x0];
	_ =	sdelay $0x2  }
0xb8: {  	s31 =	sshll.u32 s1, $0xD;
	s1 =	sshrl.u32 s1, $0x2  }
0xb9: {  	s3 =	sand.u32 $0x4000, s31;
	s1 =	sadd.s32 s1, s30  }
0xba: {  	s0 =	sor.u32 s3, s0;
	s1 =	sshll.u32 s1, $0x11  }
0xbb: {  	s0 =	sor.u32 s1, s0  }
0xbc: {  	s0 =	sadd.s32 $0x8F2B, s0  }
0xbd: {  	[sflag:s0] =	ssyncadd.remote.s32 $0x1  }
0xbe: {  	_ =	sfence.sel $0xFFFF  }
0xbf: {  	[dreg:$0x0] =	wrdreg $0xFFFFFFFF;
	(pc) =	sbr.abs _section_cstart, $3  }
0xc0: {  	[dreg:$0x1] =	wrdreg $0xFFFFFFFF  }
0xc1: {  	_ =	task.clear_ibuf [dreg:s6], $0x2FFFF;
	_ =	strace $0x9FFFFFFF  }
0xc2: {  	(tm) =	ssettm $0x7FFFFFFF  }
0xc3: {  	_ =	shalt  }
tec
execute0_lowered:
.L_overlay_start_1:
0x0: {  	(tag) =	ssettag $0x1  }
0x1: {  	s0 =	rddreg [dreg:$0x0]  }
0x2: {  	s1 =	rddreg [dreg:$0x1];
	s3 =	simm.s32 $0x0;
	s2 =	srdreg.scid  }
0x3: {  	s10 =	stileid.u32;
	s13 =	simm.s32 $0xE;
	s28 =	simm.s32 $0x4800  }
0x4: {  	s29 =	simm.s32 $0x1;
	s30 =	simm.s32 $0x180;
	s6 =	smul.u32 $0x4F000, s10  }
0x5: {  	s31 =	simm.s32 $0x2;
	[smem:$0x7FF] =	sst s3;
	s8 =	smul.u32 $0x13C00, s10  }
0x6: {  	s4 =	sadd.s32 $0x3200, s0;
	s2 =	sand.u32 $0x1, s2;
	s10 =	smul.u32 $0xA000, s10  }
0x7: {  	s5 =	sadd.s32 $0x35400, s0;
	s0 =	sadd.s32 $0x49400, s0;
	s18 =	smul.u32 $0x7800, s2  }
0x8: {  	_ =	strace $0x8000004D;
	s7 =	ssub.s32 $0x2, s2;
	s12 =	smul.u32 $0x13C000, s2  }
0x9: {  	p0 =	seq.s32 s2, $0x0;
	s9 =	sshrl.u32 s7, $0x1;
	s6 =	sshrl.u32 s6, $0x2  }
0xa: {  	s11 =	sadd.s32 $0x10000, s8;
	s13 =	simm.s32 @!p0 $0x4;
	s26 =	sadd.s32 $0x4000, s8  }
0xb: {  	s16 =	sadd.s32 $0x8000, s8;
	s7 =	ssub.s32 s7, s9;
	s6 =	sadd.s32 s6, s1  }
0xc: {  	s25 =	sadd.s32 s11, s1;
	s9 =	sadd.s32 s18, s10;
	s19 =	sadd.s32 s12, s11  }
0xd: {  	s20 =	sadd.s32 s12, s8;
	[dreg:$0x3] =	wrdreg s13;
	s14 =	sadd.s32 s12, s26  }
0xe: {  	s17 =	sadd.s32 s12, s16;
	s8 =	sadd.s32 $0xC000, s8;
	s2 =	sshrl.u32 s19, $0x3  }
0xf: {  	s10 =	sshrl.u32 s20, $0x3;
	s22 =	smax.u32 s7, $0x1;
	s23 =	sadd.s32 $0x4000, s6  }
0x10: {  	s24 =	sadd.s32 $0x8000, s6;
	s11 =	sadd.s32 $0xC000, s6;
	s13 =	sshrl.u32 s9, $0x3  }
0x11: {  	s15 =	sshrl.u32 s14, $0x3;
	s18 =	sadd.s32 s12, s8;
	s19 =	sadd.s32 s16, s1  }
0x12: {  	s20 =	simm.s32 $0x800;
	s12 =	simm.s32 $0x500;
	[dreg:$0x6] =	wrdreg s22  }
0x13: {  	s14 =	simm.s32 $0x580;
	s16 =	simm.s32 $0x700;
	[dreg:$0x7] =	wrdreg s23  }
0x14: {  	s2 =	sadd.s32 s0, s2;
	s21 =	sadd.s32 s0, s10;
	[dreg:$0x8] =	wrdreg s24  }
0x15: {  	[dreg:$0x9] =	wrdreg s11;
	s7 =	sadd.s32 s5, s13;
	s22 =	sshrl.u32 s18, $0x3  }
0x16: {  	s23 =	sadd.s32 s8, s1;
	s24 =	sadd.s32 $0x800, s9;
	s9 =	simm.s32 $0x280  }
0x17: {  	s10 =	simm.s32 $0x380;
	s11 =	simm.s32 $0x400;
	[dreg:$0x4] =	wrdreg s2  }
0x18: {  	s13 =	simm.s32 $0x480;
	s18 =	simm.s32 $0x780;
	[dreg:$0x5] =	wrdreg s21  }
0x19: {  	[dreg:$0xa] =	wrdreg s7;
	s7 =	sadd.s32 s0, s15;
	s2 =	sadd.s32 s26, s1  }
0x1a: {  	[dreg:$0xe] =	wrdreg s24;
	s21 =	simm.s32 $0x3;
	s26 =	sshrl.u32 s19, $0x3  }
0x1b: {  	s15 =	simm.s32 $0x600;
	[dreg:$0xb] =	wrdreg s7;
	s7 =	sshrl.u32 s17, $0x3  }
0x1c: {  	s2 =	sshrl.u32 s2, $0x3;
	[dreg:$0x10] =	wrdreg s26;
	s26 =	simm.s32 $0x100  }
0x1d: {  	s17 =	simm.s32 $0x680;
	s7 =	sadd.s32 s0, s7;
	[dreg:$0xf] =	wrdreg s2  }
0x1e: {  	s0 =	sadd.s32 s0, s22;
	s22 =	simm.s32 $0x80;
	[dreg:$0xc] =	wrdreg s7  }
0x1f: {  	s2 =	simm.s32 $0x300;
	[dreg:$0xd] =	wrdreg s0;
	s0 =	sshrl.u32 s23, $0x3  }
0x20: {  	v0 =	vimm.f32 $0.0e+00;
	s23 =	simm.s32 $0x0;
	[dreg:$0x11] =	wrdreg s0;
	s0 =	simm.s32 $0x200  }
.LBB2_1:
0x21: {  	s7 =	simm.s32 $0x0;
	s8 =	simm.s32 $0x200  }
.LBB2_2:
0x22: {  	p0 =	sne.s32 s8, $0xFE00;
	[tilespmem:s7+$0x870] =	vst v0  }
0x23: {  	[tilespmem:s7+$0x800] =	vst v0  }
0x24: {  	[tilespmem:s7+$0x810] =	vst v0  }
.Ltmp0:
0x25: {  	[tilespmem:s7+$0x820] =	vst v0;
	(pc) =	sbr.rel @p0 .LBB2_2-.Ltmp0, $4  }
0x26: {  	[tilespmem:s7+$0x830] =	vst v0  }
0x27: {  	[tilespmem:s7+$0x840] =	vst v0  }
0x28: {  	[tilespmem:s7+$0x850] =	vst v0  }
0x29: {  	[tilespmem:s7+$0x860] =	vst v0;
	s7 =	sshra.s32 s8, $0x2;
	s8 =	sadd.s32 $0x200, s8  }
0x2a: {  	[tilespmem:s7+$0x870] =	vst v0  }
0x2b: {  	[tilespmem:s7+$0x800] =	vst v0  }
0x2c: {  	[tilespmem:s7+$0x810] =	vst v0  }
0x2d: {  	[tilespmem:s7+$0x820] =	vst v0  }
0x2e: {  	[tilespmem:s7+$0x830] =	vst v0  }
0x2f: {  	[tilespmem:s7+$0x840] =	vst v0  }
0x30: {  	[tilespmem:s7+$0x850] =	vst v0  }
0x31: {  	[tilespmem:s7+$0x860] =	vst v0  }
0x32: {  	[spmem:s6] =	stream.linear.scatter [tilespmem:s20], [sflag:$0x3], $0x4000, $0x38;
	[tilespmem:$0x1C400] =	vst v63  }
0x33: {  	_ =	swait.ge [sflag:s21], $0x4000  }
0x34: {  	[sflag:s21] =	ssyncset.done $0x0  }
0x35: {  	s8 =	rddreg [dreg:$0x7];
	[sflag:s21] =	ssyncadd.s32 $0xFFFFC000  }
0x36: {  	[spmem:s8] =	stream.linear.scatter [tilespmem:s20], [sflag:$0x3], $0x4000, $0x38;
	[tilespmem:$0x1C400] =	vst v63  }
0x37: {  	_ =	swait.ge [sflag:s21], $0x4000  }
0x38: {  	[sflag:s21] =	ssyncset.done $0x0  }
0x39: {  	s19 =	rddreg [dreg:$0x8];
	[sflag:s21] =	ssyncadd.s32 $0xFFFFC000  }
0x3a: {  	[spmem:s19] =	stream.linear.scatter [tilespmem:s20], [sflag:$0x3], $0x4000, $0x38;
	[tilespmem:$0x1C400] =	vst v63  }
0x3b: {  	_ =	swait.ge [sflag:s21], $0x4000  }
0x3c: {  	[sflag:s21] =	ssyncset.done $0x0  }
0x3d: {  	s24 =	rddreg [dreg:$0x9];
	[sflag:s21] =	ssyncadd.s32 $0xFFFFC000  }
0x3e: {  	[spmem:s24] =	stream.linear.scatter [tilespmem:s20], [sflag:$0x3], $0x4000, $0x38;
	[tilespmem:$0x1C400] =	vst v63  }
0x3f: {  	_ =	swait.ge [sflag:s21], $0x4000  }
0x40: {  	[sflag:s21] =	ssyncset.done $0x0  }
0x41: {  	[sflag:s21] =	ssyncadd.s32 $0xFFFFC000  }
0x42: {  	[spmem:s25] =	stream.linear.scatter [tilespmem:s20], [sflag:$0x3], $0x3C00, $0x38;
	[tilespmem:$0x1C400] =	vst v63  }
0x43: {  	_ =	swait.ge [sflag:s21], $0x3C00  }
0x44: {  	[sflag:s21] =	ssyncset.done $0x0  }
0x45: {  	[sflag:s21] =	ssyncadd.s32 $0xFFFFC400  }
0x46: {  	[bflag:$0x0] =	sbarrier.arrive $0xFFFF  }
0x47: {  	s8 =	rddreg [dreg:$0xa]  }
0x48: {  	[tilespmem:s3], [sflag:$0x3] =	stream.linear.gather [hbm4b:s8+s3], $0x800, $0x38;
	[tilespmem:$0x1C400] =	vst v63  }
0x49: {  	_ =	swait.ge [sflag:s21], $0x800  }
0x4a: {  	[sflag:s21] =	ssyncset.done $0x0  }
0x4b: {  	[sflag:s21] =	ssyncadd.s32 $0xFFFFF800  }
0x4c: {  	[tilespmem:s20], [sflag:$0x1] =	stream.indirect.gather [hbm4b:s4+s22], $0x80, s3, s22, $0xb8;
	[tilespmem:$0x1C400] =	vst v63  }
0x4d: {  	_ = 	snop  }
0x4e: {  	[tilespmem:s28], [sflag:$0x1] =	stream.indirect.gather [hbm4b:s4+s22], $0x80, s26, s22, $0xb8;
	[tilespmem:$0x1C400] =	vst v63  }
0x4f: {  	_ =	swait.ge [sflag:s29], $0x8000  }
0x50: {  	[sflag:s29] =	ssyncset.done $0x0  }
0x51: {  	[sflag:s29] =	ssyncadd.s32 $0xFFFF8000  }
0x52: {  	[spmem:s1] =	stream.indirect.scatter.add.f32 [tilespmem:s20], [sflag:$0x2], $0x80, s22, s22, $0xb8;
	[tilespmem:$0x1C400] =	vst v63  }
0x53: {  	_ = 	snop  }
0x54: {  	[spmem:s1] =	stream.indirect.scatter.add.f32 [tilespmem:s28], [sflag:$0x2], $0x80, s30, s22, $0xb8;
	[tilespmem:$0x1C400] =	vst v63  }
0x55: {  	_ =	swait.ge [sflag:s31], $0x8000  }
0x56: {  	[sflag:s31] =	ssyncset.done $0x0  }
0x57: {  	[sflag:s31] =	ssyncadd.s32 $0xFFFF8000  }
0x58: {  	[tilespmem:s20], [sflag:$0x1] =	stream.indirect.gather [hbm4b:s4+s22], $0x80, s0, s22, $0xb8;
	[tilespmem:$0x1C400] =	vst v63  }
0x59: {  	_ = 	snop  }
0x5a: {  	[tilespmem:s28], [sflag:$0x1] =	stream.indirect.gather [hbm4b:s4+s22], $0x80, s2, s22, $0xb8;
	[tilespmem:$0x1C400] =	vst v63  }
0x5b: {  	_ =	swait.ge [sflag:s29], $0x8000  }
0x5c: {  	[sflag:s29] =	ssyncset.done $0x0  }
0x5d: {  	[sflag:s29] =	ssyncadd.s32 $0xFFFF8000  }
0x5e: {  	[spmem:s1] =	stream.indirect.scatter.add.f32 [tilespmem:s20], [sflag:$0x2], $0x80, s9, s22, $0xb8;
	[tilespmem:$0x1C400] =	vst v63  }
0x5f: {  	_ = 	snop  }
0x60: {  	[spmem:s1] =	stream.indirect.scatter.add.f32 [tilespmem:s28], [sflag:$0x2], $0x80, s10, s22, $0xb8;
	[tilespmem:$0x1C400] =	vst v63  }
0x61: {  	_ =	swait.ge [sflag:s31], $0x8000  }
0x62: {  	[sflag:s31] =	ssyncset.done $0x0  }
0x63: {  	[sflag:s31] =	ssyncadd.s32 $0xFFFF8000  }
0x64: {  	[tilespmem:s20], [sflag:$0x1] =	stream.indirect.gather [hbm4b:s4+s22], $0x80, s11, s22, $0xb8;
	[tilespmem:$0x1C400] =	vst v63  }
0x65: {  	_ = 	snop  }
0x66: {  	[tilespmem:s28], [sflag:$0x1] =	stream.indirect.gather [hbm4b:s4+s22], $0x80, s12, s22, $0xb8;
	[tilespmem:$0x1C400] =	vst v63  }
0x67: {  	_ =	swait.ge [sflag:s29], $0x8000  }
0x68: {  	[sflag:s29] =	ssyncset.done $0x0  }
0x69: {  	[sflag:s29] =	ssyncadd.s32 $0xFFFF8000  }
0x6a: {  	[spmem:s1] =	stream.indirect.scatter.add.f32 [tilespmem:s20], [sflag:$0x2], $0x80, s13, s22, $0xb8;
	[tilespmem:$0x1C400] =	vst v63  }
0x6b: {  	_ = 	snop  }
0x6c: {  	[spmem:s1] =	stream.indirect.scatter.add.f32 [tilespmem:s28], [sflag:$0x2], $0x80, s14, s22, $0xb8;
	[tilespmem:$0x1C400] =	vst v63  }
0x6d: {  	_ =	swait.ge [sflag:s31], $0x8000  }
0x6e: {  	[sflag:s31] =	ssyncset.done $0x0  }
0x6f: {  	[sflag:s31] =	ssyncadd.s32 $0xFFFF8000  }
0x70: {  	[tilespmem:s20], [sflag:$0x1] =	stream.indirect.gather [hbm4b:s4+s22], $0x80, s15, s22, $0xb8;
	[tilespmem:$0x1C400] =	vst v63  }
0x71: {  	_ = 	snop  }
0x72: {  	[tilespmem:s28], [sflag:$0x1] =	stream.indirect.gather [hbm4b:s4+s22], $0x80, s16, s22, $0xb8;
	[tilespmem:$0x1C400] =	vst v63  }
0x73: {  	_ =	swait.ge [sflag:s29], $0x8000  }
0x74: {  	s19 =	rddreg [dreg:$0x3]  }
0x75: {  	p1 =	sne.s32 s19, $0x1  }
.Ltmp1:
0x76: {  	[sflag:s29] =	ssyncset.done $0x0;
	(pc) =	sbr.rel @!p1 .LBB2_8-.Ltmp1, $4  }
0x77: {  	p0 =	por $0x0, $0x0;
	s8 =	rddreg [dreg:$0xe];
	[sflag:s29] =	ssyncadd.s32 $0xFFFF8000  }
0x78: {  	[spmem:s1] =	stream.indirect.scatter.add.f32 [tilespmem:s20], [sflag:$0x2], $0x80, s17, s22, $0xb8;
	[tilespmem:$0x1C400] =	vst v63  }
0x79: {  	s24 =	sshrl.u32 s8, $0x3;
	s7 =	sadd.s32 $0xFFFFFFFF, s19;
	s8 =	sadd.s32 $0x800, s8  }
0x7a: {  	[spmem:s1] =	stream.indirect.scatter.add.f32 [tilespmem:s28], [sflag:$0x2], $0x80, s18, s22, $0xb8;
	[tilespmem:$0x1C400] =	vst v63  }
0x7b: {  	s24 =	sadd.s32 s5, s24  }
0x7c: {  	[tilespmem:s3], [sflag:$0x3] =	stream.linear.gather [hbm4b:s24+s3], $0x800, $0x38;
	[tilespmem:$0x1C400] =	vst v63  }
0x7d: {  	_ =	swait.ge [sflag:s21], $0x800  }
0x7e: {  	[sflag:s21] =	ssyncset.done $0x0  }
0x7f: {  	[sflag:s21] =	ssyncadd.s32 $0xFFFFF800  }
0x80: {  	_ =	swait.ge [sflag:s31], $0x8000  }
0x81: {  	[sflag:s31] =	ssyncset.done $0x0  }
0x82: {  	[sflag:s31] =	ssyncadd.s32 $0xFFFF8000  }
0x83: {  	[tilespmem:s20], [sflag:$0x1] =	stream.indirect.gather [hbm4b:s4+s22], $0x80, s3, s22, $0xb8;
	[tilespmem:$0x1C400] =	vst v63  }
0x84: {  	_ = 	snop  }
0x85: {  	[tilespmem:s28], [sflag:$0x1] =	stream.indirect.gather [hbm4b:s4+s22], $0x80, s26, s22, $0xb8;
	[tilespmem:$0x1C400] =	vst v63  }
0x86: {  	_ =	swait.ge [sflag:s29], $0x8000  }
0x87: {  	[sflag:s29] =	ssyncset.done $0x0  }
0x88: {  	[sflag:s29] =	ssyncadd.s32 $0xFFFF8000  }
0x89: {  	[spmem:s1] =	stream.indirect.scatter.add.f32 [tilespmem:s20], [sflag:$0x2], $0x80, s22, s22, $0xb8;
	[tilespmem:$0x1C400] =	vst v63  }
0x8a: {  	_ = 	snop  }
0x8b: {  	[spmem:s1] =	stream.indirect.scatter.add.f32 [tilespmem:s28], [sflag:$0x2], $0x80, s30, s22, $0xb8;
	[tilespmem:$0x1C400] =	vst v63  }
0x8c: {  	_ =	swait.ge [sflag:s31], $0x8000  }
0x8d: {  	[sflag:s31] =	ssyncset.done $0x0  }
0x8e: {  	[sflag:s31] =	ssyncadd.s32 $0xFFFF8000  }
0x8f: {  	[tilespmem:s20], [sflag:$0x1] =	stream.indirect.gather [hbm4b:s4+s22], $0x80, s0, s22, $0xb8;
	[tilespmem:$0x1C400] =	vst v63  }
0x90: {  	_ = 	snop  }
0x91: {  	[tilespmem:s28], [sflag:$0x1] =	stream.indirect.gather [hbm4b:s4+s22], $0x80, s2, s22, $0xb8;
	[tilespmem:$0x1C400] =	vst v63  }
0x92: {  	_ =	swait.ge [sflag:s29], $0x8000  }
0x93: {  	[sflag:s29] =	ssyncset.done $0x0  }
0x94: {  	[sflag:s29] =	ssyncadd.s32 $0xFFFF8000  }
0x95: {  	[spmem:s1] =	stream.indirect.scatter.add.f32 [tilespmem:s20], [sflag:$0x2], $0x80, s9, s22, $0xb8;
	[tilespmem:$0x1C400] =	vst v63  }
0x96: {  	_ = 	snop  }
0x97: {  	[spmem:s1] =	stream.indirect.scatter.add.f32 [tilespmem:s28], [sflag:$0x2], $0x80, s10, s22, $0xb8;
	[tilespmem:$0x1C400] =	vst v63  }
0x98: {  	_ =	swait.ge [sflag:s31], $0x8000  }
0x99: {  	[sflag:s31] =	ssyncset.done $0x0  }
0x9a: {  	[sflag:s31] =	ssyncadd.s32 $0xFFFF8000  }
0x9b: {  	[tilespmem:s20], [sflag:$0x1] =	stream.indirect.gather [hbm4b:s4+s22], $0x80, s11, s22, $0xb8;
	[tilespmem:$0x1C400] =	vst v63  }
0x9c: {  	_ = 	snop  }
0x9d: {  	[tilespmem:s28], [sflag:$0x1] =	stream.indirect.gather [hbm4b:s4+s22], $0x80, s12, s22, $0xb8;
	[tilespmem:$0x1C400] =	vst v63  }
0x9e: {  	_ =	swait.ge [sflag:s29], $0x8000  }
0x9f: {  	[sflag:s29] =	ssyncset.done $0x0  }
0xa0: {  	[sflag:s29] =	ssyncadd.s32 $0xFFFF8000  }
0xa1: {  	[spmem:s1] =	stream.indirect.scatter.add.f32 [tilespmem:s20], [sflag:$0x2], $0x80, s13, s22, $0xb8;
	[tilespmem:$0x1C400] =	vst v63  }
0xa2: {  	_ = 	snop  }
0xa3: {  	[spmem:s1] =	stream.indirect.scatter.add.f32 [tilespmem:s28], [sflag:$0x2], $0x80, s14, s22, $0xb8;
	[tilespmem:$0x1C400] =	vst v63  }
0xa4: {  	_ =	swait.ge [sflag:s31], $0x8000  }
0xa5: {  	[sflag:s31] =	ssyncset.done $0x0  }
0xa6: {  	[sflag:s31] =	ssyncadd.s32 $0xFFFF8000  }
0xa7: {  	[tilespmem:s20], [sflag:$0x1] =	stream.indirect.gather [hbm4b:s4+s22], $0x80, s15, s22, $0xb8;
	[tilespmem:$0x1C400] =	vst v63  }
0xa8: {  	p1 =	sne.s32 s7, $0x1  }
0xa9: {  	[tilespmem:s28], [sflag:$0x1] =	stream.indirect.gather [hbm4b:s4+s22], $0x80, s16, s22, $0xb8;
	[tilespmem:$0x1C400] =	vst v63  }
.Ltmp2:
0xaa: {  	_ = 	snop;
	(pc) =	sbr.rel @!p1 .LBB2_5-.Ltmp2, $4  }
0xab: {  	s19 =	smov.u32 s6;
	s6 =	smov.u32 s25;
	_ =	swait.ge [sflag:s29], $0x8000  }
0xac: {  	s25 =	sadd.s32 $0xFFFFFFFF, s7;
	s7 =	sadd.s32 $0x800, s8;
	[sflag:s29] =	ssyncset.done $0x0  }
0xad: {  	p0 =	por $0x1, $0x1;
	s24 =	sshrl.u32 s8, $0x3;
	[sflag:s29] =	ssyncadd.s32 $0xFFFF8000  }
0xae: {  	[spmem:s1] =	stream.indirect.scatter.add.f32 [tilespmem:s20], [sflag:$0x2], $0x80, s17, s22, $0xb8;
	[tilespmem:$0x1C400] =	vst v63  }
.LBB2_6:
0xaf: {  	[spmem:s1] =	stream.indirect.scatter.add.f32 [tilespmem:s28], [sflag:$0x2], $0x80, s18, s22, $0xb8;
	[tilespmem:$0x1C400] =	vst v63  }
0xb0: {  	p1 =	sne.s32 s25, $0x1;
	s8 =	sadd.s32 s5, s24;
	s24 =	sshrl.u32 s7, $0x3  }
0xb1: {  	[tilespmem:s3], [sflag:$0x3] =	stream.linear.gather [hbm4b:s8+s3], $0x800, $0x38;
	[tilespmem:$0x1C400] =	vst v63  }
0xb2: {  	s25 =	sadd.s32 $0xFFFFFFFF, s25;
	_ =	swait.ge [sflag:s21], $0x800  }
0xb3: {  	[sflag:s21] =	ssyncset.done $0x0  }
0xb4: {  	[sflag:s21] =	ssyncadd.s32 $0xFFFFF800  }
0xb5: {  	_ =	swait.ge [sflag:s31], $0x8000  }
0xb6: {  	[sflag:s31] =	ssyncset.done $0x0  }
0xb7: {  	[sflag:s31] =	ssyncadd.s32 $0xFFFF8000  }
0xb8: {  	[tilespmem:s20], [sflag:$0x1] =	stream.indirect.gather [hbm4b:s4+s22], $0x80, s3, s22, $0xb8;
	[tilespmem:$0x1C400] =	vst v63  }
0xb9: {  	_ = 	snop  }
0xba: {  	[tilespmem:s28], [sflag:$0x1] =	stream.indirect.gather [hbm4b:s4+s22], $0x80, s26, s22, $0xb8;
	[tilespmem:$0x1C400] =	vst v63  }
0xbb: {  	_ =	swait.ge [sflag:s29], $0x8000  }
0xbc: {  	[sflag:s29] =	ssyncset.done $0x0  }
0xbd: {  	[sflag:s29] =	ssyncadd.s32 $0xFFFF8000  }
0xbe: {  	[spmem:s1] =	stream.indirect.scatter.add.f32 [tilespmem:s20], [sflag:$0x2], $0x80, s22, s22, $0xb8;
	[tilespmem:$0x1C400] =	vst v63  }
0xbf: {  	_ = 	snop  }
0xc0: {  	[spmem:s1] =	stream.indirect.scatter.add.f32 [tilespmem:s28], [sflag:$0x2], $0x80, s30, s22, $0xb8;
	[tilespmem:$0x1C400] =	vst v63  }
0xc1: {  	_ =	swait.ge [sflag:s31], $0x8000  }
0xc2: {  	[sflag:s31] =	ssyncset.done $0x0  }
0xc3: {  	[sflag:s31] =	ssyncadd.s32 $0xFFFF8000  }
0xc4: {  	[tilespmem:s20], [sflag:$0x1] =	stream.indirect.gather [hbm4b:s4+s22], $0x80, s0, s22, $0xb8;
	[tilespmem:$0x1C400] =	vst v63  }
0xc5: {  	_ = 	snop  }
0xc6: {  	[tilespmem:s28], [sflag:$0x1] =	stream.indirect.gather [hbm4b:s4+s22], $0x80, s2, s22, $0xb8;
	[tilespmem:$0x1C400] =	vst v63  }
0xc7: {  	_ =	swait.ge [sflag:s29], $0x8000  }
0xc8: {  	[sflag:s29] =	ssyncset.done $0x0  }
0xc9: {  	[sflag:s29] =	ssyncadd.s32 $0xFFFF8000  }
0xca: {  	[spmem:s1] =	stream.indirect.scatter.add.f32 [tilespmem:s20], [sflag:$0x2], $0x80, s9, s22, $0xb8;
	[tilespmem:$0x1C400] =	vst v63  }
0xcb: {  	_ = 	snop  }
0xcc: {  	[spmem:s1] =	stream.indirect.scatter.add.f32 [tilespmem:s28], [sflag:$0x2], $0x80, s10, s22, $0xb8;
	[tilespmem:$0x1C400] =	vst v63  }
0xcd: {  	_ =	swait.ge [sflag:s31], $0x8000  }
0xce: {  	[sflag:s31] =	ssyncset.done $0x0  }
0xcf: {  	[sflag:s31] =	ssyncadd.s32 $0xFFFF8000  }
0xd0: {  	[tilespmem:s20], [sflag:$0x1] =	stream.indirect.gather [hbm4b:s4+s22], $0x80, s11, s22, $0xb8;
	[tilespmem:$0x1C400] =	vst v63  }
0xd1: {  	_ = 	snop  }
0xd2: {  	[tilespmem:s28], [sflag:$0x1] =	stream.indirect.gather [hbm4b:s4+s22], $0x80, s12, s22, $0xb8;
	[tilespmem:$0x1C400] =	vst v63  }
0xd3: {  	_ =	swait.ge [sflag:s29], $0x8000  }
0xd4: {  	[sflag:s29] =	ssyncset.done $0x0  }
0xd5: {  	[sflag:s29] =	ssyncadd.s32 $0xFFFF8000  }
0xd6: {  	[spmem:s1] =	stream.indirect.scatter.add.f32 [tilespmem:s20], [sflag:$0x2], $0x80, s13, s22, $0xb8;
	[tilespmem:$0x1C400] =	vst v63  }
0xd7: {  	_ = 	snop  }
0xd8: {  	[spmem:s1] =	stream.indirect.scatter.add.f32 [tilespmem:s28], [sflag:$0x2], $0x80, s14, s22, $0xb8;
	[tilespmem:$0x1C400] =	vst v63  }
0xd9: {  	_ =	swait.ge [sflag:s31], $0x8000  }
0xda: {  	[sflag:s31] =	ssyncset.done $0x0  }
0xdb: {  	[sflag:s31] =	ssyncadd.s32 $0xFFFF8000  }
0xdc: {  	[tilespmem:s20], [sflag:$0x1] =	stream.indirect.gather [hbm4b:s4+s22], $0x80, s15, s22, $0xb8;
	[tilespmem:$0x1C400] =	vst v63  }
0xdd: {  	_ = 	snop  }
0xde: {  	[tilespmem:s28], [sflag:$0x1] =	stream.indirect.gather [hbm4b:s4+s22], $0x80, s16, s22, $0xb8;
	[tilespmem:$0x1C400] =	vst v63  }
.Ltmp3:
0xdf: {  	_ =	swait.ge [sflag:s29], $0x8000;
	(pc) =	sbr.rel @p1 .LBB2_6-.Ltmp3, $4  }
0xe0: {  	[sflag:s29] =	ssyncset.done $0x0  }
0xe1: {  	[sflag:s29] =	ssyncadd.s32 $0xFFFF8000  }
0xe2: {  	[spmem:s1] =	stream.indirect.scatter.add.f32 [tilespmem:s20], [sflag:$0x2], $0x80, s17, s22, $0xb8;
	[tilespmem:$0x1C400] =	vst v63  }
0xe3: {  	s7 =	sadd.s32 $0x800, s7  }
0xe4: {  	s25 =	smov.u32 s6;
	s6 =	smov.u32 s19  }
.LBB2_8:
0xe5: {  	[spmem:s1] =	stream.indirect.scatter.add.f32 @p0 [tilespmem:s28], [sflag:$0x2], $0x80, s18, s22, $0xb8;
	[tilespmem:$0x1C400] =	vst v63  }
0xe6: {  	s7 =	sadd.s32 s5, s24  }
0xe7: {  	[tilespmem:s3], [sflag:$0x3] =	stream.linear.gather [hbm4b:s7+s3], $0x800, $0x38;
	[tilespmem:$0x1C400] =	vst v63  }
0xe8: {  	_ =	swait.ge [sflag:s21], $0x800  }
0xe9: {  	[sflag:s21] =	ssyncset.done $0x0  }
0xea: {  	[sflag:s21] =	ssyncadd.s32 $0xFFFFF800  }
0xeb: {  	_ =	swait.ge [sflag:s31], $0x8000  }
0xec: {  	[sflag:s31] =	ssyncset.done $0x0  }
0xed: {  	[sflag:s31] =	ssyncadd.s32 $0xFFFF8000  }
0xee: {  	[tilespmem:s20], [sflag:$0x1] =	stream.indirect.gather [hbm4b:s4+s22], $0x80, s3, s22, $0xb8;
	[tilespmem:$0x1C400] =	vst v63  }
0xef: {  	_ = 	snop  }
0xf0: {  	[tilespmem:s28], [sflag:$0x1] =	stream.indirect.gather [hbm4b:s4+s22], $0x80, s26, s22, $0xb8;
	[tilespmem:$0x1C400] =	vst v63  }
0xf1: {  	_ =	swait.ge [sflag:s29], $0x8000  }
0xf2: {  	[sflag:s29] =	ssyncset.done $0x0  }
0xf3: {  	[sflag:s29] =	ssyncadd.s32 $0xFFFF8000  }
0xf4: {  	[spmem:s1] =	stream.indirect.scatter.add.f32 [tilespmem:s20], [sflag:$0x2], $0x80, s22, s22, $0xb8;
	[tilespmem:$0x1C400] =	vst v63  }
0xf5: {  	_ = 	snop  }
0xf6: {  	[spmem:s1] =	stream.indirect.scatter.add.f32 [tilespmem:s28], [sflag:$0x2], $0x80, s30, s22, $0xb8;
	[tilespmem:$0x1C400] =	vst v63  }
0xf7: {  	_ =	swait.ge [sflag:s31], $0x8000  }
0xf8: {  	[sflag:s31] =	ssyncset.done $0x0  }
0xf9: {  	[sflag:s31] =	ssyncadd.s32 $0xFFFF8000  }
0xfa: {  	[tilespmem:s20], [sflag:$0x1] =	stream.indirect.gather [hbm4b:s4+s22], $0x80, s0, s22, $0xb8;
	[tilespmem:$0x1C400] =	vst v63  }
0xfb: {  	_ = 	snop  }
0xfc: {  	[tilespmem:s28], [sflag:$0x1] =	stream.indirect.gather [hbm4b:s4+s22], $0x80, s2, s22, $0xb8;
	[tilespmem:$0x1C400] =	vst v63  }
0xfd: {  	_ =	swait.ge [sflag:s29], $0x8000  }
0xfe: {  	[sflag:s29] =	ssyncset.done $0x0  }
0xff: {  	[sflag:s29] =	ssyncadd.s32 $0xFFFF8000  }
0x100: {  	[spmem:s1] =	stream.indirect.scatter.add.f32 [tilespmem:s20], [sflag:$0x2], $0x80, s9, s22, $0xb8;
	[tilespmem:$0x1C400] =	vst v63  }
0x101: {  	_ = 	snop  }
0x102: {  	[spmem:s1] =	stream.indirect.scatter.add.f32 [tilespmem:s28], [sflag:$0x2], $0x80, s10, s22, $0xb8;
	[tilespmem:$0x1C400] =	vst v63  }
0x103: {  	_ =	swait.ge [sflag:s31], $0x8000  }
0x104: {  	[sflag:s31] =	ssyncset.done $0x0  }
0x105: {  	[sflag:s31] =	ssyncadd.s32 $0xFFFF8000  }
0x106: {  	[tilespmem:s20], [sflag:$0x1] =	stream.indirect.gather [hbm4b:s4+s22], $0x80, s11, s22, $0xb8;
	[tilespmem:$0x1C400] =	vst v63  }
0x107: {  	_ = 	snop  }
0x108: {  	[tilespmem:s28], [sflag:$0x1] =	stream.indirect.gather [hbm4b:s4+s22], $0x80, s12, s22, $0xb8;
	[tilespmem:$0x1C400] =	vst v63  }
0x109: {  	_ =	swait.ge [sflag:s29], $0x8000  }
0x10a: {  	[sflag:s29] =	ssyncset.done $0x0  }
0x10b: {  	[sflag:s29] =	ssyncadd.s32 $0xFFFF8000  }
0x10c: {  	[spmem:s1] =	stream.indirect.scatter.add.f32 [tilespmem:s20], [sflag:$0x2], $0x80, s13, s22, $0xb8;
	[tilespmem:$0x1C400] =	vst v63  }
0x10d: {  	_ = 	snop  }
0x10e: {  	[spmem:s1] =	stream.indirect.scatter.add.f32 [tilespmem:s28], [sflag:$0x2], $0x80, s14, s22, $0xb8;
	[tilespmem:$0x1C400] =	vst v63  }
0x10f: {  	_ =	swait.ge [sflag:s31], $0x8000  }
0x110: {  	[sflag:s31] =	ssyncset.done $0x0  }
0x111: {  	[sflag:s31] =	ssyncadd.s32 $0xFFFF8000  }
0x112: {  	[tilespmem:s20], [sflag:$0x1] =	stream.indirect.gather [hbm4b:s4+s22], $0x80, s15, s22, $0xb8;
	[tilespmem:$0x1C400] =	vst v63  }
0x113: {  	_ = 	snop  }
0x114: {  	[tilespmem:s28], [sflag:$0x1] =	stream.indirect.gather [hbm4b:s4+s22], $0x80, s16, s22, $0xb8;
	[tilespmem:$0x1C400] =	vst v63  }
0x115: {  	_ =	swait.ge [sflag:s29], $0x8000  }
0x116: {  	[sflag:s29] =	ssyncset.done $0x0  }
0x117: {  	[sflag:s29] =	ssyncadd.s32 $0xFFFF8000  }
0x118: {  	[spmem:s1] =	stream.indirect.scatter.add.f32 [tilespmem:s20], [sflag:$0x2], $0x80, s17, s22, $0xb8;
	[tilespmem:$0x1C400] =	vst v63  }
0x119: {  	_ = 	snop  }
0x11a: {  	[spmem:s1] =	stream.indirect.scatter.add.f32 [tilespmem:s28], [sflag:$0x2], $0x80, s18, s22, $0xb8;
	[tilespmem:$0x1C400] =	vst v63  }
0x11b: {  	_ =	swait.ge [sflag:s31], $0x8000  }
0x11c: {  	[sflag:s31] =	ssyncset.done $0x0  }
0x11d: {  	s8 =	stileid.u32;
	[sflag:s31] =	ssyncadd.s32 $0xFFFF8000  }
0x11e: {  	s7 =	sshll.u32 s8, $0x6;
	[bflag:$0x0] =	sbarrier.arrive $0xFFFF  }
0x11f: {  	s8 =	sshrl.u32 s6, $0x3;
	s7 =	sor.u32 $0x1C03, s7;
	s19 =	rddreg [dreg:$0x5]  }
0x120: {  	[hbm:s19], [sflag:s7] =	dma.local [spmem:s8], $0x800  }
0x121: {  	_ =	swait.ge [sflag:s21], $0x800  }
0x122: {  	[sflag:s21] =	ssyncset.done $0x0;
	s19 =	rddreg [dreg:$0xb]  }
0x123: {  	s24 =	rddreg [dreg:$0xf];
	[sflag:s21] =	ssyncadd.s32 $0xFFFFF800  }
0x124: {  	[hbm:s19], [sflag:s7] =	dma.local [spmem:s24], $0x800  }
0x125: {  	_ =	swait.ge [sflag:s21], $0x800  }
0x126: {  	[sflag:s21] =	ssyncset.done $0x0;
	s19 =	rddreg [dreg:$0xc]  }
0x127: {  	s24 =	rddreg [dreg:$0x10];
	[sflag:s21] =	ssyncadd.s32 $0xFFFFF800  }
0x128: {  	[hbm:s19], [sflag:s7] =	dma.local [spmem:s24], $0x800  }
0x129: {  	_ =	swait.ge [sflag:s21], $0x800  }
0x12a: {  	[sflag:s21] =	ssyncset.done $0x0;
	s19 =	rddreg [dreg:$0xd]  }
0x12b: {  	s24 =	rddreg [dreg:$0x11];
	[sflag:s21] =	ssyncadd.s32 $0xFFFFF800  }
0x12c: {  	[hbm:s19], [sflag:s7] =	dma.local [spmem:s24], $0x800  }
0x12d: {  	_ =	swait.ge [sflag:s21], $0x800  }
0x12e: {  	[sflag:s21] =	ssyncset.done $0x0  }
0x12f: {  	s19 =	sshrl.u32 s25, $0x3;
	s24 =	rddreg [dreg:$0x4];
	[sflag:s21] =	ssyncadd.s32 $0xFFFFF800  }
0x130: {  	[hbm:s24], [sflag:s7] =	dma.local [spmem:s19], $0x780  }
0x131: {  	_ =	swait.ge [sflag:s21], $0x780  }
0x132: {  	s23 =	sadd.s32 $0x1, s23;
	s24 =	rddreg [dreg:$0x6]  }
0x133: {  	p0 =	sne.s32 s23, s24  }
.Ltmp4:
0x134: {  	_ = 	snop;
	(pc) =	sbr.rel @p0 .LBB2_1-.Ltmp4, $4  }
.Ltmp5:
0x135: {  	_ = 	snop;
	(pc) =	sbr.rel @!p0 .LBB2_9-.Ltmp5, $4  }
0x136: {  	_ = 	snop  }
0x137: {  	[sflag:s21] =	ssyncset.done $0x0  }
0x138: {  	[sflag:s21] =	ssyncadd.s32 $0xFFFFF880  }
0x139: {  	_ = 	snop  }
.LBB2_5:
.Ltmp6:
0x13a: {  	(pc) =	sbr.rel .LBB2_8-.Ltmp6, $2  }
0x13b: {  	_ =	sdelay $0x2  }
0x13c: {  	s25 =	smov.u32 s6;
	s6 =	smov.u32 s19  }
.LBB2_9:
0x13d: {  	_ =	sfence.sel $0x180000  }
0x13e: {  	[bflag:$0x0] =	sbarrier.arrive $0xFFFF  }
0x13f: {  	_ =	strace $0x9000004D  }
0x140: {  	s0 =	stileid.u32;
	[bflag:$0x2] =	sbarrier.arrive $0xFFFF  }
0x141: {  	p0 =	sne.s32 s0, $0x0;
	s0 =	rddreg [dreg:$0x2]  }
0x142: {  	s0 =	sadd.s32 @!p0 $0x100000, s0  }
0x143: {  	[sflag:s0] =	ssyncadd.tile.s32 @!p0 $0x1;
	_ =	shalt  }
.Lfunc_end2:
_tile_overlayer_lowered:
.L_overlay_start_2:
0x144: {  	(tag) =	ssettag $0x2  }
0x145: {  	s0 =	rddreg [dreg:$0x0];
	s2 =	stileid.u32  }
0x146: {  	s1 =	rddreg [dreg:$0x1];
	p0 =	sne.s32 s2, $0x0  }
0x147: {  	s3 =	rddreg [dreg:$0x2];
	[bflag:$0x3] =	sbarrier.arrive $0xFFFF;
	s2 =	simm.s32 @!p0 $0x1C03  }
0x148: {  	[timem:s3], [sflag:s2] =	dma.local @!p0 [hbm:s0], s1  }
0x149: {  	s0 =	simm.s32 @!p0 $0x3  }
0x14a: {  	_ =	swait.ge @!p0 [sflag:s0], s1  }
0x14b: {  	s1 =	ssub.s32 @!p0 $0x0, s1;
	[sflag:s0] =	ssyncset.done @!p0 $0x0  }
0x14c: {  	[sflag:s0] =	ssyncadd.s32 @!p0 s1  }
0x14d: {  	[bflag:$0x3] =	sbarrier.arrive $0xFFFF  }
0x14e: {  	_ =	shalt  }

// kernel: kernel.19.cloned.1.call-start
scs
__scs_entry_jumppad:
0x0: {  	(pc) =	sbr.rel $0x88, $3  }
0x1: {  	(tag) =	ssettag $0x0;
	lr =	simm.s32 $0x1  }
0x2: {  	[smem:$0x3F98] =	sst lr;
	_ =	strace $0xD0000000  }
0x3: {  	_ = 	snop  }
0x4: {  	_ = 	snop  }
0x5: {  	_ = 	snop  }
0x6: {  	_ = 	snop  }
0x7: {  	_ = 	snop  }
__scs_overlays_trampoline_lowered:
0x8: {  	[smem:$0x3FA7] =	sst s0  }
0x9: {  	[smem:$0x3FA8] =	sst s1  }
0xa: {  	[smem:$0x3FA9] =	sst s2  }
0xb: {  	[smem:$0x3FAA] =	sst s3  }
0xc: {  	[smem:$0x3FAB] =	sst s4  }
0xd: {  	[smem:$0x3FAC] =	sst s5  }
0xe: {  	[smem:$0x3FAD] =	sst s6  }
0xf: {  	[smem:$0x3FAE] =	sst s7  }
0x10: {  	[smem:$0x3FAF] =	sst s8  }
0x11: {  	[smem:$0x3FB0] =	sst s9;
	s0 =	simm.s32 @!p0 $0x0  }
0x12: {  	s1 =	sld [smem:$0x3F96];
	s0 =	simm.s32 @p0 $0x1  }
0x13: {  	[smem:$0x3FB1] =	sst s0;
	s0 =	simm.s32 @!p1 $0x0  }
0x14: {  	s2 =	sld [smem:$0x3F95];
	s0 =	simm.s32 @p1 $0x1  }
0x15: {  	[smem:$0x3FB2] =	sst s0;
	s0 =	simm.s32 @!p2 $0x0  }
0x16: {  	s3 =	sld [smem:$0x3FDB];
	s0 =	simm.s32 @p2 $0x1  }
0x17: {  	s4 =	simm.s32 $0x1BF5;
	[smem:$0x3FB4] =	sst s0  }
0x18: {  	s0 =	sld [smem:$0x3F97];
	_ =	swait.ge [sflag:s4], $0x0  }
0x19: {  	s7 =	sld [smem:$0x3F98]  }
0x1a: {  	s8 =	sadd.s32 $0xFFFFE003, lr  }
0x1b: {  	s9 =	sadd.s32 $0xFFFFFEF7, lr;
	s5 =	simm.s32 $0xFFFFFFFF;
	p2 =	slt.u32 s8, $0xFFFFF086  }
0x1c: {  	p1 =	slt.u32 s9, $0xF7A;
	s5 =	simm.s32 @!p2 $0x0  }
0x1d: {  	s5 =	simm.s32 @p1 $0x1;
	p0 =	seq.s32 s7, s2  }
0x1e: {  	s7 =	smul.u32 @!p0 $0xF7A, s2;
	p2 =	seq.s32 @!p0 s5, $0x0  }
0x1f: {  	s9 =	smul.u32 $0xF7A, s1;
	s8 =	simm.s32 @!p0 $0x1BF5;
	p2 =	por !p2, p0  }
0x20: {  	[sflag:s8] =	ssyncset.s32 @!p0 $0xFFFFF086;
	s6 =	sadd.s32 @!p0 s3, s7;
	s7 =	simm.s32 @!p0 $0x108  }
0x21: {  	s3 =	sadd.s32 s3, s9;
	s6 =	sadd.s32 @!p0 $0x88, s6;
	s7 =	simm.s32 @p2 $0x1082  }
0x22: {  	[simem:s7], [sflag:s8] =	dma.local @!p0 [hbm:s6], $0xF7A  }
0x23: {  	s9 =	sor.u32 $0xD0000000, s2;
	s6 =	simm.s32 $0x108;
	_ =	swait.ge @!p0 [sflag:s8], $0x0  }
0x24: {  	s3 =	sadd.s32 $0x88, s3;
	s6 =	simm.s32 @!p1 $0x1082;
	[sflag:s4] =	ssyncset.s32 $0xFFFFF086  }
0x25: {  	[simem:s6], [sflag:s4] =	dma.local [hbm:s3], $0xF7A  }
0x26: {  	[smem:$0x3F98] =	sst s1;
	(tag) =	ssettag s2;
	_ =	strace s9  }
0x27: {  	s1 =	sld [smem:$0x3FA8]  }
0x28: {  	s2 =	sld [smem:$0x3FA9]  }
0x29: {  	s4 =	sld [smem:$0x3FAB]  }
0x2a: {  	p0 =	seq.s32 s5, $0x0;
	s5 =	sld [smem:$0x3FAC]  }
0x2b: {  	s6 =	sld [smem:$0x3FAD]  }
0x2c: {  	s7 =	sld [smem:$0x3FAE]  }
0x2d: {  	s3 =	simm.s32 $0x108;
	s8 =	sld [smem:$0x3FAF]  }
0x2e: {  	s3 =	simm.s32 @!p0 $0x1082;
	s9 =	sld [smem:$0x3FB0]  }
0x2f: {  	lr =	sadd.s32 s0, s3;
	s0 =	sld [smem:$0x3FA7]  }
0x30: {  	s3 =	sld [smem:$0x3FAA]  }
0x31: {  	[smem:$0x3FB3] =	sst s10  }
0x32: {  	s10 =	sld [smem:$0x3FB1];
	_ =	sdelay $0x3  }
0x33: {  	p0 =	seq.s32 s10, $0x1;
	s10 =	sld [smem:$0x3FB3];
	_ =	sdelay $0x3  }
0x34: {  	[smem:$0x3FB3] =	sst s10  }
0x35: {  	s10 =	sld [smem:$0x3FB2];
	_ =	sdelay $0x3  }
0x36: {  	p1 =	seq.s32 s10, $0x1;
	s10 =	sld [smem:$0x3FB3];
	_ =	sdelay $0x3  }
0x37: {  	[smem:$0x3FB3] =	sst s10  }
0x38: {  	s10 =	sld [smem:$0x3FB4]  }
0x39: {  	_ = 	snop;
	(pc) =	sbr.ind lr, $3  }
0x3a: {  	_ = 	snop  }
0x3b: {  	_ = 	snop  }
0x3c: {  	p2 =	seq.s32 s10, $0x1;
	s10 =	sld [smem:$0x3FB3]  }
0x3d: {  	_ =	shalt  }
0x3e: {  	_ =	shalt  }
0x3f: {  	_ =	shalt  }
0x40: {  	_ =	shalt  }
0x41: {  	_ =	shalt  }
0x42: {  	_ =	shalt  }
0x43: {  	_ =	shalt  }
0x44: {  	_ =	shalt  }
0x45: {  	_ =	shalt  }
0x46: {  	_ =	shalt  }
0x47: {  	_ =	shalt  }
0x48: {  	_ =	shalt  }
0x49: {  	_ =	shalt  }
0x4a: {  	_ =	shalt  }
0x4b: {  	_ =	shalt  }
0x4c: {  	_ =	shalt  }
0x4d: {  	_ =	shalt  }
0x4e: {  	_ =	shalt  }
0x4f: {  	_ =	shalt  }
0x50: {  	_ =	shalt  }
0x51: {  	_ =	shalt  }
0x52: {  	_ =	shalt  }
0x53: {  	_ =	shalt  }
0x54: {  	_ =	shalt  }
0x55: {  	_ =	shalt  }
0x56: {  	_ =	shalt  }
0x57: {  	_ =	shalt  }
0x58: {  	_ =	shalt  }
0x59: {  	_ =	shalt  }
0x5a: {  	_ =	shalt  }
0x5b: {  	_ =	shalt  }
0x5c: {  	_ =	shalt  }
0x5d: {  	_ =	shalt  }
0x5e: {  	_ =	shalt  }
0x5f: {  	_ =	shalt  }
0x60: {  	_ =	shalt  }
0x61: {  	_ =	shalt  }
0x62: {  	_ =	shalt  }
0x63: {  	_ =	shalt  }
0x64: {  	_ =	shalt  }
0x65: {  	_ =	shalt  }
0x66: {  	_ =	shalt  }
0x67: {  	_ =	shalt  }
0x68: {  	_ =	shalt  }
0x69: {  	_ =	shalt  }
0x6a: {  	_ =	shalt  }
0x6b: {  	_ =	shalt  }
0x6c: {  	_ =	shalt  }
0x6d: {  	_ =	shalt  }
0x6e: {  	_ =	shalt  }
0x6f: {  	_ =	shalt  }
0x70: {  	_ =	shalt  }
0x71: {  	_ =	shalt  }
0x72: {  	_ =	shalt  }
0x73: {  	_ =	shalt  }
0x74: {  	_ =	shalt  }
0x75: {  	_ =	shalt  }
0x76: {  	_ =	shalt  }
0x77: {  	_ =	shalt  }
0x78: {  	_ =	shalt  }
0x79: {  	_ =	shalt  }
0x7a: {  	_ =	shalt  }
0x7b: {  	_ =	shalt  }
0x7c: {  	_ =	shalt  }
0x7d: {  	_ =	shalt  }
0x7e: {  	_ =	shalt  }
0x7f: {  	_ =	shalt  }
0x80: {  	_ =	shalt  }
0x81: {  	_ =	shalt  }
0x82: {  	_ =	shalt  }
0x83: {  	_ =	shalt  }
0x84: {  	_ =	shalt  }
0x85: {  	_ =	shalt  }
0x86: {  	_ =	shalt  }
0x87: {  	_ =	shalt  }
.Lfunc_end0:
.L_simem_size_0:
called_computation.3_lowered:
.L_overlay_start_0:
0x88: {  	s2 =	sld [smem:$0x3FD9]  }
0x89: {  	s3 =	sld [smem:$0x3FFE];
	_ =	sdelay $0x1  }
0x8a: {  	s1 =	srdreg.scid  }
0x8b: {  	s0 =	sand.u32 $0x1, s1  }
0x8c: {  	s16 =	sshll.u32 s0, $0xA;
	s2 =	sadd.s32 s3, s2  }
0x8d: {  	s2 =	sadd.s32 s2, s16  }
0x8e: {  	[smem:$0x3FBF] =	sst s2  }
0x8f: {  	_ = 	snop  }
0x90: {  	(tm) =	ssettm $0x1  }
0x91: {  	s17 =	sld [smem:$0x3FFB];
	_ =	sdelay $0x3  }
0x92: {  	_ =	strace s17  }
0x93: {  	s2 =	sld [smem:$0x3FFC];
	_ =	sdelay $0x3  }
0x94: {  	_ =	strace s2  }
0x95: {  	s2 =	sld [smem:$0x3FFD];
	_ =	sdelay $0x3  }
0x96: {  	_ =	strace s2  }
0x97: {  	_ =	strace $0x8FFFFFFF  }
0x98: {  	s18 =	sld [smem:$0x3FDB];
	_ =	sdelay $0x1  }
0x99: {  	s19 =	simm.s32 $_scs_section_size  }
0x9a: {  	s4 =	simm.s32 $_size__tile_overlayer_lowered;
	s5 =	simm.s32 $_tile_overlayer_lowered  }
0x9b: {  	s22 =	simm.s32 $0x1BFF;
	s21 =	sshll.u32 s5, $0x1;
	s2 =	sadd.s32 s19, s18  }
0x9c: {  	s6 =	simm.s32 $0x0;
	s20 =	sshll.u32 s4, $0x1;
	s4 =	sadd.s32 s21, s2  }
0x9d: {  	[timem:s6], [sflag:s22] =	dma.local [hbm:s4], s20  }
0x9e: {  	_ =	swait.ge [sflag:s22], s20  }
0x9f: {  	s3 =	ssub.s32 $0x0, s20;
	[sflag:s22] =	ssyncset.done $0x0  }
0xa0: {  	[sflag:s22] =	ssyncadd.s32 s3;
	_ =	sdelay $0x1  }
0xa1: {  	s23 =	simm.s32 $0x1B8B  }
0xa2: {  	_ =	swait.ge [sflag:s23], $0x1  }
0xa3: {  	[sflag:s23] =	ssyncset.done $0x0  }
0xa4: {  	s25 =	simm.s32 $0x1B8E;
	s24 =	sld [smem:$0x3FFE];
	[sflag:s23] =	ssyncadd.s32 $0xFFFFFFFF  }
0xa5: {  	s26 =	simm.s32 $execute0_lowered;
	[smem:$0x3FD2] =	sst s25  }
0xa6: {  	s4 =	sshll.u32 s26, $0x1;
	_ =	strace $0x8000004F;
	[dreg:$0x1] =	wrdreg $0xFFFFFFFF  }
0xa7: {  	s28 =	simm.s32 $_size_execute0_lowered;
	s2 =	sadd.s32 s2, s4;
	[dreg:$0x0] =	wrdreg $0x0  }
0xa8: {  	s4 =	sshll.u32 s28, $0x1;
	[dreg:$0x2] =	wrdreg s2  }
0xa9: {  	[dreg:$0x3] =	wrdreg s4  }
0xaa: {  	[dreg:$0x4] =	wrdreg $0xC0  }
0xab: {  	_ =	task [dreg:s6], $0x5FFFF  }
0xac: {  	[dreg:$0x1] =	wrdreg $0xFFFFFFFF  }
0xad: {  	[dreg:$0x0] =	wrdreg $0x60  }
0xae: {  	[dreg:$0x2] =	wrdreg s24  }
0xaf: {  	[dreg:$0x3] =	wrdreg $0x88000  }
0xb0: {  	[dreg:$0x4] =	wrdreg $0x9  }
0xb1: {  	_ =	task.clear_ibuf [dreg:s6], $0x5FFFF;
	_ =	strace $0x9000004F  }
0xb2: {  	s29 =	simm.s32 $0x9;
	_ =	strace $0x80000051  }
0xb3: {  	_ =	swait.ge [sflag:s29], $0x1  }
0xb4: {  	[sflag:s29] =	ssyncadd.s32 $0xFFFFFFFF  }
0xb5: {  	_ =	strace $0x90000051  }
0xb6: {  	_ =	sfence  }
0xb7: {  	s30 =	sld [smem:$0x0];
	_ =	sdelay $0x2  }
0xb8: {  	s31 =	sshll.u32 s1, $0xD;
	s1 =	sshrl.u32 s1, $0x2  }
0xb9: {  	s3 =	sand.u32 $0x4000, s31;
	s1 =	sadd.s32 s1, s30  }
0xba: {  	s0 =	sor.u32 s3, s0;
	s1 =	sshll.u32 s1, $0x11  }
0xbb: {  	s0 =	sor.u32 s1, s0  }
0xbc: {  	s0 =	sadd.s32 $0x8F2B, s0  }
0xbd: {  	[sflag:s0] =	ssyncadd.remote.s32 $0x1  }
0xbe: {  	_ =	sfence.sel $0xFFFF  }
0xbf: {  	[dreg:$0x0] =	wrdreg $0xFFFFFFFF;
	(pc) =	sbr.abs _section_cstart, $3  }
0xc0: {  	[dreg:$0x1] =	wrdreg $0xFFFFFFFF  }
0xc1: {  	_ =	task.clear_ibuf [dreg:s6], $0x2FFFF;
	_ =	strace $0x9FFFFFFF  }
0xc2: {  	(tm) =	ssettm $0x7FFFFFFF  }
0xc3: {  	_ =	shalt  }
tec
execute0_lowered:
.L_overlay_start_1:
0x0: {  	(tag) =	ssettag $0x1  }
0x1: {  	s0 =	rddreg [dreg:$0x0]  }
0x2: {  	s1 =	rddreg [dreg:$0x1];
	s3 =	simm.s32 $0x0;
	s2 =	srdreg.scid  }
0x3: {  	s10 =	stileid.u32;
	s13 =	simm.s32 $0xE;
	s28 =	simm.s32 $0x4800  }
0x4: {  	s29 =	simm.s32 $0x1;
	s30 =	simm.s32 $0x180;
	s6 =	smul.u32 $0x4F000, s10  }
0x5: {  	s31 =	simm.s32 $0x2;
	[smem:$0x7FF] =	sst s3;
	s8 =	smul.u32 $0x13C00, s10  }
0x6: {  	s4 =	sadd.s32 $0x3200, s0;
	s2 =	sand.u32 $0x1, s2;
	s10 =	smul.u32 $0xA000, s10  }
0x7: {  	s5 =	sadd.s32 $0x35400, s0;
	s0 =	sadd.s32 $0x49400, s0;
	s18 =	smul.u32 $0x7800, s2  }
0x8: {  	_ =	strace $0x80000050;
	s7 =	ssub.s32 $0x2, s2;
	s12 =	smul.u32 $0x13C000, s2  }
0x9: {  	p0 =	seq.s32 s2, $0x0;
	s9 =	sshrl.u32 s7, $0x1;
	s6 =	sshrl.u32 s6, $0x2  }
0xa: {  	s11 =	sadd.s32 $0x10000, s8;
	s13 =	simm.s32 @!p0 $0x4;
	s26 =	sadd.s32 $0x4000, s8  }
0xb: {  	s16 =	sadd.s32 $0x8000, s8;
	s7 =	ssub.s32 s7, s9;
	s6 =	sadd.s32 s6, s1  }
0xc: {  	s25 =	sadd.s32 s11, s1;
	s9 =	sadd.s32 s18, s10;
	s19 =	sadd.s32 s12, s11  }
0xd: {  	s20 =	sadd.s32 s12, s8;
	[dreg:$0x3] =	wrdreg s13;
	s14 =	sadd.s32 s12, s26  }
0xe: {  	s17 =	sadd.s32 s12, s16;
	s8 =	sadd.s32 $0xC000, s8;
	s2 =	sshrl.u32 s19, $0x3  }
0xf: {  	s10 =	sshrl.u32 s20, $0x3;
	s22 =	smax.u32 s7, $0x1;
	s23 =	sadd.s32 $0x4000, s6  }
0x10: {  	s24 =	sadd.s32 $0x8000, s6;
	s11 =	sadd.s32 $0xC000, s6;
	s13 =	sshrl.u32 s9, $0x3  }
0x11: {  	s15 =	sshrl.u32 s14, $0x3;
	s18 =	sadd.s32 s12, s8;
	s19 =	sadd.s32 s16, s1  }
0x12: {  	s20 =	simm.s32 $0x800;
	s12 =	simm.s32 $0x500;
	[dreg:$0x6] =	wrdreg s22  }
0x13: {  	s14 =	simm.s32 $0x580;
	s16 =	simm.s32 $0x700;
	[dreg:$0x7] =	wrdreg s23  }
0x14: {  	s2 =	sadd.s32 s0, s2;
	s21 =	sadd.s32 s0, s10;
	[dreg:$0x8] =	wrdreg s24  }
0x15: {  	[dreg:$0x9] =	wrdreg s11;
	s7 =	sadd.s32 s5, s13;
	s22 =	sshrl.u32 s18, $0x3  }
0x16: {  	s23 =	sadd.s32 s8, s1;
	s24 =	sadd.s32 $0x800, s9;
	s9 =	simm.s32 $0x280  }
0x17: {  	s10 =	simm.s32 $0x380;
	s11 =	simm.s32 $0x400;
	[dreg:$0x4] =	wrdreg s2  }
0x18: {  	s13 =	simm.s32 $0x480;
	s18 =	simm.s32 $0x780;
	[dreg:$0x5] =	wrdreg s21  }
0x19: {  	[dreg:$0xa] =	wrdreg s7;
	s7 =	sadd.s32 s0, s15;
	s2 =	sadd.s32 s26, s1  }
0x1a: {  	[dreg:$0xe] =	wrdreg s24;
	s21 =	simm.s32 $0x3;
	s26 =	sshrl.u32 s19, $0x3  }
0x1b: {  	s15 =	simm.s32 $0x600;
	[dreg:$0xb] =	wrdreg s7;
	s7 =	sshrl.u32 s17, $0x3  }
0x1c: {  	s2 =	sshrl.u32 s2, $0x3;
	[dreg:$0x10] =	wrdreg s26;
	s26 =	simm.s32 $0x100  }
0x1d: {  	s17 =	simm.s32 $0x680;
	s7 =	sadd.s32 s0, s7;
	[dreg:$0xf] =	wrdreg s2  }
0x1e: {  	s0 =	sadd.s32 s0, s22;
	s22 =	simm.s32 $0x80;
	[dreg:$0xc] =	wrdreg s7  }
0x1f: {  	s2 =	simm.s32 $0x300;
	[dreg:$0xd] =	wrdreg s0;
	s0 =	sshrl.u32 s23, $0x3  }
0x20: {  	v0 =	vimm.f32 $0.0e+00;
	s23 =	simm.s32 $0x0;
	[dreg:$0x11] =	wrdreg s0;
	s0 =	simm.s32 $0x200  }
.LBB2_1:
0x21: {  	s7 =	simm.s32 $0x0;
	s8 =	simm.s32 $0x200  }
.LBB2_2:
0x22: {  	p0 =	sne.s32 s8, $0xFE00;
	[tilespmem:s7+$0x870] =	vst v0  }
0x23: {  	[tilespmem:s7+$0x800] =	vst v0  }
0x24: {  	[tilespmem:s7+$0x810] =	vst v0  }
.Ltmp0:
0x25: {  	[tilespmem:s7+$0x820] =	vst v0;
	(pc) =	sbr.rel @p0 .LBB2_2-.Ltmp0, $4  }
0x26: {  	[tilespmem:s7+$0x830] =	vst v0  }
0x27: {  	[tilespmem:s7+$0x840] =	vst v0  }
0x28: {  	[tilespmem:s7+$0x850] =	vst v0  }
0x29: {  	[tilespmem:s7+$0x860] =	vst v0;
	s7 =	sshra.s32 s8, $0x2;
	s8 =	sadd.s32 $0x200, s8  }
0x2a: {  	[tilespmem:s7+$0x870] =	vst v0  }
0x2b: {  	[tilespmem:s7+$0x800] =	vst v0  }
0x2c: {  	[tilespmem:s7+$0x810] =	vst v0  }
0x2d: {  	[tilespmem:s7+$0x820] =	vst v0  }
0x2e: {  	[tilespmem:s7+$0x830] =	vst v0  }
0x2f: {  	[tilespmem:s7+$0x840] =	vst v0  }
0x30: {  	[tilespmem:s7+$0x850] =	vst v0  }
0x31: {  	[tilespmem:s7+$0x860] =	vst v0  }
0x32: {  	[spmem:s6] =	stream.linear.scatter [tilespmem:s20], [sflag:$0x3], $0x4000, $0x38;
	[tilespmem:$0x1C400] =	vst v63  }
0x33: {  	_ =	swait.ge [sflag:s21], $0x4000  }
0x34: {  	[sflag:s21] =	ssyncset.done $0x0  }
0x35: {  	s8 =	rddreg [dreg:$0x7];
	[sflag:s21] =	ssyncadd.s32 $0xFFFFC000  }
0x36: {  	[spmem:s8] =	stream.linear.scatter [tilespmem:s20], [sflag:$0x3], $0x4000, $0x38;
	[tilespmem:$0x1C400] =	vst v63  }
0x37: {  	_ =	swait.ge [sflag:s21], $0x4000  }
0x38: {  	[sflag:s21] =	ssyncset.done $0x0  }
0x39: {  	s19 =	rddreg [dreg:$0x8];
	[sflag:s21] =	ssyncadd.s32 $0xFFFFC000  }
0x3a: {  	[spmem:s19] =	stream.linear.scatter [tilespmem:s20], [sflag:$0x3], $0x4000, $0x38;
	[tilespmem:$0x1C400] =	vst v63  }
0x3b: {  	_ =	swait.ge [sflag:s21], $0x4000  }
0x3c: {  	[sflag:s21] =	ssyncset.done $0x0  }
0x3d: {  	s24 =	rddreg [dreg:$0x9];
	[sflag:s21] =	ssyncadd.s32 $0xFFFFC000  }
0x3e: {  	[spmem:s24] =	stream.linear.scatter [tilespmem:s20], [sflag:$0x3], $0x4000, $0x38;
	[tilespmem:$0x1C400] =	vst v63  }
0x3f: {  	_ =	swait.ge [sflag:s21], $0x4000  }
0x40: {  	[sflag:s21] =	ssyncset.done $0x0  }
0x41: {  	[sflag:s21] =	ssyncadd.s32 $0xFFFFC000  }
0x42: {  	[spmem:s25] =	stream.linear.scatter [tilespmem:s20], [sflag:$0x3], $0x3C00, $0x38;
	[tilespmem:$0x1C400] =	vst v63  }
0x43: {  	_ =	swait.ge [sflag:s21], $0x3C00  }
0x44: {  	[sflag:s21] =	ssyncset.done $0x0  }
0x45: {  	[sflag:s21] =	ssyncadd.s32 $0xFFFFC400  }
0x46: {  	[bflag:$0x0] =	sbarrier.arrive $0xFFFF  }
0x47: {  	s8 =	rddreg [dreg:$0xa]  }
0x48: {  	[tilespmem:s3], [sflag:$0x3] =	stream.linear.gather [hbm4b:s8+s3], $0x800, $0x38;
	[tilespmem:$0x1C400] =	vst v63  }
0x49: {  	_ =	swait.ge [sflag:s21], $0x800  }
0x4a: {  	[sflag:s21] =	ssyncset.done $0x0  }
0x4b: {  	[sflag:s21] =	ssyncadd.s32 $0xFFFFF800  }
0x4c: {  	[tilespmem:s20], [sflag:$0x1] =	stream.indirect.gather [hbm4b:s4+s22], $0x80, s3, s22, $0xb8;
	[tilespmem:$0x1C400] =	vst v63  }
0x4d: {  	_ = 	snop  }
0x4e: {  	[tilespmem:s28], [sflag:$0x1] =	stream.indirect.gather [hbm4b:s4+s22], $0x80, s26, s22, $0xb8;
	[tilespmem:$0x1C400] =	vst v63  }
0x4f: {  	_ =	swait.ge [sflag:s29], $0x8000  }
0x50: {  	[sflag:s29] =	ssyncset.done $0x0  }
0x51: {  	[sflag:s29] =	ssyncadd.s32 $0xFFFF8000  }
0x52: {  	[spmem:s1] =	stream.indirect.scatter.add.f32 [tilespmem:s20], [sflag:$0x2], $0x80, s22, s22, $0xb8;
	[tilespmem:$0x1C400] =	vst v63  }
0x53: {  	_ = 	snop  }
0x54: {  	[spmem:s1] =	stream.indirect.scatter.add.f32 [tilespmem:s28], [sflag:$0x2], $0x80, s30, s22, $0xb8;
	[tilespmem:$0x1C400] =	vst v63  }
0x55: {  	_ =	swait.ge [sflag:s31], $0x8000  }
0x56: {  	[sflag:s31] =	ssyncset.done $0x0  }
0x57: {  	[sflag:s31] =	ssyncadd.s32 $0xFFFF8000  }
0x58: {  	[tilespmem:s20], [sflag:$0x1] =	stream.indirect.gather [hbm4b:s4+s22], $0x80, s0, s22, $0xb8;
	[tilespmem:$0x1C400] =	vst v63  }
0x59: {  	_ = 	snop  }
0x5a: {  	[tilespmem:s28], [sflag:$0x1] =	stream.indirect.gather [hbm4b:s4+s22], $0x80, s2, s22, $0xb8;
	[tilespmem:$0x1C400] =	vst v63  }
0x5b: {  	_ =	swait.ge [sflag:s29], $0x8000  }
0x5c: {  	[sflag:s29] =	ssyncset.done $0x0  }
0x5d: {  	[sflag:s29] =	ssyncadd.s32 $0xFFFF8000  }
0x5e: {  	[spmem:s1] =	stream.indirect.scatter.add.f32 [tilespmem:s20], [sflag:$0x2], $0x80, s9, s22, $0xb8;
	[tilespmem:$0x1C400] =	vst v63  }
0x5f: {  	_ = 	snop  }
0x60: {  	[spmem:s1] =	stream.indirect.scatter.add.f32 [tilespmem:s28], [sflag:$0x2], $0x80, s10, s22, $0xb8;
	[tilespmem:$0x1C400] =	vst v63  }
0x61: {  	_ =	swait.ge [sflag:s31], $0x8000  }
0x62: {  	[sflag:s31] =	ssyncset.done $0x0  }
0x63: {  	[sflag:s31] =	ssyncadd.s32 $0xFFFF8000  }
0x64: {  	[tilespmem:s20], [sflag:$0x1] =	stream.indirect.gather [hbm4b:s4+s22], $0x80, s11, s22, $0xb8;
	[tilespmem:$0x1C400] =	vst v63  }
0x65: {  	_ = 	snop  }
0x66: {  	[tilespmem:s28], [sflag:$0x1] =	stream.indirect.gather [hbm4b:s4+s22], $0x80, s12, s22, $0xb8;
	[tilespmem:$0x1C400] =	vst v63  }
0x67: {  	_ =	swait.ge [sflag:s29], $0x8000  }
0x68: {  	[sflag:s29] =	ssyncset.done $0x0  }
0x69: {  	[sflag:s29] =	ssyncadd.s32 $0xFFFF8000  }
0x6a: {  	[spmem:s1] =	stream.indirect.scatter.add.f32 [tilespmem:s20], [sflag:$0x2], $0x80, s13, s22, $0xb8;
	[tilespmem:$0x1C400] =	vst v63  }
0x6b: {  	_ = 	snop  }
0x6c: {  	[spmem:s1] =	stream.indirect.scatter.add.f32 [tilespmem:s28], [sflag:$0x2], $0x80, s14, s22, $0xb8;
	[tilespmem:$0x1C400] =	vst v63  }
0x6d: {  	_ =	swait.ge [sflag:s31], $0x8000  }
0x6e: {  	[sflag:s31] =	ssyncset.done $0x0  }
0x6f: {  	[sflag:s31] =	ssyncadd.s32 $0xFFFF8000  }
0x70: {  	[tilespmem:s20], [sflag:$0x1] =	stream.indirect.gather [hbm4b:s4+s22], $0x80, s15, s22, $0xb8;
	[tilespmem:$0x1C400] =	vst v63  }
0x71: {  	_ = 	snop  }
0x72: {  	[tilespmem:s28], [sflag:$0x1] =	stream.indirect.gather [hbm4b:s4+s22], $0x80, s16, s22, $0xb8;
	[tilespmem:$0x1C400] =	vst v63  }
0x73: {  	_ =	swait.ge [sflag:s29], $0x8000  }
0x74: {  	s19 =	rddreg [dreg:$0x3]  }
0x75: {  	p1 =	sne.s32 s19, $0x1  }
.Ltmp1:
0x76: {  	[sflag:s29] =	ssyncset.done $0x0;
	(pc) =	sbr.rel @!p1 .LBB2_8-.Ltmp1, $4  }
0x77: {  	p0 =	por $0x0, $0x0;
	s8 =	rddreg [dreg:$0xe];
	[sflag:s29] =	ssyncadd.s32 $0xFFFF8000  }
0x78: {  	[spmem:s1] =	stream.indirect.scatter.add.f32 [tilespmem:s20], [sflag:$0x2], $0x80, s17, s22, $0xb8;
	[tilespmem:$0x1C400] =	vst v63  }
0x79: {  	s24 =	sshrl.u32 s8, $0x3;
	s7 =	sadd.s32 $0xFFFFFFFF, s19;
	s8 =	sadd.s32 $0x800, s8  }
0x7a: {  	[spmem:s1] =	stream.indirect.scatter.add.f32 [tilespmem:s28], [sflag:$0x2], $0x80, s18, s22, $0xb8;
	[tilespmem:$0x1C400] =	vst v63  }
0x7b: {  	s24 =	sadd.s32 s5, s24  }
0x7c: {  	[tilespmem:s3], [sflag:$0x3] =	stream.linear.gather [hbm4b:s24+s3], $0x800, $0x38;
	[tilespmem:$0x1C400] =	vst v63  }
0x7d: {  	_ =	swait.ge [sflag:s21], $0x800  }
0x7e: {  	[sflag:s21] =	ssyncset.done $0x0  }
0x7f: {  	[sflag:s21] =	ssyncadd.s32 $0xFFFFF800  }
0x80: {  	_ =	swait.ge [sflag:s31], $0x8000  }
0x81: {  	[sflag:s31] =	ssyncset.done $0x0  }
0x82: {  	[sflag:s31] =	ssyncadd.s32 $0xFFFF8000  }
0x83: {  	[tilespmem:s20], [sflag:$0x1] =	stream.indirect.gather [hbm4b:s4+s22], $0x80, s3, s22, $0xb8;
	[tilespmem:$0x1C400] =	vst v63  }
0x84: {  	_ = 	snop  }
0x85: {  	[tilespmem:s28], [sflag:$0x1] =	stream.indirect.gather [hbm4b:s4+s22], $0x80, s26, s22, $0xb8;
	[tilespmem:$0x1C400] =	vst v63  }
0x86: {  	_ =	swait.ge [sflag:s29], $0x8000  }
0x87: {  	[sflag:s29] =	ssyncset.done $0x0  }
0x88: {  	[sflag:s29] =	ssyncadd.s32 $0xFFFF8000  }
0x89: {  	[spmem:s1] =	stream.indirect.scatter.add.f32 [tilespmem:s20], [sflag:$0x2], $0x80, s22, s22, $0xb8;
	[tilespmem:$0x1C400] =	vst v63  }
0x8a: {  	_ = 	snop  }
0x8b: {  	[spmem:s1] =	stream.indirect.scatter.add.f32 [tilespmem:s28], [sflag:$0x2], $0x80, s30, s22, $0xb8;
	[tilespmem:$0x1C400] =	vst v63  }
0x8c: {  	_ =	swait.ge [sflag:s31], $0x8000  }
0x8d: {  	[sflag:s31] =	ssyncset.done $0x0  }
0x8e: {  	[sflag:s31] =	ssyncadd.s32 $0xFFFF8000  }
0x8f: {  	[tilespmem:s20], [sflag:$0x1] =	stream.indirect.gather [hbm4b:s4+s22], $0x80, s0, s22, $0xb8;
	[tilespmem:$0x1C400] =	vst v63  }
0x90: {  	_ = 	snop  }
0x91: {  	[tilespmem:s28], [sflag:$0x1] =	stream.indirect.gather [hbm4b:s4+s22], $0x80, s2, s22, $0xb8;
	[tilespmem:$0x1C400] =	vst v63  }
0x92: {  	_ =	swait.ge [sflag:s29], $0x8000  }
0x93: {  	[sflag:s29] =	ssyncset.done $0x0  }
0x94: {  	[sflag:s29] =	ssyncadd.s32 $0xFFFF8000  }
0x95: {  	[spmem:s1] =	stream.indirect.scatter.add.f32 [tilespmem:s20], [sflag:$0x2], $0x80, s9, s22, $0xb8;
	[tilespmem:$0x1C400] =	vst v63  }
0x96: {  	_ = 	snop  }
0x97: {  	[spmem:s1] =	stream.indirect.scatter.add.f32 [tilespmem:s28], [sflag:$0x2], $0x80, s10, s22, $0xb8;
	[tilespmem:$0x1C400] =	vst v63  }
0x98: {  	_ =	swait.ge [sflag:s31], $0x8000  }
0x99: {  	[sflag:s31] =	ssyncset.done $0x0  }
0x9a: {  	[sflag:s31] =	ssyncadd.s32 $0xFFFF8000  }
0x9b: {  	[tilespmem:s20], [sflag:$0x1] =	stream.indirect.gather [hbm4b:s4+s22], $0x80, s11, s22, $0xb8;
	[tilespmem:$0x1C400] =	vst v63  }
0x9c: {  	_ = 	snop  }
0x9d: {  	[tilespmem:s28], [sflag:$0x1] =	stream.indirect.gather [hbm4b:s4+s22], $0x80, s12, s22, $0xb8;
	[tilespmem:$0x1C400] =	vst v63  }
0x9e: {  	_ =	swait.ge [sflag:s29], $0x8000  }
0x9f: {  	[sflag:s29] =	ssyncset.done $0x0  }
0xa0: {  	[sflag:s29] =	ssyncadd.s32 $0xFFFF8000  }
0xa1: {  	[spmem:s1] =	stream.indirect.scatter.add.f32 [tilespmem:s20], [sflag:$0x2], $0x80, s13, s22, $0xb8;
	[tilespmem:$0x1C400] =	vst v63  }
0xa2: {  	_ = 	snop  }
0xa3: {  	[spmem:s1] =	stream.indirect.scatter.add.f32 [tilespmem:s28], [sflag:$0x2], $0x80, s14, s22, $0xb8;
	[tilespmem:$0x1C400] =	vst v63  }
0xa4: {  	_ =	swait.ge [sflag:s31], $0x8000  }
0xa5: {  	[sflag:s31] =	ssyncset.done $0x0  }
0xa6: {  	[sflag:s31] =	ssyncadd.s32 $0xFFFF8000  }
0xa7: {  	[tilespmem:s20], [sflag:$0x1] =	stream.indirect.gather [hbm4b:s4+s22], $0x80, s15, s22, $0xb8;
	[tilespmem:$0x1C400] =	vst v63  }
0xa8: {  	p1 =	sne.s32 s7, $0x1  }
0xa9: {  	[tilespmem:s28], [sflag:$0x1] =	stream.indirect.gather [hbm4b:s4+s22], $0x80, s16, s22, $0xb8;
	[tilespmem:$0x1C400] =	vst v63  }
.Ltmp2:
0xaa: {  	_ = 	snop;
	(pc) =	sbr.rel @!p1 .LBB2_5-.Ltmp2, $4  }
0xab: {  	s19 =	smov.u32 s6;
	s6 =	smov.u32 s25;
	_ =	swait.ge [sflag:s29], $0x8000  }
0xac: {  	s25 =	sadd.s32 $0xFFFFFFFF, s7;
	s7 =	sadd.s32 $0x800, s8;
	[sflag:s29] =	ssyncset.done $0x0  }
0xad: {  	p0 =	por $0x1, $0x1;
	s24 =	sshrl.u32 s8, $0x3;
	[sflag:s29] =	ssyncadd.s32 $0xFFFF8000  }
0xae: {  	[spmem:s1] =	stream.indirect.scatter.add.f32 [tilespmem:s20], [sflag:$0x2], $0x80, s17, s22, $0xb8;
	[tilespmem:$0x1C400] =	vst v63  }
.LBB2_6:
0xaf: {  	[spmem:s1] =	stream.indirect.scatter.add.f32 [tilespmem:s28], [sflag:$0x2], $0x80, s18, s22, $0xb8;
	[tilespmem:$0x1C400] =	vst v63  }
0xb0: {  	p1 =	sne.s32 s25, $0x1;
	s8 =	sadd.s32 s5, s24;
	s24 =	sshrl.u32 s7, $0x3  }
0xb1: {  	[tilespmem:s3], [sflag:$0x3] =	stream.linear.gather [hbm4b:s8+s3], $0x800, $0x38;
	[tilespmem:$0x1C400] =	vst v63  }
0xb2: {  	s25 =	sadd.s32 $0xFFFFFFFF, s25;
	_ =	swait.ge [sflag:s21], $0x800  }
0xb3: {  	[sflag:s21] =	ssyncset.done $0x0  }
0xb4: {  	[sflag:s21] =	ssyncadd.s32 $0xFFFFF800  }
0xb5: {  	_ =	swait.ge [sflag:s31], $0x8000  }
0xb6: {  	[sflag:s31] =	ssyncset.done $0x0  }
0xb7: {  	[sflag:s31] =	ssyncadd.s32 $0xFFFF8000  }
0xb8: {  	[tilespmem:s20], [sflag:$0x1] =	stream.indirect.gather [hbm4b:s4+s22], $0x80, s3, s22, $0xb8;
	[tilespmem:$0x1C400] =	vst v63  }
0xb9: {  	_ = 	snop  }
0xba: {  	[tilespmem:s28], [sflag:$0x1] =	stream.indirect.gather [hbm4b:s4+s22], $0x80, s26, s22, $0xb8;
	[tilespmem:$0x1C400] =	vst v63  }
0xbb: {  	_ =	swait.ge [sflag:s29], $0x8000  }
0xbc: {  	[sflag:s29] =	ssyncset.done $0x0  }
0xbd: {  	[sflag:s29] =	ssyncadd.s32 $0xFFFF8000  }
0xbe: {  	[spmem:s1] =	stream.indirect.scatter.add.f32 [tilespmem:s20], [sflag:$0x2], $0x80, s22, s22, $0xb8;
	[tilespmem:$0x1C400] =	vst v63  }
0xbf: {  	_ = 	snop  }
0xc0: {  	[spmem:s1] =	stream.indirect.scatter.add.f32 [tilespmem:s28], [sflag:$0x2], $0x80, s30, s22, $0xb8;
	[tilespmem:$0x1C400] =	vst v63  }
0xc1: {  	_ =	swait.ge [sflag:s31], $0x8000  }
0xc2: {  	[sflag:s31] =	ssyncset.done $0x0  }
0xc3: {  	[sflag:s31] =	ssyncadd.s32 $0xFFFF8000  }
0xc4: {  	[tilespmem:s20], [sflag:$0x1] =	stream.indirect.gather [hbm4b:s4+s22], $0x80, s0, s22, $0xb8;
	[tilespmem:$0x1C400] =	vst v63  }
0xc5: {  	_ = 	snop  }
0xc6: {  	[tilespmem:s28], [sflag:$0x1] =	stream.indirect.gather [hbm4b:s4+s22], $0x80, s2, s22, $0xb8;
	[tilespmem:$0x1C400] =	vst v63  }
0xc7: {  	_ =	swait.ge [sflag:s29], $0x8000  }
0xc8: {  	[sflag:s29] =	ssyncset.done $0x0  }
0xc9: {  	[sflag:s29] =	ssyncadd.s32 $0xFFFF8000  }
0xca: {  	[spmem:s1] =	stream.indirect.scatter.add.f32 [tilespmem:s20], [sflag:$0x2], $0x80, s9, s22, $0xb8;
	[tilespmem:$0x1C400] =	vst v63  }
0xcb: {  	_ = 	snop  }
0xcc: {  	[spmem:s1] =	stream.indirect.scatter.add.f32 [tilespmem:s28], [sflag:$0x2], $0x80, s10, s22, $0xb8;
	[tilespmem:$0x1C400] =	vst v63  }
0xcd: {  	_ =	swait.ge [sflag:s31], $0x8000  }
0xce: {  	[sflag:s31] =	ssyncset.done $0x0  }
0xcf: {  	[sflag:s31] =	ssyncadd.s32 $0xFFFF8000  }
0xd0: {  	[tilespmem:s20], [sflag:$0x1] =	stream.indirect.gather [hbm4b:s4+s22], $0x80, s11, s22, $0xb8;
	[tilespmem:$0x1C400] =	vst v63  }
0xd1: {  	_ = 	snop  }
0xd2: {  	[tilespmem:s28], [sflag:$0x1] =	stream.indirect.gather [hbm4b:s4+s22], $0x80, s12, s22, $0xb8;
	[tilespmem:$0x1C400] =	vst v63  }
0xd3: {  	_ =	swait.ge [sflag:s29], $0x8000  }
0xd4: {  	[sflag:s29] =	ssyncset.done $0x0  }
0xd5: {  	[sflag:s29] =	ssyncadd.s32 $0xFFFF8000  }
0xd6: {  	[spmem:s1] =	stream.indirect.scatter.add.f32 [tilespmem:s20], [sflag:$0x2], $0x80, s13, s22, $0xb8;
	[tilespmem:$0x1C400] =	vst v63  }
0xd7: {  	_ = 	snop  }
0xd8: {  	[spmem:s1] =	stream.indirect.scatter.add.f32 [tilespmem:s28], [sflag:$0x2], $0x80, s14, s22, $0xb8;
	[tilespmem:$0x1C400] =	vst v63  }
0xd9: {  	_ =	swait.ge [sflag:s31], $0x8000  }
0xda: {  	[sflag:s31] =	ssyncset.done $0x0  }
0xdb: {  	[sflag:s31] =	ssyncadd.s32 $0xFFFF8000  }
0xdc: {  	[tilespmem:s20], [sflag:$0x1] =	stream.indirect.gather [hbm4b:s4+s22], $0x80, s15, s22, $0xb8;
	[tilespmem:$0x1C400] =	vst v63  }
0xdd: {  	_ = 	snop  }
0xde: {  	[tilespmem:s28], [sflag:$0x1] =	stream.indirect.gather [hbm4b:s4+s22], $0x80, s16, s22, $0xb8;
	[tilespmem:$0x1C400] =	vst v63  }
.Ltmp3:
0xdf: {  	_ =	swait.ge [sflag:s29], $0x8000;
	(pc) =	sbr.rel @p1 .LBB2_6-.Ltmp3, $4  }
0xe0: {  	[sflag:s29] =	ssyncset.done $0x0  }
0xe1: {  	[sflag:s29] =	ssyncadd.s32 $0xFFFF8000  }
0xe2: {  	[spmem:s1] =	stream.indirect.scatter.add.f32 [tilespmem:s20], [sflag:$0x2], $0x80, s17, s22, $0xb8;
	[tilespmem:$0x1C400] =	vst v63  }
0xe3: {  	s7 =	sadd.s32 $0x800, s7  }
0xe4: {  	s25 =	smov.u32 s6;
	s6 =	smov.u32 s19  }
.LBB2_8:
0xe5: {  	[spmem:s1] =	stream.indirect.scatter.add.f32 @p0 [tilespmem:s28], [sflag:$0x2], $0x80, s18, s22, $0xb8;
	[tilespmem:$0x1C400] =	vst v63  }
0xe6: {  	s7 =	sadd.s32 s5, s24  }
0xe7: {  	[tilespmem:s3], [sflag:$0x3] =	stream.linear.gather [hbm4b:s7+s3], $0x800, $0x38;
	[tilespmem:$0x1C400] =	vst v63  }
0xe8: {  	_ =	swait.ge [sflag:s21], $0x800  }
0xe9: {  	[sflag:s21] =	ssyncset.done $0x0  }
0xea: {  	[sflag:s21] =	ssyncadd.s32 $0xFFFFF800  }
0xeb: {  	_ =	swait.ge [sflag:s31], $0x8000  }
0xec: {  	[sflag:s31] =	ssyncset.done $0x0  }
0xed: {  	[sflag:s31] =	ssyncadd.s32 $0xFFFF8000  }
0xee: {  	[tilespmem:s20], [sflag:$0x1] =	stream.indirect.gather [hbm4b:s4+s22], $0x80, s3, s22, $0xb8;
	[tilespmem:$0x1C400] =	vst v63  }
0xef: {  	_ = 	snop  }
0xf0: {  	[tilespmem:s28], [sflag:$0x1] =	stream.indirect.gather [hbm4b:s4+s22], $0x80, s26, s22, $0xb8;
	[tilespmem:$0x1C400] =	vst v63  }
0xf1: {  	_ =	swait.ge [sflag:s29], $0x8000  }
0xf2: {  	[sflag:s29] =	ssyncset.done $0x0  }
0xf3: {  	[sflag:s29] =	ssyncadd.s32 $0xFFFF8000  }
0xf4: {  	[spmem:s1] =	stream.indirect.scatter.add.f32 [tilespmem:s20], [sflag:$0x2], $0x80, s22, s22, $0xb8;
	[tilespmem:$0x1C400] =	vst v63  }
0xf5: {  	_ = 	snop  }
0xf6: {  	[spmem:s1] =	stream.indirect.scatter.add.f32 [tilespmem:s28], [sflag:$0x2], $0x80, s30, s22, $0xb8;
	[tilespmem:$0x1C400] =	vst v63  }
0xf7: {  	_ =	swait.ge [sflag:s31], $0x8000  }
0xf8: {  	[sflag:s31] =	ssyncset.done $0x0  }
0xf9: {  	[sflag:s31] =	ssyncadd.s32 $0xFFFF8000  }
0xfa: {  	[tilespmem:s20], [sflag:$0x1] =	stream.indirect.gather [hbm4b:s4+s22], $0x80, s0, s22, $0xb8;
	[tilespmem:$0x1C400] =	vst v63  }
0xfb: {  	_ = 	snop  }
0xfc: {  	[tilespmem:s28], [sflag:$0x1] =	stream.indirect.gather [hbm4b:s4+s22], $0x80, s2, s22, $0xb8;
	[tilespmem:$0x1C400] =	vst v63  }
0xfd: {  	_ =	swait.ge [sflag:s29], $0x8000  }
0xfe: {  	[sflag:s29] =	ssyncset.done $0x0  }
0xff: {  	[sflag:s29] =	ssyncadd.s32 $0xFFFF8000  }
0x100: {  	[spmem:s1] =	stream.indirect.scatter.add.f32 [tilespmem:s20], [sflag:$0x2], $0x80, s9, s22, $0xb8;
	[tilespmem:$0x1C400] =	vst v63  }
0x101: {  	_ = 	snop  }
0x102: {  	[spmem:s1] =	stream.indirect.scatter.add.f32 [tilespmem:s28], [sflag:$0x2], $0x80, s10, s22, $0xb8;
	[tilespmem:$0x1C400] =	vst v63  }
0x103: {  	_ =	swait.ge [sflag:s31], $0x8000  }
0x104: {  	[sflag:s31] =	ssyncset.done $0x0  }
0x105: {  	[sflag:s31] =	ssyncadd.s32 $0xFFFF8000  }
0x106: {  	[tilespmem:s20], [sflag:$0x1] =	stream.indirect.gather [hbm4b:s4+s22], $0x80, s11, s22, $0xb8;
	[tilespmem:$0x1C400] =	vst v63  }
0x107: {  	_ = 	snop  }
0x108: {  	[tilespmem:s28], [sflag:$0x1] =	stream.indirect.gather [hbm4b:s4+s22], $0x80, s12, s22, $0xb8;
	[tilespmem:$0x1C400] =	vst v63  }
0x109: {  	_ =	swait.ge [sflag:s29], $0x8000  }
0x10a: {  	[sflag:s29] =	ssyncset.done $0x0  }
0x10b: {  	[sflag:s29] =	ssyncadd.s32 $0xFFFF8000  }
0x10c: {  	[spmem:s1] =	stream.indirect.scatter.add.f32 [tilespmem:s20], [sflag:$0x2], $0x80, s13, s22, $0xb8;
	[tilespmem:$0x1C400] =	vst v63  }
0x10d: {  	_ = 	snop  }
0x10e: {  	[spmem:s1] =	stream.indirect.scatter.add.f32 [tilespmem:s28], [sflag:$0x2], $0x80, s14, s22, $0xb8;
	[tilespmem:$0x1C400] =	vst v63  }
0x10f: {  	_ =	swait.ge [sflag:s31], $0x8000  }
0x110: {  	[sflag:s31] =	ssyncset.done $0x0  }
0x111: {  	[sflag:s31] =	ssyncadd.s32 $0xFFFF8000  }
0x112: {  	[tilespmem:s20], [sflag:$0x1] =	stream.indirect.gather [hbm4b:s4+s22], $0x80, s15, s22, $0xb8;
	[tilespmem:$0x1C400] =	vst v63  }
0x113: {  	_ = 	snop  }
0x114: {  	[tilespmem:s28], [sflag:$0x1] =	stream.indirect.gather [hbm4b:s4+s22], $0x80, s16, s22, $0xb8;
	[tilespmem:$0x1C400] =	vst v63  }
0x115: {  	_ =	swait.ge [sflag:s29], $0x8000  }
0x116: {  	[sflag:s29] =	ssyncset.done $0x0  }
0x117: {  	[sflag:s29] =	ssyncadd.s32 $0xFFFF8000  }
0x118: {  	[spmem:s1] =	stream.indirect.scatter.add.f32 [tilespmem:s20], [sflag:$0x2], $0x80, s17, s22, $0xb8;
	[tilespmem:$0x1C400] =	vst v63  }
0x119: {  	_ = 	snop  }
0x11a: {  	[spmem:s1] =	stream.indirect.scatter.add.f32 [tilespmem:s28], [sflag:$0x2], $0x80, s18, s22, $0xb8;
	[tilespmem:$0x1C400] =	vst v63  }
0x11b: {  	_ =	swait.ge [sflag:s31], $0x8000  }
0x11c: {  	[sflag:s31] =	ssyncset.done $0x0  }
0x11d: {  	s8 =	stileid.u32;
	[sflag:s31] =	ssyncadd.s32 $0xFFFF8000  }
0x11e: {  	s7 =	sshll.u32 s8, $0x6;
	[bflag:$0x0] =	sbarrier.arrive $0xFFFF  }
0x11f: {  	s8 =	sshrl.u32 s6, $0x3;
	s7 =	sor.u32 $0x1C03, s7;
	s19 =	rddreg [dreg:$0x5]  }
0x120: {  	[hbm:s19], [sflag:s7] =	dma.local [spmem:s8], $0x800  }
0x121: {  	_ =	swait.ge [sflag:s21], $0x800  }
0x122: {  	[sflag:s21] =	ssyncset.done $0x0;
	s19 =	rddreg [dreg:$0xb]  }
0x123: {  	s24 =	rddreg [dreg:$0xf];
	[sflag:s21] =	ssyncadd.s32 $0xFFFFF800  }
0x124: {  	[hbm:s19], [sflag:s7] =	dma.local [spmem:s24], $0x800  }
0x125: {  	_ =	swait.ge [sflag:s21], $0x800  }
0x126: {  	[sflag:s21] =	ssyncset.done $0x0;
	s19 =	rddreg [dreg:$0xc]  }
0x127: {  	s24 =	rddreg [dreg:$0x10];
	[sflag:s21] =	ssyncadd.s32 $0xFFFFF800  }
0x128: {  	[hbm:s19], [sflag:s7] =	dma.local [spmem:s24], $0x800  }
0x129: {  	_ =	swait.ge [sflag:s21], $0x800  }
0x12a: {  	[sflag:s21] =	ssyncset.done $0x0;
	s19 =	rddreg [dreg:$0xd]  }
0x12b: {  	s24 =	rddreg [dreg:$0x11];
	[sflag:s21] =	ssyncadd.s32 $0xFFFFF800  }
0x12c: {  	[hbm:s19], [sflag:s7] =	dma.local [spmem:s24], $0x800  }
0x12d: {  	_ =	swait.ge [sflag:s21], $0x800  }
0x12e: {  	[sflag:s21] =	ssyncset.done $0x0  }
0x12f: {  	s19 =	sshrl.u32 s25, $0x3;
	s24 =	rddreg [dreg:$0x4];
	[sflag:s21] =	ssyncadd.s32 $0xFFFFF800  }
0x130: {  	[hbm:s24], [sflag:s7] =	dma.local [spmem:s19], $0x780  }
0x131: {  	_ =	swait.ge [sflag:s21], $0x780  }
0x132: {  	s23 =	sadd.s32 $0x1, s23;
	s24 =	rddreg [dreg:$0x6]  }
0x133: {  	p0 =	sne.s32 s23, s24  }
.Ltmp4:
0x134: {  	_ = 	snop;
	(pc) =	sbr.rel @p0 .LBB2_1-.Ltmp4, $4  }
.Ltmp5:
0x135: {  	_ = 	snop;
	(pc) =	sbr.rel @!p0 .LBB2_9-.Ltmp5, $4  }
0x136: {  	_ = 	snop  }
0x137: {  	[sflag:s21] =	ssyncset.done $0x0  }
0x138: {  	[sflag:s21] =	ssyncadd.s32 $0xFFFFF880  }
0x139: {  	_ = 	snop  }
.LBB2_5:
.Ltmp6:
0x13a: {  	(pc) =	sbr.rel .LBB2_8-.Ltmp6, $2  }
0x13b: {  	_ =	sdelay $0x2  }
0x13c: {  	s25 =	smov.u32 s6;
	s6 =	smov.u32 s19  }
.LBB2_9:
0x13d: {  	_ =	sfence.sel $0x180000  }
0x13e: {  	[bflag:$0x0] =	sbarrier.arrive $0xFFFF  }
0x13f: {  	_ =	strace $0x90000050  }
0x140: {  	s0 =	stileid.u32;
	[bflag:$0x2] =	sbarrier.arrive $0xFFFF  }
0x141: {  	p0 =	sne.s32 s0, $0x0;
	s0 =	rddreg [dreg:$0x2]  }
0x142: {  	s0 =	sadd.s32 @!p0 $0x100000, s0  }
0x143: {  	[sflag:s0] =	ssyncadd.tile.s32 @!p0 $0x1;
	_ =	shalt  }
.Lfunc_end2:
_tile_overlayer_lowered:
.L_overlay_start_2:
0x144: {  	(tag) =	ssettag $0x2  }
0x145: {  	s0 =	rddreg [dreg:$0x0];
	s2 =	stileid.u32  }
0x146: {  	s1 =	rddreg [dreg:$0x1];
	p0 =	sne.s32 s2, $0x0  }
0x147: {  	s3 =	rddreg [dreg:$0x2];
	[bflag:$0x3] =	sbarrier.arrive $0xFFFF;
	s2 =	simm.s32 @!p0 $0x1C03  }
0x148: {  	[timem:s3], [sflag:s2] =	dma.local @!p0 [hbm:s0], s1  }
0x149: {  	s0 =	simm.s32 @!p0 $0x3  }
0x14a: {  	_ =	swait.ge @!p0 [sflag:s0], s1  }
0x14b: {  	s1 =	ssub.s32 @!p0 $0x0, s1;
	[sflag:s0] =	ssyncset.done @!p0 $0x0  }
0x14c: {  	[sflag:s0] =	ssyncadd.s32 @!p0 s1  }
0x14d: {  	[bflag:$0x3] =	sbarrier.arrive $0xFFFF  }
0x14e: {  	_ =	shalt  }

</sc_bundles>
